<compile_context>
chip_gen: v7x
topology: tpu7x:2x2x1
jax: 0.10.2.dev20260603
libtpu: 0.0.44.dev20260713+nightly
codegen_flags: <defaults>
</compile_context>

<pallas_src>
import jax
import jax.numpy as jnp
from jax import lax
from jax.experimental import pallas as pl
from jax.experimental.pallas import tpu as pltpu
from jax.experimental.pallas import tpu_sc as plsc

N_NODES = 10000
N_EDGES = 160000
D_FEAT = 256
DH = D_FEAT // 2

NC = 2
NS = 16
LANES = 16

CHUNK = 80
EDGES_PER_TILE = N_EDGES // NS
CHUNKS_PER_TILE = EDGES_PER_TILE // CHUNK
N_TRIPLES = (CHUNKS_PER_TILE - 2) // 3
DEPTH = 3
ROWS_A = 624
ROWS_LAST = N_NODES - 15 * ROWS_A


def _sc_propagate(x, edge1):
    mesh = plsc.VectorSubcoreMesh(
        core_axis_name="c", subcore_axis_name="s", num_cores=NC,
        num_subcores=NS)

    @pl.kernel(
        out_type=jax.ShapeDtypeStruct((N_NODES, D_FEAT), jnp.float32),
        mesh=mesh,
        scratch_types=[
            pltpu.VMEM_SHARED((N_NODES, DH), jnp.float32),
            pltpu.VMEM((EDGES_PER_TILE,), jnp.int32),
            pltpu.VMEM((DEPTH, CHUNK), jnp.int32),
            pltpu.VMEM((DEPTH, CHUNK, DH), jnp.float32),
            [pltpu.SemaphoreType.DMA] * DEPTH,
            [pltpu.SemaphoreType.DMA] * DEPTH,
            [pltpu.SemaphoreType.DMA] * DEPTH,
        ],
    )
    def k(x_hbm, edge_hbm, out_hbm,
          accum, gidx, didx, rows, gsem, ssem, dsem):
        c = lax.axis_index("c")
        s = lax.axis_index("s")
        col = pl.multiple_of(c * DH, 128)
        xcol = x_hbm.at[:, pl.ds(col, DH)]

        e0 = pl.multiple_of(s * EDGES_PER_TILE, 8)

        def gslice(i):
            return gidx.at[pl.ds(pl.multiple_of(i * CHUNK, 8), CHUNK)]

        def dslice(i):
            return edge_hbm.at[
                pl.ds(pl.multiple_of(N_EDGES + e0 + i * CHUNK, 8), CHUNK)]

        def fire_didx(i, b):
            pltpu.async_copy(dslice(i), didx.at[b], dsem[b])

        def fire_gather(i, b):
            pltpu.async_copy(xcol.at[gslice(i)], rows.at[b], gsem[b])

        pltpu.sync_copy(edge_hbm.at[pl.ds(e0, EDGES_PER_TILE)], gidx)
        fire_didx(0, 0)
        fire_didx(1, 1)
        fire_gather(0, 0)
        fire_gather(1, 1)

        zvec = jnp.zeros((LANES,), jnp.float32)

        def zrow(r, carry):
            for j in range(DH // LANES):
                rows[2, r, pl.ds(j * LANES, LANES)] = zvec
            return carry

        lax.fori_loop(0, CHUNK, zrow, 0)

        r0 = pl.multiple_of(s * ROWS_A, 8)

        @pl.when(s < NS - 1)
        def _():
            for kk in range(ROWS_A // CHUNK):
                pltpu.sync_copy(rows.at[2],
                                accum.at[pl.ds(r0 + kk * CHUNK, CHUNK)])
            rem = ROWS_A - (ROWS_A // CHUNK) * CHUNK
            pltpu.sync_copy(
                rows.at[2].at[pl.ds(0, rem)],
                accum.at[pl.ds(r0 + ROWS_A - rem, rem)])

        @pl.when(s == NS - 1)
        def _():
            for kk in range(ROWS_LAST // CHUNK):
                pltpu.sync_copy(
                    rows.at[2],
                    accum.at[pl.ds(15 * ROWS_A + kk * CHUNK, CHUNK)])

        plsc.subcore_barrier()

        def wait_didx(i, b):
            pltpu.make_async_copy(dslice(i), didx.at[b], dsem[b]).wait()

        def wait_gather(i, b):
            pltpu.make_async_copy(
                xcol.at[gslice(i)], rows.at[b], gsem[b]).wait()

        def fire_scatter(i, b):
            pltpu.async_copy(rows.at[b], accum.at[didx.at[b]], ssem[b],
                             add=True)

        def wait_scatter(i, b):
            pltpu.make_async_copy(
                rows.at[b], accum.at[didx.at[b]], ssem[b]).wait()

        def do_chunk(i, jj, first, fire_next):
            b = jj % DEPTH
            bm1 = (jj - 1) % DEPTH
            wait_didx(i, b)
            wait_gather(i, b)
            fire_scatter(i, b)
            if not first:
                wait_scatter(i - 1, bm1)
            if fire_next:
                fire_didx(i + 2, bm1)
                fire_gather(i + 2, bm1)

        def triple(i2, carry):
            i = 3 * i2

            @pl.when(i2 == 0)
            def _():
                do_chunk(0, 0, True, True)

            @pl.when(i2 > 0)
            def _():
                do_chunk(i, 0, False, True)

            do_chunk(i + 1, 1, False, True)
            do_chunk(i + 2, 2, False, True)
            return carry

        lax.fori_loop(0, N_TRIPLES, triple, 0)
        do_chunk(CHUNKS_PER_TILE - 2, 0, False, False)
        do_chunk(CHUNKS_PER_TILE - 1, 1, False, False)
        wait_scatter(CHUNKS_PER_TILE - 1, 1)

        plsc.subcore_barrier()

        @pl.when(s < NS - 1)
        def _():
            pltpu.sync_copy(accum.at[pl.ds(r0, ROWS_A)],
                            out_hbm.at[pl.ds(r0, ROWS_A), pl.ds(col, DH)])

        @pl.when(s == NS - 1)
        def _():
            pltpu.sync_copy(
                accum.at[pl.ds(15 * ROWS_A, ROWS_LAST)],
                out_hbm.at[pl.ds(15 * ROWS_A, ROWS_LAST), pl.ds(col, DH)])

    return k(x, edge1)


def kernel(x, edge_index):
    edge1 = edge_index.reshape(2 * N_EDGES)
    return _sc_propagate(x, edge1)

# --- scband reference (transcript-rebuilt; emitter-appended) ---
"""Pipeline reference for scband-message-passing-12197707121361 (READ-ONLY COPY).

The authoritative reference and input builder live on the scoring server;
editing this copy changes nothing except your own understanding.
"""

import jax, jax.numpy as jnp
import numpy as np

N_NODES = 10000
N_EDGES = 160000
D_FEAT = 256


def setup_inputs(seed: int = 0) -> dict:
    key = jax.random.key(seed)
    k1, k2 = jax.random.split(key)
    x = jax.random.normal(k1, (N_NODES, D_FEAT), dtype=jnp.float32)
    edge_index = jax.random.randint(k2, (2, N_EDGES), 0, N_NODES, dtype=jnp.int32)
    return {"x": x, "edge_index": edge_index}


def reference(x, edge_index):
    # MessagePassing.propagate with adj_format='edge_index', mp_format='sparse',
    # flow='source_to_target', aggr='add', node_dim=0.
    # message: identity on x_j (gather of source-node features along edges)
    # aggregate: scatter-add of messages into destination nodes
    # update: identity
    src = edge_index[0]  # _j (source) under source_to_target flow
    dst = edge_index[1]  # _i (target) -> aggregation index
    msgs = jnp.take(x, src, axis=0)                      # [E, D] gather (message)
    out = jax.ops.segment_sum(msgs, dst, num_segments=N_NODES)  # [N, D] scatter-add (aggregate)
    return out  # update is identity

if __name__ == "__main__":
    import jax
    _d = setup_inputs()
    print(jax.jit(kernel)(*tuple(_d.values())))

</pallas_src>

<mosaic_0001>
#map = affine_map<(d0, d1) -> (0, 0)>
#map1 = affine_map<(d0, d1) -> (0)>
module attributes {stable_mosaic.version = 14 : i64} {
  func.func @k(%arg0: i32, %arg1: i32, %arg2: memref<10000x256xf32, #tpu.memory_space<hbm>>, %arg3: memref<320000xi32, #tpu.memory_space<hbm>>, %arg4: memref<10000x256xf32, #tpu.memory_space<hbm>>, %arg5: memref<10000x128xf32, #tpu.memory_space<vmem_shared>>, %arg6: memref<10000xi32, #tpu.memory_space<vmem>>, %arg7: memref<3x80xi32, #tpu.memory_space<vmem>>, %arg8: memref<3x80x128xf32, #tpu.memory_space<vmem>>, %arg9: memref<!tpu.dma_semaphore, #tpu.memory_space<semaphore_mem>>, %arg10: memref<!tpu.dma_semaphore, #tpu.memory_space<semaphore_mem>>, %arg11: memref<!tpu.dma_semaphore, #tpu.memory_space<semaphore_mem>>, %arg12: memref<!tpu.dma_semaphore, #tpu.memory_space<semaphore_mem>>, %arg13: memref<!tpu.dma_semaphore, #tpu.memory_space<semaphore_mem>>, %arg14: memref<!tpu.dma_semaphore, #tpu.memory_space<semaphore_mem>>, %arg15: memref<!tpu.dma_semaphore, #tpu.memory_space<semaphore_mem>>, %arg16: memref<!tpu.dma_semaphore, #tpu.memory_space<semaphore_mem>>, %arg17: memref<!tpu.dma_semaphore, #tpu.memory_space<semaphore_mem>>) attributes {dimension_semantics = [#tpu.dimension_semantics<core_parallel>, #tpu.dimension_semantics<subcore_parallel>], iteration_bounds = array<i64: 2, 16>, scalar_prefetch = 0 : i64, scratch_operands = 13 : i64, tpu.core_type = #tpu.core_type<sc_vector_subcore>, window_params = [{transform_indices = #map}, {transform_indices = #map1}, {transform_indices = #map}]} {
    %mul3A = arith.constant 128 : i32
    %mul3A_0 = arith.muli %arg0, %mul3A : i32
    %multiple_of3A = tpu.assume_multiple %mul3A_0, 128 : i32
    %mul3A_1 = arith.constant 10000 : i32
    %mul3A_2 = arith.muli %arg1, %mul3A_1 : i32
    %multiple_of3A_3 = tpu.assume_multiple %mul3A_2, 8 : i32
    "tpu.region"() ({
      %run_scoped3A = tpu.sem_alloc : memref<!tpu.dma_semaphore, #tpu.memory_space<semaphore_mem>>
      %dma_start3A_201 = tpu.memref_slice %arg3[%multiple_of3A_3] : memref<320000xi32, #tpu.memory_space<hbm>> -> memref<10000xi32, #tpu.memory_space<hbm>>
      %dma_start3A_202 = tpu.memref_slice %arg3[%multiple_of3A_3] : memref<320000xi32, #tpu.memory_space<hbm>> -> memref<10000xi32, #tpu.memory_space<hbm>>
      tpu.enqueue_dma source(%dma_start3A_202 : memref<10000xi32, #tpu.memory_space<hbm>>) target(%arg6 : memref<10000xi32, #tpu.memory_space<vmem>>) target_semaphore(%run_scoped3A : memref<!tpu.dma_semaphore, #tpu.memory_space<semaphore_mem>>)
      %dma_wait3A_203 = tpu.memref_slice %arg3[%multiple_of3A_3] : memref<320000xi32, #tpu.memory_space<hbm>> -> memref<10000xi32, #tpu.memory_space<hbm>>
      %dma_wait3A_204 = tpu.memref_slice %arg3[%multiple_of3A_3] : memref<320000xi32, #tpu.memory_space<hbm>> -> memref<10000xi32, #tpu.memory_space<hbm>>
      tpu.wait_dma2 semaphore(%run_scoped3A : memref<!tpu.dma_semaphore, #tpu.memory_space<semaphore_mem>>) src(%dma_wait3A_204 : memref<10000xi32, #tpu.memory_space<hbm>>) dst(%arg6 : memref<10000xi32, #tpu.memory_space<vmem>>)
      tpu.yield
    }) : () -> ()
    %add3A = arith.constant 160000 : i32
    %add3A_4 = arith.addi %add3A, %multiple_of3A_3 : i32
    %add3A_5 = arith.constant 0 : i32
    %add3A_6 = arith.addi %add3A_4, %add3A_5 : i32
    %multiple_of3A_7 = tpu.assume_multiple %add3A_6, 8 : i32
    %dma_start3A = arith.constant 0 : i32
    %dma_start3A_8 = arith.constant 0 : i32
    %dma_start3A_9 = tpu.memref_slice %arg7[%dma_start3A, %dma_start3A_8] : memref<3x80xi32, #tpu.memory_space<vmem>> -> memref<1x80xi32, #tpu.memory_space<vmem>>
    %dma_start3A_10 = tpu.memref_squeeze %dma_start3A_9 : memref<1x80xi32, #tpu.memory_space<vmem>> -> memref<80xi32, #tpu.memory_space<vmem>>
    %dma_start3A_11 = tpu.memref_slice %arg3[%multiple_of3A_7] : memref<320000xi32, #tpu.memory_space<hbm>> -> memref<80xi32, #tpu.memory_space<hbm>>
    %dma_start3A_12 = arith.constant 0 : i32
    %dma_start3A_13 = tpu.memref_slice %arg7[%dma_start3A, %dma_start3A_12] : memref<3x80xi32, #tpu.memory_space<vmem>> -> memref<1x80xi32, #tpu.memory_space<vmem>>
    %dma_start3A_14 = tpu.memref_squeeze %dma_start3A_13 : memref<1x80xi32, #tpu.memory_space<vmem>> -> memref<80xi32, #tpu.memory_space<vmem>>
    %dma_start3A_15 = tpu.memref_slice %arg3[%multiple_of3A_7] : memref<320000xi32, #tpu.memory_space<hbm>> -> memref<80xi32, #tpu.memory_space<hbm>>
    tpu.enqueue_dma source(%dma_start3A_15 : memref<80xi32, #tpu.memory_space<hbm>>) target(%dma_start3A_14 : memref<80xi32, #tpu.memory_space<vmem>>) target_semaphore(%arg15 : memref<!tpu.dma_semaphore, #tpu.memory_space<semaphore_mem>>)
    %add3A_16 = arith.constant 160000 : i32
    %add3A_17 = arith.addi %add3A_16, %multiple_of3A_3 : i32
    %add3A_18 = arith.constant 80 : i32
    %add3A_19 = arith.addi %add3A_17, %add3A_18 : i32
    %multiple_of3A_20 = tpu.assume_multiple %add3A_19, 8 : i32
    %dma_start3A_21 = arith.constant 1 : i32
    %dma_start3A_22 = arith.constant 0 : i32
    %dma_start3A_23 = tpu.memref_slice %arg7[%dma_start3A_21, %dma_start3A_22] : memref<3x80xi32, #tpu.memory_space<vmem>> -> memref<1x80xi32, #tpu.memory_space<vmem>>
    %dma_start3A_24 = tpu.memref_squeeze %dma_start3A_23 : memref<1x80xi32, #tpu.memory_space<vmem>> -> memref<80xi32, #tpu.memory_space<vmem>>
    %dma_start3A_25 = tpu.memref_slice %arg3[%multiple_of3A_20] : memref<320000xi32, #tpu.memory_space<hbm>> -> memref<80xi32, #tpu.memory_space<hbm>>
    %dma_start3A_26 = arith.constant 0 : i32
    %dma_start3A_27 = tpu.memref_slice %arg7[%dma_start3A_21, %dma_start3A_26] : memref<3x80xi32, #tpu.memory_space<vmem>> -> memref<1x80xi32, #tpu.memory_space<vmem>>
    %dma_start3A_28 = tpu.memref_squeeze %dma_start3A_27 : memref<1x80xi32, #tpu.memory_space<vmem>> -> memref<80xi32, #tpu.memory_space<vmem>>
    %dma_start3A_29 = tpu.memref_slice %arg3[%multiple_of3A_20] : memref<320000xi32, #tpu.memory_space<hbm>> -> memref<80xi32, #tpu.memory_space<hbm>>
    tpu.enqueue_dma source(%dma_start3A_29 : memref<80xi32, #tpu.memory_space<hbm>>) target(%dma_start3A_28 : memref<80xi32, #tpu.memory_space<vmem>>) target_semaphore(%arg16 : memref<!tpu.dma_semaphore, #tpu.memory_space<semaphore_mem>>)
    %multiple_of3A_30 = arith.constant 0 : i32
    %multiple_of3A_31 = tpu.assume_multiple %multiple_of3A_30, 8 : i32
    %dma_start3A_32 = arith.constant 0 : i32
    %dma_start3A_33 = arith.constant 0 : i32
    %dma_start3A_34 = arith.constant 0 : i32
    %dma_start3A_35 = tpu.memref_slice %arg8[%dma_start3A_32, %dma_start3A_33, %dma_start3A_34] : memref<3x80x128xf32, #tpu.memory_space<vmem>> -> memref<1x80x128xf32, #tpu.memory_space<vmem>>
    %dma_start3A_36 = tpu.memref_squeeze %dma_start3A_35 : memref<1x80x128xf32, #tpu.memory_space<vmem>> -> memref<80x128xf32, #tpu.memory_space<vmem>>
    %dma_start3A_37 = tpu.memref_slice %arg6[%multiple_of3A_31] : memref<10000xi32, #tpu.memory_space<vmem>> -> memref<80xi32, #tpu.memory_space<vmem>>
    %dma_start3A_38 = arith.constant 0 : i32
    %dma_start3A_39 = tpu.memref_slice %arg2[%dma_start3A_38, %multiple_of3A] : memref<10000x256xf32, #tpu.memory_space<hbm>> -> memref<10000x128xf32, #tpu.memory_space<hbm>>
    %dma_start3A_40 = arith.constant 0 : i32
    %dma_start3A_41 = arith.constant 0 : i32
    %dma_start3A_42 = tpu.memref_slice %dma_start3A_39[%dma_start3A_40, %dma_start3A_41] : memref<10000x128xf32, #tpu.memory_space<hbm>> -> memref<10000x128xf32, #tpu.memory_space<hbm>>
    tpu.enqueue_indirect_dma source(%dma_start3A_42 : memref<10000x128xf32, #tpu.memory_space<hbm>>) target(%dma_start3A_36 : memref<80x128xf32, #tpu.memory_space<vmem>>) offsets(%dma_start3A_37 : memref<80xi32, #tpu.memory_space<vmem>>) semaphore(%arg9 : memref<!tpu.dma_semaphore, #tpu.memory_space<semaphore_mem>>)
    %multiple_of3A_43 = arith.constant 80 : i32
    %multiple_of3A_44 = tpu.assume_multiple %multiple_of3A_43, 8 : i32
    %dma_start3A_45 = arith.constant 1 : i32
    %dma_start3A_46 = arith.constant 0 : i32
    %dma_start3A_47 = arith.constant 0 : i32
    %dma_start3A_48 = tpu.memref_slice %arg8[%dma_start3A_45, %dma_start3A_46, %dma_start3A_47] : memref<3x80x128xf32, #tpu.memory_space<vmem>> -> memref<1x80x128xf32, #tpu.memory_space<vmem>>
    %dma_start3A_49 = tpu.memref_squeeze %dma_start3A_48 : memref<1x80x128xf32, #tpu.memory_space<vmem>> -> memref<80x128xf32, #tpu.memory_space<vmem>>
    %dma_start3A_50 = tpu.memref_slice %arg6[%multiple_of3A_44] : memref<10000xi32, #tpu.memory_space<vmem>> -> memref<80xi32, #tpu.memory_space<vmem>>
    %dma_start3A_51 = arith.constant 0 : i32
    %dma_start3A_52 = tpu.memref_slice %arg2[%dma_start3A_51, %multiple_of3A] : memref<10000x256xf32, #tpu.memory_space<hbm>> -> memref<10000x128xf32, #tpu.memory_space<hbm>>
    %dma_start3A_53 = arith.constant 0 : i32
    %dma_start3A_54 = arith.constant 0 : i32
    %dma_start3A_55 = tpu.memref_slice %dma_start3A_52[%dma_start3A_53, %dma_start3A_54] : memref<10000x128xf32, #tpu.memory_space<hbm>> -> memref<10000x128xf32, #tpu.memory_space<hbm>>
    tpu.enqueue_indirect_dma source(%dma_start3A_55 : memref<10000x128xf32, #tpu.memory_space<hbm>>) target(%dma_start3A_49 : memref<80x128xf32, #tpu.memory_space<vmem>>) offsets(%dma_start3A_50 : memref<80xi32, #tpu.memory_space<vmem>>) semaphore(%arg10 : memref<!tpu.dma_semaphore, #tpu.memory_space<semaphore_mem>>)
    %broadcast_in_dim3A = arith.constant 0.000000e+00 : f32
    %broadcast_in_dim3A_56 = vector.broadcast %broadcast_in_dim3A : f32 to vector<16xf32>
    %scan3A = arith.constant 0 : i32
    %scan3A_57 = arith.constant 0 : i32
    %scan3A_58 = arith.constant 80 : i32
    %scan3A_59 = arith.addi %scan3A_57, %scan3A_58 : i32
    %scan3A_60 = arith.constant 1 : i32
    scf.for %scan3A_201 = %scan3A_57 to %scan3A_59 step %scan3A_60  : i32 {
      %swap3A = arith.constant 2 : i32
      %swap3A_202 = arith.index_cast %swap3A : i32 to index
      %swap3A_203 = arith.index_cast %scan3A_201 : i32 to index
      %swap3A_204 = arith.constant 0 : index
      %swap3A_205 = tpu.vector_load %arg8[%swap3A_202, %swap3A_203, %swap3A_204] {strides = array<i32>} : memref<3x80x128xf32, #tpu.memory_space<vmem>>, vector<1x1x16xf32>,
      %swap3A_206 = vector.shape_cast %swap3A_205 : vector<1x1x16xf32> to vector<16xf32>
      %swap3A_207 = vector.shape_cast %broadcast_in_dim3A_56 : vector<16xf32> to vector<1x1x16xf32>
      tpu.vector_store %arg8[%swap3A_202, %swap3A_203, %swap3A_204], %swap3A_207 {strides = array<i32>} : memref<3x80x128xf32, #tpu.memory_space<vmem>>, vector<1x1x16xf32>,
      %swap3A_208 = arith.constant 2 : i32
      %swap3A_209 = arith.index_cast %swap3A_208 : i32 to index
      %swap3A_210 = arith.index_cast %scan3A_201 : i32 to index
      %swap3A_211 = arith.constant 16 : index
      %swap3A_212 = tpu.vector_load %arg8[%swap3A_209, %swap3A_210, %swap3A_211] {strides = array<i32>} : memref<3x80x128xf32, #tpu.memory_space<vmem>>, vector<1x1x16xf32>,
      %swap3A_213 = vector.shape_cast %swap3A_212 : vector<1x1x16xf32> to vector<16xf32>
      %swap3A_214 = vector.shape_cast %broadcast_in_dim3A_56 : vector<16xf32> to vector<1x1x16xf32>
      tpu.vector_store %arg8[%swap3A_209, %swap3A_210, %swap3A_211], %swap3A_214 {strides = array<i32>} : memref<3x80x128xf32, #tpu.memory_space<vmem>>, vector<1x1x16xf32>,
      %swap3A_215 = arith.constant 2 : i32
      %swap3A_216 = arith.index_cast %swap3A_215 : i32 to index
      %swap3A_217 = arith.index_cast %scan3A_201 : i32 to index
      %swap3A_218 = arith.constant 32 : index
      %swap3A_219 = tpu.vector_load %arg8[%swap3A_216, %swap3A_217, %swap3A_218] {strides = array<i32>} : memref<3x80x128xf32, #tpu.memory_space<vmem>>, vector<1x1x16xf32>,
      %swap3A_220 = vector.shape_cast %swap3A_219 : vector<1x1x16xf32> to vector<16xf32>
      %swap3A_221 = vector.shape_cast %broadcast_in_dim3A_56 : vector<16xf32> to vector<1x1x16xf32>
      tpu.vector_store %arg8[%swap3A_216, %swap3A_217, %swap3A_218], %swap3A_221 {strides = array<i32>} : memref<3x80x128xf32, #tpu.memory_space<vmem>>, vector<1x1x16xf32>,
      %swap3A_222 = arith.constant 2 : i32
      %swap3A_223 = arith.index_cast %swap3A_222 : i32 to index
      %swap3A_224 = arith.index_cast %scan3A_201 : i32 to index
      %swap3A_225 = arith.constant 48 : index
      %swap3A_226 = tpu.vector_load %arg8[%swap3A_223, %swap3A_224, %swap3A_225] {strides = array<i32>} : memref<3x80x128xf32, #tpu.memory_space<vmem>>, vector<1x1x16xf32>,
      %swap3A_227 = vector.shape_cast %swap3A_226 : vector<1x1x16xf32> to vector<16xf32>
      %swap3A_228 = vector.shape_cast %broadcast_in_dim3A_56 : vector<16xf32> to vector<1x1x16xf32>
      tpu.vector_store %arg8[%swap3A_223, %swap3A_224, %swap3A_225], %swap3A_228 {strides = array<i32>} : memref<3x80x128xf32, #tpu.memory_space<vmem>>, vector<1x1x16xf32>,
      %swap3A_229 = arith.constant 2 : i32
      %swap3A_230 = arith.index_cast %swap3A_229 : i32 to index
      %swap3A_231 = arith.index_cast %scan3A_201 : i32 to index
      %swap3A_232 = arith.constant 64 : index
      %swap3A_233 = tpu.vector_load %arg8[%swap3A_230, %swap3A_231, %swap3A_232] {strides = array<i32>} : memref<3x80x128xf32, #tpu.memory_space<vmem>>, vector<1x1x16xf32>,
      %swap3A_234 = vector.shape_cast %swap3A_233 : vector<1x1x16xf32> to vector<16xf32>
      %swap3A_235 = vector.shape_cast %broadcast_in_dim3A_56 : vector<16xf32> to vector<1x1x16xf32>
      tpu.vector_store %arg8[%swap3A_230, %swap3A_231, %swap3A_232], %swap3A_235 {strides = array<i32>} : memref<3x80x128xf32, #tpu.memory_space<vmem>>, vector<1x1x16xf32>,
      %swap3A_236 = arith.constant 2 : i32
      %swap3A_237 = arith.index_cast %swap3A_236 : i32 to index
      %swap3A_238 = arith.index_cast %scan3A_201 : i32 to index
      %swap3A_239 = arith.constant 80 : index
      %swap3A_240 = tpu.vector_load %arg8[%swap3A_237, %swap3A_238, %swap3A_239] {strides = array<i32>} : memref<3x80x128xf32, #tpu.memory_space<vmem>>, vector<1x1x16xf32>,
      %swap3A_241 = vector.shape_cast %swap3A_240 : vector<1x1x16xf32> to vector<16xf32>
      %swap3A_242 = vector.shape_cast %broadcast_in_dim3A_56 : vector<16xf32> to vector<1x1x16xf32>
      tpu.vector_store %arg8[%swap3A_237, %swap3A_238, %swap3A_239], %swap3A_242 {strides = array<i32>} : memref<3x80x128xf32, #tpu.memory_space<vmem>>, vector<1x1x16xf32>,
      %swap3A_243 = arith.constant 2 : i32
      %swap3A_244 = arith.index_cast %swap3A_243 : i32 to index
      %swap3A_245 = arith.index_cast %scan3A_201 : i32 to index
      %swap3A_246 = arith.constant 96 : index
      %swap3A_247 = tpu.vector_load %arg8[%swap3A_244, %swap3A_245, %swap3A_246] {strides = array<i32>} : memref<3x80x128xf32, #tpu.memory_space<vmem>>, vector<1x1x16xf32>,
      %swap3A_248 = vector.shape_cast %swap3A_247 : vector<1x1x16xf32> to vector<16xf32>
      %swap3A_249 = vector.shape_cast %broadcast_in_dim3A_56 : vector<16xf32> to vector<1x1x16xf32>
      tpu.vector_store %arg8[%swap3A_244, %swap3A_245, %swap3A_246], %swap3A_249 {strides = array<i32>} : memref<3x80x128xf32, #tpu.memory_space<vmem>>, vector<1x1x16xf32>,
      %swap3A_250 = arith.constant 2 : i32
      %swap3A_251 = arith.index_cast %swap3A_250 : i32 to index
      %swap3A_252 = arith.index_cast %scan3A_201 : i32 to index
      %swap3A_253 = arith.constant 112 : index
      %swap3A_254 = tpu.vector_load %arg8[%swap3A_251, %swap3A_252, %swap3A_253] {strides = array<i32>} : memref<3x80x128xf32, #tpu.memory_space<vmem>>, vector<1x1x16xf32>,
      %swap3A_255 = vector.shape_cast %swap3A_254 : vector<1x1x16xf32> to vector<16xf32>
      %swap3A_256 = vector.shape_cast %broadcast_in_dim3A_56 : vector<16xf32> to vector<1x1x16xf32>
      tpu.vector_store %arg8[%swap3A_251, %swap3A_252, %swap3A_253], %swap3A_256 {strides = array<i32>} : memref<3x80x128xf32, #tpu.memory_space<vmem>>, vector<1x1x16xf32>,
    }
    %scan3A_61 = arith.constant 80 : i32
    %mul3A_62 = arith.constant 624 : i32
    %mul3A_63 = arith.muli %arg1, %mul3A_62 : i32
    %multiple_of3A_64 = tpu.assume_multiple %mul3A_63, 8 : i32
    %lt3A = arith.constant 15 : i32
    %lt3A_65 = arith.cmpi slt, %arg1, %lt3A : i32
    %convert_element_type3A = arith.extui %lt3A_65 : i1 to i32
    %cond3A = arith.constant 0 : i32
    %cond3A_66 = arith.cmpi ne, %convert_element_type3A, %cond3A : i32
    scf.if %cond3A_66 {
      %add3A_201 = arith.constant 0 : i32
      %add3A_202 = arith.addi %multiple_of3A_64, %add3A_201 : i32
      %run_scoped3A = arith.constant 2 : i32
      "tpu.region"() ({
        %run_scoped3A_225 = tpu.sem_alloc : memref<!tpu.dma_semaphore, #tpu.memory_space<semaphore_mem>>
        %dma_start3A_226 = arith.constant 0 : i32
        %dma_start3A_227 = arith.constant 0 : i32
        %dma_start3A_228 = tpu.memref_slice %arg8[%run_scoped3A, %dma_start3A_226, %dma_start3A_227] : memref<3x80x128xf32, #tpu.memory_space<vmem>> -> memref<1x80x128xf32, #tpu.memory_space<vmem>>
        %dma_start3A_229 = tpu.memref_squeeze %dma_start3A_228 : memref<1x80x128xf32, #tpu.memory_space<vmem>> -> memref<80x128xf32, #tpu.memory_space<vmem>>
        %dma_start3A_230 = arith.constant 0 : i32
        %dma_start3A_231 = tpu.memref_slice %arg5[%add3A_202, %dma_start3A_230] : memref<10000x128xf32, #tpu.memory_space<vmem_shared>> -> memref<80x128xf32, #tpu.memory_space<vmem_shared>>
        %dma_start3A_232 = arith.constant 0 : i32
        %dma_start3A_233 = tpu.memref_slice %arg5[%add3A_202, %dma_start3A_232] : memref<10000x128xf32, #tpu.memory_space<vmem_shared>> -> memref<80x128xf32, #tpu.memory_space<vmem_shared>>
        %dma_start3A_234 = arith.constant 0 : i32
        %dma_start3A_235 = arith.constant 0 : i32
        %dma_start3A_236 = tpu.memref_slice %arg8[%run_scoped3A, %dma_start3A_234, %dma_start3A_235] : memref<3x80x128xf32, #tpu.memory_space<vmem>> -> memref<1x80x128xf32, #tpu.memory_space<vmem>>
        %dma_start3A_237 = tpu.memref_squeeze %dma_start3A_236 : memref<1x80x128xf32, #tpu.memory_space<vmem>> -> memref<80x128xf32, #tpu.memory_space<vmem>>
        tpu.enqueue_dma source(%dma_start3A_237 : memref<80x128xf32, #tpu.memory_space<vmem>>) target(%dma_start3A_233 : memref<80x128xf32, #tpu.memory_space<vmem_shared>>) target_semaphore(%run_scoped3A_225 : memref<!tpu.dma_semaphore, #tpu.memory_space<semaphore_mem>>)
        %dma_wait3A_238 = arith.constant 0 : i32
        %dma_wait3A_239 = arith.constant 0 : i32
        %dma_wait3A_240 = tpu.memref_slice %arg8[%run_scoped3A, %dma_wait3A_238, %dma_wait3A_239] : memref<3x80x128xf32, #tpu.memory_space<vmem>> -> memref<1x80x128xf32, #tpu.memory_space<vmem>>
        %dma_wait3A_241 = tpu.memref_squeeze %dma_wait3A_240 : memref<1x80x128xf32, #tpu.memory_space<vmem>> -> memref<80x128xf32, #tpu.memory_space<vmem>>
        %dma_wait3A_242 = arith.constant 0 : i32
        %dma_wait3A_243 = tpu.memref_slice %arg5[%add3A_202, %dma_wait3A_242] : memref<10000x128xf32, #tpu.memory_space<vmem_shared>> -> memref<80x128xf32, #tpu.memory_space<vmem_shared>>
        %dma_wait3A_244 = arith.constant 0 : i32
        %dma_wait3A_245 = tpu.memref_slice %arg5[%add3A_202, %dma_wait3A_244] : memref<10000x128xf32, #tpu.memory_space<vmem_shared>> -> memref<80x128xf32, #tpu.memory_space<vmem_shared>>
        %dma_wait3A_246 = arith.constant 0 : i32
        %dma_wait3A_247 = arith.constant 0 : i32
        %dma_wait3A_248 = tpu.memref_slice %arg8[%run_scoped3A, %dma_wait3A_246, %dma_wait3A_247] : memref<3x80x128xf32, #tpu.memory_space<vmem>> -> memref<1x80x128xf32, #tpu.memory_space<vmem>>
        %dma_wait3A_249 = tpu.memref_squeeze %dma_wait3A_248 : memref<1x80x128xf32, #tpu.memory_space<vmem>> -> memref<80x128xf32, #tpu.memory_space<vmem>>
        tpu.wait_dma2 semaphore(%run_scoped3A_225 : memref<!tpu.dma_semaphore, #tpu.memory_space<semaphore_mem>>) src(%dma_wait3A_249 : memref<80x128xf32, #tpu.memory_space<vmem>>) dst(%dma_wait3A_245 : memref<80x128xf32, #tpu.memory_space<vmem_shared>>)
        tpu.yield
      }) : () -> ()
      %add3A_203 = arith.constant 80 : i32
      %add3A_204 = arith.addi %multiple_of3A_64, %add3A_203 : i32
      %run_scoped3A_205 = arith.constant 2 : i32
      "tpu.region"() ({
        %run_scoped3A_225 = tpu.sem_alloc : memref<!tpu.dma_semaphore, #tpu.memory_space<semaphore_mem>>
        %dma_start3A_226 = arith.constant 0 : i32
        %dma_start3A_227 = arith.constant 0 : i32
        %dma_start3A_228 = tpu.memref_slice %arg8[%run_scoped3A_205, %dma_start3A_226, %dma_start3A_227] : memref<3x80x128xf32, #tpu.memory_space<vmem>> -> memref<1x80x128xf32, #tpu.memory_space<vmem>>
        %dma_start3A_229 = tpu.memref_squeeze %dma_start3A_228 : memref<1x80x128xf32, #tpu.memory_space<vmem>> -> memref<80x128xf32, #tpu.memory_space<vmem>>
        %dma_start3A_230 = arith.constant 0 : i32
        %dma_start3A_231 = tpu.memref_slice %arg5[%add3A_204, %dma_start3A_230] : memref<10000x128xf32, #tpu.memory_space<vmem_shared>> -> memref<80x128xf32, #tpu.memory_space<vmem_shared>>
        %dma_start3A_232 = arith.constant 0 : i32
        %dma_start3A_233 = tpu.memref_slice %arg5[%add3A_204, %dma_start3A_232] : memref<10000x128xf32, #tpu.memory_space<vmem_shared>> -> memref<80x128xf32, #tpu.memory_space<vmem_shared>>
        %dma_start3A_234 = arith.constant 0 : i32
        %dma_start3A_235 = arith.constant 0 : i32
        %dma_start3A_236 = tpu.memref_slice %arg8[%run_scoped3A_205, %dma_start3A_234, %dma_start3A_235] : memref<3x80x128xf32, #tpu.memory_space<vmem>> -> memref<1x80x128xf32, #tpu.memory_space<vmem>>
        %dma_start3A_237 = tpu.memref_squeeze %dma_start3A_236 : memref<1x80x128xf32, #tpu.memory_space<vmem>> -> memref<80x128xf32, #tpu.memory_space<vmem>>
        tpu.enqueue_dma source(%dma_start3A_237 : memref<80x128xf32, #tpu.memory_space<vmem>>) target(%dma_start3A_233 : memref<80x128xf32, #tpu.memory_space<vmem_shared>>) target_semaphore(%run_scoped3A_225 : memref<!tpu.dma_semaphore, #tpu.memory_space<semaphore_mem>>)
        %dma_wait3A_238 = arith.constant 0 : i32
        %dma_wait3A_239 = arith.constant 0 : i32
        %dma_wait3A_240 = tpu.memref_slice %arg8[%run_scoped3A_205, %dma_wait3A_238, %dma_wait3A_239] : memref<3x80x128xf32, #tpu.memory_space<vmem>> -> memref<1x80x128xf32, #tpu.memory_space<vmem>>
        %dma_wait3A_241 = tpu.memref_squeeze %dma_wait3A_240 : memref<1x80x128xf32, #tpu.memory_space<vmem>> -> memref<80x128xf32, #tpu.memory_space<vmem>>
        %dma_wait3A_242 = arith.constant 0 : i32
        %dma_wait3A_243 = tpu.memref_slice %arg5[%add3A_204, %dma_wait3A_242] : memref<10000x128xf32, #tpu.memory_space<vmem_shared>> -> memref<80x128xf32, #tpu.memory_space<vmem_shared>>
        %dma_wait3A_244 = arith.constant 0 : i32
        %dma_wait3A_245 = tpu.memref_slice %arg5[%add3A_204, %dma_wait3A_244] : memref<10000x128xf32, #tpu.memory_space<vmem_shared>> -> memref<80x128xf32, #tpu.memory_space<vmem_shared>>
        %dma_wait3A_246 = arith.constant 0 : i32
        %dma_wait3A_247 = arith.constant 0 : i32
        %dma_wait3A_248 = tpu.memref_slice %arg8[%run_scoped3A_205, %dma_wait3A_246, %dma_wait3A_247] : memref<3x80x128xf32, #tpu.memory_space<vmem>> -> memref<1x80x128xf32, #tpu.memory_space<vmem>>
        %dma_wait3A_249 = tpu.memref_squeeze %dma_wait3A_248 : memref<1x80x128xf32, #tpu.memory_space<vmem>> -> memref<80x128xf32, #tpu.memory_space<vmem>>
        tpu.wait_dma2 semaphore(%run_scoped3A_225 : memref<!tpu.dma_semaphore, #tpu.memory_space<semaphore_mem>>) src(%dma_wait3A_249 : memref<80x128xf32, #tpu.memory_space<vmem>>) dst(%dma_wait3A_245 : memref<80x128xf32, #tpu.memory_space<vmem_shared>>)
        tpu.yield
      }) : () -> ()
      %add3A_206 = arith.constant 160 : i32
      %add3A_207 = arith.addi %multiple_of3A_64, %add3A_206 : i32
      %run_scoped3A_208 = arith.constant 2 : i32
      "tpu.region"() ({
        %run_scoped3A_225 = tpu.sem_alloc : memref<!tpu.dma_semaphore, #tpu.memory_space<semaphore_mem>>
        %dma_start3A_226 = arith.constant 0 : i32
        %dma_start3A_227 = arith.constant 0 : i32
        %dma_start3A_228 = tpu.memref_slice %arg8[%run_scoped3A_208, %dma_start3A_226, %dma_start3A_227] : memref<3x80x128xf32, #tpu.memory_space<vmem>> -> memref<1x80x128xf32, #tpu.memory_space<vmem>>
        %dma_start3A_229 = tpu.memref_squeeze %dma_start3A_228 : memref<1x80x128xf32, #tpu.memory_space<vmem>> -> memref<80x128xf32, #tpu.memory_space<vmem>>
        %dma_start3A_230 = arith.constant 0 : i32
        %dma_start3A_231 = tpu.memref_slice %arg5[%add3A_207, %dma_start3A_230] : memref<10000x128xf32, #tpu.memory_space<vmem_shared>> -> memref<80x128xf32, #tpu.memory_space<vmem_shared>>
        %dma_start3A_232 = arith.constant 0 : i32
        %dma_start3A_233 = tpu.memref_slice %arg5[%add3A_207, %dma_start3A_232] : memref<10000x128xf32, #tpu.memory_space<vmem_shared>> -> memref<80x128xf32, #tpu.memory_space<vmem_shared>>
        %dma_start3A_234 = arith.constant 0 : i32
        %dma_start3A_235 = arith.constant 0 : i32
        %dma_start3A_236 = tpu.memref_slice %arg8[%run_scoped3A_208, %dma_start3A_234, %dma_start3A_235] : memref<3x80x128xf32, #tpu.memory_space<vmem>> -> memref<1x80x128xf32, #tpu.memory_space<vmem>>
        %dma_start3A_237 = tpu.memref_squeeze %dma_start3A_236 : memref<1x80x128xf32, #tpu.memory_space<vmem>> -> memref<80x128xf32, #tpu.memory_space<vmem>>
        tpu.enqueue_dma source(%dma_start3A_237 : memref<80x128xf32, #tpu.memory_space<vmem>>) target(%dma_start3A_233 : memref<80x128xf32, #tpu.memory_space<vmem_shared>>) target_semaphore(%run_scoped3A_225 : memref<!tpu.dma_semaphore, #tpu.memory_space<semaphore_mem>>)
        %dma_wait3A_238 = arith.constant 0 : i32
        %dma_wait3A_239 = arith.constant 0 : i32
        %dma_wait3A_240 = tpu.memref_slice %arg8[%run_scoped3A_208, %dma_wait3A_238, %dma_wait3A_239] : memref<3x80x128xf32, #tpu.memory_space<vmem>> -> memref<1x80x128xf32, #tpu.memory_space<vmem>>
        %dma_wait3A_241 = tpu.memref_squeeze %dma_wait3A_240 : memref<1x80x128xf32, #tpu.memory_space<vmem>> -> memref<80x128xf32, #tpu.memory_space<vmem>>
        %dma_wait3A_242 = arith.constant 0 : i32
        %dma_wait3A_243 = tpu.memref_slice %arg5[%add3A_207, %dma_wait3A_242] : memref<10000x128xf32, #tpu.memory_space<vmem_shared>> -> memref<80x128xf32, #tpu.memory_space<vmem_shared>>
        %dma_wait3A_244 = arith.constant 0 : i32
        %dma_wait3A_245 = tpu.memref_slice %arg5[%add3A_207, %dma_wait3A_244] : memref<10000x128xf32, #tpu.memory_space<vmem_shared>> -> memref<80x128xf32, #tpu.memory_space<vmem_shared>>
        %dma_wait3A_246 = arith.constant 0 : i32
        %dma_wait3A_247 = arith.constant 0 : i32
        %dma_wait3A_248 = tpu.memref_slice %arg8[%run_scoped3A_208, %dma_wait3A_246, %dma_wait3A_247] : memref<3x80x128xf32, #tpu.memory_space<vmem>> -> memref<1x80x128xf32, #tpu.memory_space<vmem>>
        %dma_wait3A_249 = tpu.memref_squeeze %dma_wait3A_248 : memref<1x80x128xf32, #tpu.memory_space<vmem>> -> memref<80x128xf32, #tpu.memory_space<vmem>>
        tpu.wait_dma2 semaphore(%run_scoped3A_225 : memref<!tpu.dma_semaphore, #tpu.memory_space<semaphore_mem>>) src(%dma_wait3A_249 : memref<80x128xf32, #tpu.memory_space<vmem>>) dst(%dma_wait3A_245 : memref<80x128xf32, #tpu.memory_space<vmem_shared>>)
        tpu.yield
      }) : () -> ()
      %add3A_209 = arith.constant 240 : i32
      %add3A_210 = arith.addi %multiple_of3A_64, %add3A_209 : i32
      %run_scoped3A_211 = arith.constant 2 : i32
      "tpu.region"() ({
        %run_scoped3A_225 = tpu.sem_alloc : memref<!tpu.dma_semaphore, #tpu.memory_space<semaphore_mem>>
        %dma_start3A_226 = arith.constant 0 : i32
        %dma_start3A_227 = arith.constant 0 : i32
        %dma_start3A_228 = tpu.memref_slice %arg8[%run_scoped3A_211, %dma_start3A_226, %dma_start3A_227] : memref<3x80x128xf32, #tpu.memory_space<vmem>> -> memref<1x80x128xf32, #tpu.memory_space<vmem>>
        %dma_start3A_229 = tpu.memref_squeeze %dma_start3A_228 : memref<1x80x128xf32, #tpu.memory_space<vmem>> -> memref<80x128xf32, #tpu.memory_space<vmem>>
        %dma_start3A_230 = arith.constant 0 : i32
        %dma_start3A_231 = tpu.memref_slice %arg5[%add3A_210, %dma_start3A_230] : memref<10000x128xf32, #tpu.memory_space<vmem_shared>> -> memref<80x128xf32, #tpu.memory_space<vmem_shared>>
        %dma_start3A_232 = arith.constant 0 : i32
        %dma_start3A_233 = tpu.memref_slice %arg5[%add3A_210, %dma_start3A_232] : memref<10000x128xf32, #tpu.memory_space<vmem_shared>> -> memref<80x128xf32, #tpu.memory_space<vmem_shared>>
        %dma_start3A_234 = arith.constant 0 : i32
        %dma_start3A_235 = arith.constant 0 : i32
        %dma_start3A_236 = tpu.memref_slice %arg8[%run_scoped3A_211, %dma_start3A_234, %dma_start3A_235] : memref<3x80x128xf32, #tpu.memory_space<vmem>> -> memref<1x80x128xf32, #tpu.memory_space<vmem>>
        %dma_start3A_237 = tpu.memref_squeeze %dma_start3A_236 : memref<1x80x128xf32, #tpu.memory_space<vmem>> -> memref<80x128xf32, #tpu.memory_space<vmem>>
        tpu.enqueue_dma source(%dma_start3A_237 : memref<80x128xf32, #tpu.memory_space<vmem>>) target(%dma_start3A_233 : memref<80x128xf32, #tpu.memory_space<vmem_shared>>) target_semaphore(%run_scoped3A_225 : memref<!tpu.dma_semaphore, #tpu.memory_space<semaphore_mem>>)
        %dma_wait3A_238 = arith.constant 0 : i32
        %dma_wait3A_239 = arith.constant 0 : i32
        %dma_wait3A_240 = tpu.memref_slice %arg8[%run_scoped3A_211, %dma_wait3A_238, %dma_wait3A_239] : memref<3x80x128xf32, #tpu.memory_space<vmem>> -> memref<1x80x128xf32, #tpu.memory_space<vmem>>
        %dma_wait3A_241 = tpu.memref_squeeze %dma_wait3A_240 : memref<1x80x128xf32, #tpu.memory_space<vmem>> -> memref<80x128xf32, #tpu.memory_space<vmem>>
        %dma_wait3A_242 = arith.constant 0 : i32
        %dma_wait3A_243 = tpu.memref_slice %arg5[%add3A_210, %dma_wait3A_242] : memref<10000x128xf32, #tpu.memory_space<vmem_shared>> -> memref<80x128xf32, #tpu.memory_space<vmem_shared>>
        %dma_wait3A_244 = arith.constant 0 : i32
        %dma_wait3A_245 = tpu.memref_slice %arg5[%add3A_210, %dma_wait3A_244] : memref<10000x128xf32, #tpu.memory_space<vmem_shared>> -> memref<80x128xf32, #tpu.memory_space<vmem_shared>>
        %dma_wait3A_246 = arith.constant 0 : i32
        %dma_wait3A_247 = arith.constant 0 : i32
        %dma_wait3A_248 = tpu.memref_slice %arg8[%run_scoped3A_211, %dma_wait3A_246, %dma_wait3A_247] : memref<3x80x128xf32, #tpu.memory_space<vmem>> -> memref<1x80x128xf32, #tpu.memory_space<vmem>>
        %dma_wait3A_249 = tpu.memref_squeeze %dma_wait3A_248 : memref<1x80x128xf32, #tpu.memory_space<vmem>> -> memref<80x128xf32, #tpu.memory_space<vmem>>
        tpu.wait_dma2 semaphore(%run_scoped3A_225 : memref<!tpu.dma_semaphore, #tpu.memory_space<semaphore_mem>>) src(%dma_wait3A_249 : memref<80x128xf32, #tpu.memory_space<vmem>>) dst(%dma_wait3A_245 : memref<80x128xf32, #tpu.memory_space<vmem_shared>>)
        tpu.yield
      }) : () -> ()
      %add3A_212 = arith.constant 320 : i32
      %add3A_213 = arith.addi %multiple_of3A_64, %add3A_212 : i32
      %run_scoped3A_214 = arith.constant 2 : i32
      "tpu.region"() ({
        %run_scoped3A_225 = tpu.sem_alloc : memref<!tpu.dma_semaphore, #tpu.memory_space<semaphore_mem>>
        %dma_start3A_226 = arith.constant 0 : i32
        %dma_start3A_227 = arith.constant 0 : i32
        %dma_start3A_228 = tpu.memref_slice %arg8[%run_scoped3A_214, %dma_start3A_226, %dma_start3A_227] : memref<3x80x128xf32, #tpu.memory_space<vmem>> -> memref<1x80x128xf32, #tpu.memory_space<vmem>>
        %dma_start3A_229 = tpu.memref_squeeze %dma_start3A_228 : memref<1x80x128xf32, #tpu.memory_space<vmem>> -> memref<80x128xf32, #tpu.memory_space<vmem>>
        %dma_start3A_230 = arith.constant 0 : i32
        %dma_start3A_231 = tpu.memref_slice %arg5[%add3A_213, %dma_start3A_230] : memref<10000x128xf32, #tpu.memory_space<vmem_shared>> -> memref<80x128xf32, #tpu.memory_space<vmem_shared>>
        %dma_start3A_232 = arith.constant 0 : i32
        %dma_start3A_233 = tpu.memref_slice %arg5[%add3A_213, %dma_start3A_232] : memref<10000x128xf32, #tpu.memory_space<vmem_shared>> -> memref<80x128xf32, #tpu.memory_space<vmem_shared>>
        %dma_start3A_234 = arith.constant 0 : i32
        %dma_start3A_235 = arith.constant 0 : i32
        %dma_start3A_236 = tpu.memref_slice %arg8[%run_scoped3A_214, %dma_start3A_234, %dma_start3A_235] : memref<3x80x128xf32, #tpu.memory_space<vmem>> -> memref<1x80x128xf32, #tpu.memory_space<vmem>>
        %dma_start3A_237 = tpu.memref_squeeze %dma_start3A_236 : memref<1x80x128xf32, #tpu.memory_space<vmem>> -> memref<80x128xf32, #tpu.memory_space<vmem>>
        tpu.enqueue_dma source(%dma_start3A_237 : memref<80x128xf32, #tpu.memory_space<vmem>>) target(%dma_start3A_233 : memref<80x128xf32, #tpu.memory_space<vmem_shared>>) target_semaphore(%run_scoped3A_225 : memref<!tpu.dma_semaphore, #tpu.memory_space<semaphore_mem>>)
        %dma_wait3A_238 = arith.constant 0 : i32
        %dma_wait3A_239 = arith.constant 0 : i32
        %dma_wait3A_240 = tpu.memref_slice %arg8[%run_scoped3A_214, %dma_wait3A_238, %dma_wait3A_239] : memref<3x80x128xf32, #tpu.memory_space<vmem>> -> memref<1x80x128xf32, #tpu.memory_space<vmem>>
        %dma_wait3A_241 = tpu.memref_squeeze %dma_wait3A_240 : memref<1x80x128xf32, #tpu.memory_space<vmem>> -> memref<80x128xf32, #tpu.memory_space<vmem>>
        %dma_wait3A_242 = arith.constant 0 : i32
        %dma_wait3A_243 = tpu.memref_slice %arg5[%add3A_213, %dma_wait3A_242] : memref<10000x128xf32, #tpu.memory_space<vmem_shared>> -> memref<80x128xf32, #tpu.memory_space<vmem_shared>>
        %dma_wait3A_244 = arith.constant 0 : i32
        %dma_wait3A_245 = tpu.memref_slice %arg5[%add3A_213, %dma_wait3A_244] : memref<10000x128xf32, #tpu.memory_space<vmem_shared>> -> memref<80x128xf32, #tpu.memory_space<vmem_shared>>
        %dma_wait3A_246 = arith.constant 0 : i32
        %dma_wait3A_247 = arith.constant 0 : i32
        %dma_wait3A_248 = tpu.memref_slice %arg8[%run_scoped3A_214, %dma_wait3A_246, %dma_wait3A_247] : memref<3x80x128xf32, #tpu.memory_space<vmem>> -> memref<1x80x128xf32, #tpu.memory_space<vmem>>
        %dma_wait3A_249 = tpu.memref_squeeze %dma_wait3A_248 : memref<1x80x128xf32, #tpu.memory_space<vmem>> -> memref<80x128xf32, #tpu.memory_space<vmem>>
        tpu.wait_dma2 semaphore(%run_scoped3A_225 : memref<!tpu.dma_semaphore, #tpu.memory_space<semaphore_mem>>) src(%dma_wait3A_249 : memref<80x128xf32, #tpu.memory_space<vmem>>) dst(%dma_wait3A_245 : memref<80x128xf32, #tpu.memory_space<vmem_shared>>)
        tpu.yield
      }) : () -> ()
      %add3A_215 = arith.constant 400 : i32
      %add3A_216 = arith.addi %multiple_of3A_64, %add3A_215 : i32
      %run_scoped3A_217 = arith.constant 2 : i32
      "tpu.region"() ({
        %run_scoped3A_225 = tpu.sem_alloc : memref<!tpu.dma_semaphore, #tpu.memory_space<semaphore_mem>>
        %dma_start3A_226 = arith.constant 0 : i32
        %dma_start3A_227 = arith.constant 0 : i32
        %dma_start3A_228 = tpu.memref_slice %arg8[%run_scoped3A_217, %dma_start3A_226, %dma_start3A_227] : memref<3x80x128xf32, #tpu.memory_space<vmem>> -> memref<1x80x128xf32, #tpu.memory_space<vmem>>
        %dma_start3A_229 = tpu.memref_squeeze %dma_start3A_228 : memref<1x80x128xf32, #tpu.memory_space<vmem>> -> memref<80x128xf32, #tpu.memory_space<vmem>>
        %dma_start3A_230 = arith.constant 0 : i32
        %dma_start3A_231 = tpu.memref_slice %arg5[%add3A_216, %dma_start3A_230] : memref<10000x128xf32, #tpu.memory_space<vmem_shared>> -> memref<80x128xf32, #tpu.memory_space<vmem_shared>>
        %dma_start3A_232 = arith.constant 0 : i32
        %dma_start3A_233 = tpu.memref_slice %arg5[%add3A_216, %dma_start3A_232] : memref<10000x128xf32, #tpu.memory_space<vmem_shared>> -> memref<80x128xf32, #tpu.memory_space<vmem_shared>>
        %dma_start3A_234 = arith.constant 0 : i32
        %dma_start3A_235 = arith.constant 0 : i32
        %dma_start3A_236 = tpu.memref_slice %arg8[%run_scoped3A_217, %dma_start3A_234, %dma_start3A_235] : memref<3x80x128xf32, #tpu.memory_space<vmem>> -> memref<1x80x128xf32, #tpu.memory_space<vmem>>
        %dma_start3A_237 = tpu.memref_squeeze %dma_start3A_236 : memref<1x80x128xf32, #tpu.memory_space<vmem>> -> memref<80x128xf32, #tpu.memory_space<vmem>>
        tpu.enqueue_dma source(%dma_start3A_237 : memref<80x128xf32, #tpu.memory_space<vmem>>) target(%dma_start3A_233 : memref<80x128xf32, #tpu.memory_space<vmem_shared>>) target_semaphore(%run_scoped3A_225 : memref<!tpu.dma_semaphore, #tpu.memory_space<semaphore_mem>>)
        %dma_wait3A_238 = arith.constant 0 : i32
        %dma_wait3A_239 = arith.constant 0 : i32
        %dma_wait3A_240 = tpu.memref_slice %arg8[%run_scoped3A_217, %dma_wait3A_238, %dma_wait3A_239] : memref<3x80x128xf32, #tpu.memory_space<vmem>> -> memref<1x80x128xf32, #tpu.memory_space<vmem>>
        %dma_wait3A_241 = tpu.memref_squeeze %dma_wait3A_240 : memref<1x80x128xf32, #tpu.memory_space<vmem>> -> memref<80x128xf32, #tpu.memory_space<vmem>>
        %dma_wait3A_242 = arith.constant 0 : i32
        %dma_wait3A_243 = tpu.memref_slice %arg5[%add3A_216, %dma_wait3A_242] : memref<10000x128xf32, #tpu.memory_space<vmem_shared>> -> memref<80x128xf32, #tpu.memory_space<vmem_shared>>
        %dma_wait3A_244 = arith.constant 0 : i32
        %dma_wait3A_245 = tpu.memref_slice %arg5[%add3A_216, %dma_wait3A_244] : memref<10000x128xf32, #tpu.memory_space<vmem_shared>> -> memref<80x128xf32, #tpu.memory_space<vmem_shared>>
        %dma_wait3A_246 = arith.constant 0 : i32
        %dma_wait3A_247 = arith.constant 0 : i32
        %dma_wait3A_248 = tpu.memref_slice %arg8[%run_scoped3A_217, %dma_wait3A_246, %dma_wait3A_247] : memref<3x80x128xf32, #tpu.memory_space<vmem>> -> memref<1x80x128xf32, #tpu.memory_space<vmem>>
        %dma_wait3A_249 = tpu.memref_squeeze %dma_wait3A_248 : memref<1x80x128xf32, #tpu.memory_space<vmem>> -> memref<80x128xf32, #tpu.memory_space<vmem>>
        tpu.wait_dma2 semaphore(%run_scoped3A_225 : memref<!tpu.dma_semaphore, #tpu.memory_space<semaphore_mem>>) src(%dma_wait3A_249 : memref<80x128xf32, #tpu.memory_space<vmem>>) dst(%dma_wait3A_245 : memref<80x128xf32, #tpu.memory_space<vmem_shared>>)
        tpu.yield
      }) : () -> ()
      %add3A_218 = arith.constant 480 : i32
      %add3A_219 = arith.addi %multiple_of3A_64, %add3A_218 : i32
      %run_scoped3A_220 = arith.constant 2 : i32
      "tpu.region"() ({
        %run_scoped3A_225 = tpu.sem_alloc : memref<!tpu.dma_semaphore, #tpu.memory_space<semaphore_mem>>
        %dma_start3A_226 = arith.constant 0 : i32
        %dma_start3A_227 = arith.constant 0 : i32
        %dma_start3A_228 = tpu.memref_slice %arg8[%run_scoped3A_220, %dma_start3A_226, %dma_start3A_227] : memref<3x80x128xf32, #tpu.memory_space<vmem>> -> memref<1x80x128xf32, #tpu.memory_space<vmem>>
        %dma_start3A_229 = tpu.memref_squeeze %dma_start3A_228 : memref<1x80x128xf32, #tpu.memory_space<vmem>> -> memref<80x128xf32, #tpu.memory_space<vmem>>
        %dma_start3A_230 = arith.constant 0 : i32
        %dma_start3A_231 = tpu.memref_slice %arg5[%add3A_219, %dma_start3A_230] : memref<10000x128xf32, #tpu.memory_space<vmem_shared>> -> memref<80x128xf32, #tpu.memory_space<vmem_shared>>
        %dma_start3A_232 = arith.constant 0 : i32
        %dma_start3A_233 = tpu.memref_slice %arg5[%add3A_219, %dma_start3A_232] : memref<10000x128xf32, #tpu.memory_space<vmem_shared>> -> memref<80x128xf32, #tpu.memory_space<vmem_shared>>
        %dma_start3A_234 = arith.constant 0 : i32
        %dma_start3A_235 = arith.constant 0 : i32
        %dma_start3A_236 = tpu.memref_slice %arg8[%run_scoped3A_220, %dma_start3A_234, %dma_start3A_235] : memref<3x80x128xf32, #tpu.memory_space<vmem>> -> memref<1x80x128xf32, #tpu.memory_space<vmem>>
        %dma_start3A_237 = tpu.memref_squeeze %dma_start3A_236 : memref<1x80x128xf32, #tpu.memory_space<vmem>> -> memref<80x128xf32, #tpu.memory_space<vmem>>
        tpu.enqueue_dma source(%dma_start3A_237 : memref<80x128xf32, #tpu.memory_space<vmem>>) target(%dma_start3A_233 : memref<80x128xf32, #tpu.memory_space<vmem_shared>>) target_semaphore(%run_scoped3A_225 : memref<!tpu.dma_semaphore, #tpu.memory_space<semaphore_mem>>)
        %dma_wait3A_238 = arith.constant 0 : i32
        %dma_wait3A_239 = arith.constant 0 : i32
        %dma_wait3A_240 = tpu.memref_slice %arg8[%run_scoped3A_220, %dma_wait3A_238, %dma_wait3A_239] : memref<3x80x128xf32, #tpu.memory_space<vmem>> -> memref<1x80x128xf32, #tpu.memory_space<vmem>>
        %dma_wait3A_241 = tpu.memref_squeeze %dma_wait3A_240 : memref<1x80x128xf32, #tpu.memory_space<vmem>> -> memref<80x128xf32, #tpu.memory_space<vmem>>
        %dma_wait3A_242 = arith.constant 0 : i32
        %dma_wait3A_243 = tpu.memref_slice %arg5[%add3A_219, %dma_wait3A_242] : memref<10000x128xf32, #tpu.memory_space<vmem_shared>> -> memref<80x128xf32, #tpu.memory_space<vmem_shared>>
        %dma_wait3A_244 = arith.constant 0 : i32
        %dma_wait3A_245 = tpu.memref_slice %arg5[%add3A_219, %dma_wait3A_244] : memref<10000x128xf32, #tpu.memory_space<vmem_shared>> -> memref<80x128xf32, #tpu.memory_space<vmem_shared>>
        %dma_wait3A_246 = arith.constant 0 : i32
        %dma_wait3A_247 = arith.constant 0 : i32
        %dma_wait3A_248 = tpu.memref_slice %arg8[%run_scoped3A_220, %dma_wait3A_246, %dma_wait3A_247] : memref<3x80x128xf32, #tpu.memory_space<vmem>> -> memref<1x80x128xf32, #tpu.memory_space<vmem>>
        %dma_wait3A_249 = tpu.memref_squeeze %dma_wait3A_248 : memref<1x80x128xf32, #tpu.memory_space<vmem>> -> memref<80x128xf32, #tpu.memory_space<vmem>>
        tpu.wait_dma2 semaphore(%run_scoped3A_225 : memref<!tpu.dma_semaphore, #tpu.memory_space<semaphore_mem>>) src(%dma_wait3A_249 : memref<80x128xf32, #tpu.memory_space<vmem>>) dst(%dma_wait3A_245 : memref<80x128xf32, #tpu.memory_space<vmem_shared>>)
        tpu.yield
      }) : () -> ()
      %add3A_221 = arith.constant 624 : i32
      %add3A_222 = arith.addi %multiple_of3A_64, %add3A_221 : i32
      %sub3A = arith.constant 64 : i32
      %sub3A_223 = arith.subi %add3A_222, %sub3A : i32
      %run_scoped3A_224 = arith.constant 2 : i32
      "tpu.region"() ({
        %run_scoped3A_225 = tpu.sem_alloc : memref<!tpu.dma_semaphore, #tpu.memory_space<semaphore_mem>>
        %dma_start3A_226 = arith.constant 0 : i32
        %dma_start3A_227 = arith.constant 0 : i32
        %dma_start3A_228 = tpu.memref_slice %arg8[%run_scoped3A_224, %dma_start3A_226, %dma_start3A_227] : memref<3x80x128xf32, #tpu.memory_space<vmem>> -> memref<1x80x128xf32, #tpu.memory_space<vmem>>
        %dma_start3A_229 = tpu.memref_squeeze %dma_start3A_228 : memref<1x80x128xf32, #tpu.memory_space<vmem>> -> memref<80x128xf32, #tpu.memory_space<vmem>>
        %dma_start3A_230 = arith.constant 0 : i32
        %dma_start3A_231 = arith.constant 0 : i32
        %dma_start3A_232 = tpu.memref_slice %dma_start3A_229[%dma_start3A_230, %dma_start3A_231] : memref<80x128xf32, #tpu.memory_space<vmem>> -> memref<64x128xf32, #tpu.memory_space<vmem>>
        %dma_start3A_233 = arith.constant 0 : i32
        %dma_start3A_234 = tpu.memref_slice %arg5[%sub3A_223, %dma_start3A_233] : memref<10000x128xf32, #tpu.memory_space<vmem_shared>> -> memref<64x128xf32, #tpu.memory_space<vmem_shared>>
        %dma_start3A_235 = arith.constant 0 : i32
        %dma_start3A_236 = tpu.memref_slice %arg5[%sub3A_223, %dma_start3A_235] : memref<10000x128xf32, #tpu.memory_space<vmem_shared>> -> memref<64x128xf32, #tpu.memory_space<vmem_shared>>
        %dma_start3A_237 = arith.constant 0 : i32
        %dma_start3A_238 = arith.constant 0 : i32
        %dma_start3A_239 = tpu.memref_slice %arg8[%run_scoped3A_224, %dma_start3A_237, %dma_start3A_238] : memref<3x80x128xf32, #tpu.memory_space<vmem>> -> memref<1x80x128xf32, #tpu.memory_space<vmem>>
        %dma_start3A_240 = tpu.memref_squeeze %dma_start3A_239 : memref<1x80x128xf32, #tpu.memory_space<vmem>> -> memref<80x128xf32, #tpu.memory_space<vmem>>
        %dma_start3A_241 = arith.constant 0 : i32
        %dma_start3A_242 = arith.constant 0 : i32
        %dma_start3A_243 = tpu.memref_slice %dma_start3A_240[%dma_start3A_241, %dma_start3A_242] : memref<80x128xf32, #tpu.memory_space<vmem>> -> memref<64x128xf32, #tpu.memory_space<vmem>>
        tpu.enqueue_dma source(%dma_start3A_243 : memref<64x128xf32, #tpu.memory_space<vmem>>) target(%dma_start3A_236 : memref<64x128xf32, #tpu.memory_space<vmem_shared>>) target_semaphore(%run_scoped3A_225 : memref<!tpu.dma_semaphore, #tpu.memory_space<semaphore_mem>>)
        %dma_wait3A_244 = arith.constant 0 : i32
        %dma_wait3A_245 = arith.constant 0 : i32
        %dma_wait3A_246 = tpu.memref_slice %arg8[%run_scoped3A_224, %dma_wait3A_244, %dma_wait3A_245] : memref<3x80x128xf32, #tpu.memory_space<vmem>> -> memref<1x80x128xf32, #tpu.memory_space<vmem>>
        %dma_wait3A_247 = tpu.memref_squeeze %dma_wait3A_246 : memref<1x80x128xf32, #tpu.memory_space<vmem>> -> memref<80x128xf32, #tpu.memory_space<vmem>>
        %dma_wait3A_248 = arith.constant 0 : i32
        %dma_wait3A_249 = arith.constant 0 : i32
        %dma_wait3A_250 = tpu.memref_slice %dma_wait3A_247[%dma_wait3A_248, %dma_wait3A_249] : memref<80x128xf32, #tpu.memory_space<vmem>> -> memref<64x128xf32, #tpu.memory_space<vmem>>
        %dma_wait3A_251 = arith.constant 0 : i32
        %dma_wait3A_252 = tpu.memref_slice %arg5[%sub3A_223, %dma_wait3A_251] : memref<10000x128xf32, #tpu.memory_space<vmem_shared>> -> memref<64x128xf32, #tpu.memory_space<vmem_shared>>
        %dma_wait3A_253 = arith.constant 0 : i32
        %dma_wait3A_254 = tpu.memref_slice %arg5[%sub3A_223, %dma_wait3A_253] : memref<10000x128xf32, #tpu.memory_space<vmem_shared>> -> memref<64x128xf32, #tpu.memory_space<vmem_shared>>
        %dma_wait3A_255 = arith.constant 0 : i32
        %dma_wait3A_256 = arith.constant 0 : i32
        %dma_wait3A_257 = tpu.memref_slice %arg8[%run_scoped3A_224, %dma_wait3A_255, %dma_wait3A_256] : memref<3x80x128xf32, #tpu.memory_space<vmem>> -> memref<1x80x128xf32, #tpu.memory_space<vmem>>
        %dma_wait3A_258 = tpu.memref_squeeze %dma_wait3A_257 : memref<1x80x128xf32, #tpu.memory_space<vmem>> -> memref<80x128xf32, #tpu.memory_space<vmem>>
        %dma_wait3A_259 = arith.constant 0 : i32
        %dma_wait3A_260 = arith.constant 0 : i32
        %dma_wait3A_261 = tpu.memref_slice %dma_wait3A_258[%dma_wait3A_259, %dma_wait3A_260] : memref<80x128xf32, #tpu.memory_space<vmem>> -> memref<64x128xf32, #tpu.memory_space<vmem>>
        tpu.wait_dma2 semaphore(%run_scoped3A_225 : memref<!tpu.dma_semaphore, #tpu.memory_space<semaphore_mem>>) src(%dma_wait3A_261 : memref<64x128xf32, #tpu.memory_space<vmem>>) dst(%dma_wait3A_254 : memref<64x128xf32, #tpu.memory_space<vmem_shared>>)
        tpu.yield
      }) : () -> ()
    } else {
    }
    %eq3A = arith.constant 15 : i32
    %eq3A_67 = arith.cmpi eq, %arg1, %eq3A : i32
    %convert_element_type3A_68 = arith.extui %eq3A_67 : i1 to i32
    %cond3A_69 = arith.constant 0 : i32
    %cond3A_70 = arith.cmpi ne, %convert_element_type3A_68, %cond3A_69 : i32
    scf.if %cond3A_70 {
      %run_scoped3A = arith.constant 2 : i32
      "tpu.region"() ({
        %run_scoped3A_208 = tpu.sem_alloc : memref<!tpu.dma_semaphore, #tpu.memory_space<semaphore_mem>>
        %dma_start3A_209 = arith.constant 0 : i32
        %dma_start3A_210 = arith.constant 0 : i32
        %dma_start3A_211 = tpu.memref_slice %arg8[%run_scoped3A, %dma_start3A_209, %dma_start3A_210] : memref<3x80x128xf32, #tpu.memory_space<vmem>> -> memref<1x80x128xf32, #tpu.memory_space<vmem>>
        %dma_start3A_212 = tpu.memref_squeeze %dma_start3A_211 : memref<1x80x128xf32, #tpu.memory_space<vmem>> -> memref<80x128xf32, #tpu.memory_space<vmem>>
        %dma_start3A_213 = arith.constant 9360 : i32
        %dma_start3A_214 = arith.constant 0 : i32
        %dma_start3A_215 = tpu.memref_slice %arg5[%dma_start3A_213, %dma_start3A_214] : memref<10000x128xf32, #tpu.memory_space<vmem_shared>> -> memref<80x128xf32, #tpu.memory_space<vmem_shared>>
        %dma_start3A_216 = arith.constant 9360 : i32
        %dma_start3A_217 = arith.constant 0 : i32
        %dma_start3A_218 = tpu.memref_slice %arg5[%dma_start3A_216, %dma_start3A_217] : memref<10000x128xf32, #tpu.memory_space<vmem_shared>> -> memref<80x128xf32, #tpu.memory_space<vmem_shared>>
        %dma_start3A_219 = arith.constant 0 : i32
        %dma_start3A_220 = arith.constant 0 : i32
        %dma_start3A_221 = tpu.memref_slice %arg8[%run_scoped3A, %dma_start3A_219, %dma_start3A_220] : memref<3x80x128xf32, #tpu.memory_space<vmem>> -> memref<1x80x128xf32, #tpu.memory_space<vmem>>
        %dma_start3A_222 = tpu.memref_squeeze %dma_start3A_221 : memref<1x80x128xf32, #tpu.memory_space<vmem>> -> memref<80x128xf32, #tpu.memory_space<vmem>>
        tpu.enqueue_dma source(%dma_start3A_222 : memref<80x128xf32, #tpu.memory_space<vmem>>) target(%dma_start3A_218 : memref<80x128xf32, #tpu.memory_space<vmem_shared>>) target_semaphore(%run_scoped3A_208 : memref<!tpu.dma_semaphore, #tpu.memory_space<semaphore_mem>>)
        %dma_wait3A_223 = arith.constant 0 : i32
        %dma_wait3A_224 = arith.constant 0 : i32
        %dma_wait3A_225 = tpu.memref_slice %arg8[%run_scoped3A, %dma_wait3A_223, %dma_wait3A_224] : memref<3x80x128xf32, #tpu.memory_space<vmem>> -> memref<1x80x128xf32, #tpu.memory_space<vmem>>
        %dma_wait3A_226 = tpu.memref_squeeze %dma_wait3A_225 : memref<1x80x128xf32, #tpu.memory_space<vmem>> -> memref<80x128xf32, #tpu.memory_space<vmem>>
        %dma_wait3A_227 = arith.constant 9360 : i32
        %dma_wait3A_228 = arith.constant 0 : i32
        %dma_wait3A_229 = tpu.memref_slice %arg5[%dma_wait3A_227, %dma_wait3A_228] : memref<10000x128xf32, #tpu.memory_space<vmem_shared>> -> memref<80x128xf32, #tpu.memory_space<vmem_shared>>
        %dma_wait3A_230 = arith.constant 9360 : i32
        %dma_wait3A_231 = arith.constant 0 : i32
        %dma_wait3A_232 = tpu.memref_slice %arg5[%dma_wait3A_230, %dma_wait3A_231] : memref<10000x128xf32, #tpu.memory_space<vmem_shared>> -> memref<80x128xf32, #tpu.memory_space<vmem_shared>>
        %dma_wait3A_233 = arith.constant 0 : i32
        %dma_wait3A_234 = arith.constant 0 : i32
        %dma_wait3A_235 = tpu.memref_slice %arg8[%run_scoped3A, %dma_wait3A_233, %dma_wait3A_234] : memref<3x80x128xf32, #tpu.memory_space<vmem>> -> memref<1x80x128xf32, #tpu.memory_space<vmem>>
        %dma_wait3A_236 = tpu.memref_squeeze %dma_wait3A_235 : memref<1x80x128xf32, #tpu.memory_space<vmem>> -> memref<80x128xf32, #tpu.memory_space<vmem>>
        tpu.wait_dma2 semaphore(%run_scoped3A_208 : memref<!tpu.dma_semaphore, #tpu.memory_space<semaphore_mem>>) src(%dma_wait3A_236 : memref<80x128xf32, #tpu.memory_space<vmem>>) dst(%dma_wait3A_232 : memref<80x128xf32, #tpu.memory_space<vmem_shared>>)
        tpu.yield
      }) : () -> ()
      %run_scoped3A_201 = arith.constant 2 : i32
      "tpu.region"() ({
        %run_scoped3A_208 = tpu.sem_alloc : memref<!tpu.dma_semaphore, #tpu.memory_space<semaphore_mem>>
        %dma_start3A_209 = arith.constant 0 : i32
        %dma_start3A_210 = arith.constant 0 : i32
        %dma_start3A_211 = tpu.memref_slice %arg8[%run_scoped3A_201, %dma_start3A_209, %dma_start3A_210] : memref<3x80x128xf32, #tpu.memory_space<vmem>> -> memref<1x80x128xf32, #tpu.memory_space<vmem>>
        %dma_start3A_212 = tpu.memref_squeeze %dma_start3A_211 : memref<1x80x128xf32, #tpu.memory_space<vmem>> -> memref<80x128xf32, #tpu.memory_space<vmem>>
        %dma_start3A_213 = arith.constant 9440 : i32
        %dma_start3A_214 = arith.constant 0 : i32
        %dma_start3A_215 = tpu.memref_slice %arg5[%dma_start3A_213, %dma_start3A_214] : memref<10000x128xf32, #tpu.memory_space<vmem_shared>> -> memref<80x128xf32, #tpu.memory_space<vmem_shared>>
        %dma_start3A_216 = arith.constant 9440 : i32
        %dma_start3A_217 = arith.constant 0 : i32
        %dma_start3A_218 = tpu.memref_slice %arg5[%dma_start3A_216, %dma_start3A_217] : memref<10000x128xf32, #tpu.memory_space<vmem_shared>> -> memref<80x128xf32, #tpu.memory_space<vmem_shared>>
        %dma_start3A_219 = arith.constant 0 : i32
        %dma_start3A_220 = arith.constant 0 : i32
        %dma_start3A_221 = tpu.memref_slice %arg8[%run_scoped3A_201, %dma_start3A_219, %dma_start3A_220] : memref<3x80x128xf32, #tpu.memory_space<vmem>> -> memref<1x80x128xf32, #tpu.memory_space<vmem>>
        %dma_start3A_222 = tpu.memref_squeeze %dma_start3A_221 : memref<1x80x128xf32, #tpu.memory_space<vmem>> -> memref<80x128xf32, #tpu.memory_space<vmem>>
        tpu.enqueue_dma source(%dma_start3A_222 : memref<80x128xf32, #tpu.memory_space<vmem>>) target(%dma_start3A_218 : memref<80x128xf32, #tpu.memory_space<vmem_shared>>) target_semaphore(%run_scoped3A_208 : memref<!tpu.dma_semaphore, #tpu.memory_space<semaphore_mem>>)
        %dma_wait3A_223 = arith.constant 0 : i32
        %dma_wait3A_224 = arith.constant 0 : i32
        %dma_wait3A_225 = tpu.memref_slice %arg8[%run_scoped3A_201, %dma_wait3A_223, %dma_wait3A_224] : memref<3x80x128xf32, #tpu.memory_space<vmem>> -> memref<1x80x128xf32, #tpu.memory_space<vmem>>
        %dma_wait3A_226 = tpu.memref_squeeze %dma_wait3A_225 : memref<1x80x128xf32, #tpu.memory_space<vmem>> -> memref<80x128xf32, #tpu.memory_space<vmem>>
        %dma_wait3A_227 = arith.constant 9440 : i32
        %dma_wait3A_228 = arith.constant 0 : i32
        %dma_wait3A_229 = tpu.memref_slice %arg5[%dma_wait3A_227, %dma_wait3A_228] : memref<10000x128xf32, #tpu.memory_space<vmem_shared>> -> memref<80x128xf32, #tpu.memory_space<vmem_shared>>
        %dma_wait3A_230 = arith.constant 9440 : i32
        %dma_wait3A_231 = arith.constant 0 : i32
        %dma_wait3A_232 = tpu.memref_slice %arg5[%dma_wait3A_230, %dma_wait3A_231] : memref<10000x128xf32, #tpu.memory_space<vmem_shared>> -> memref<80x128xf32, #tpu.memory_space<vmem_shared>>
        %dma_wait3A_233 = arith.constant 0 : i32
        %dma_wait3A_234 = arith.constant 0 : i32
        %dma_wait3A_235 = tpu.memref_slice %arg8[%run_scoped3A_201, %dma_wait3A_233, %dma_wait3A_234] : memref<3x80x128xf32, #tpu.memory_space<vmem>> -> memref<1x80x128xf32, #tpu.memory_space<vmem>>
        %dma_wait3A_236 = tpu.memref_squeeze %dma_wait3A_235 : memref<1x80x128xf32, #tpu.memory_space<vmem>> -> memref<80x128xf32, #tpu.memory_space<vmem>>
        tpu.wait_dma2 semaphore(%run_scoped3A_208 : memref<!tpu.dma_semaphore, #tpu.memory_space<semaphore_mem>>) src(%dma_wait3A_236 : memref<80x128xf32, #tpu.memory_space<vmem>>) dst(%dma_wait3A_232 : memref<80x128xf32, #tpu.memory_space<vmem_shared>>)
        tpu.yield
      }) : () -> ()
      %run_scoped3A_202 = arith.constant 2 : i32
      "tpu.region"() ({
        %run_scoped3A_208 = tpu.sem_alloc : memref<!tpu.dma_semaphore, #tpu.memory_space<semaphore_mem>>
        %dma_start3A_209 = arith.constant 0 : i32
        %dma_start3A_210 = arith.constant 0 : i32
        %dma_start3A_211 = tpu.memref_slice %arg8[%run_scoped3A_202, %dma_start3A_209, %dma_start3A_210] : memref<3x80x128xf32, #tpu.memory_space<vmem>> -> memref<1x80x128xf32, #tpu.memory_space<vmem>>
        %dma_start3A_212 = tpu.memref_squeeze %dma_start3A_211 : memref<1x80x128xf32, #tpu.memory_space<vmem>> -> memref<80x128xf32, #tpu.memory_space<vmem>>
        %dma_start3A_213 = arith.constant 9520 : i32
        %dma_start3A_214 = arith.constant 0 : i32
        %dma_start3A_215 = tpu.memref_slice %arg5[%dma_start3A_213, %dma_start3A_214] : memref<10000x128xf32, #tpu.memory_space<vmem_shared>> -> memref<80x128xf32, #tpu.memory_space<vmem_shared>>
        %dma_start3A_216 = arith.constant 9520 : i32
        %dma_start3A_217 = arith.constant 0 : i32
        %dma_start3A_218 = tpu.memref_slice %arg5[%dma_start3A_216, %dma_start3A_217] : memref<10000x128xf32, #tpu.memory_space<vmem_shared>> -> memref<80x128xf32, #tpu.memory_space<vmem_shared>>
        %dma_start3A_219 = arith.constant 0 : i32
        %dma_start3A_220 = arith.constant 0 : i32
        %dma_start3A_221 = tpu.memref_slice %arg8[%run_scoped3A_202, %dma_start3A_219, %dma_start3A_220] : memref<3x80x128xf32, #tpu.memory_space<vmem>> -> memref<1x80x128xf32, #tpu.memory_space<vmem>>
        %dma_start3A_222 = tpu.memref_squeeze %dma_start3A_221 : memref<1x80x128xf32, #tpu.memory_space<vmem>> -> memref<80x128xf32, #tpu.memory_space<vmem>>
        tpu.enqueue_dma source(%dma_start3A_222 : memref<80x128xf32, #tpu.memory_space<vmem>>) target(%dma_start3A_218 : memref<80x128xf32, #tpu.memory_space<vmem_shared>>) target_semaphore(%run_scoped3A_208 : memref<!tpu.dma_semaphore, #tpu.memory_space<semaphore_mem>>)
        %dma_wait3A_223 = arith.constant 0 : i32
        %dma_wait3A_224 = arith.constant 0 : i32
        %dma_wait3A_225 = tpu.memref_slice %arg8[%run_scoped3A_202, %dma_wait3A_223, %dma_wait3A_224] : memref<3x80x128xf32, #tpu.memory_space<vmem>> -> memref<1x80x128xf32, #tpu.memory_space<vmem>>
        %dma_wait3A_226 = tpu.memref_squeeze %dma_wait3A_225 : memref<1x80x128xf32, #tpu.memory_space<vmem>> -> memref<80x128xf32, #tpu.memory_space<vmem>>
        %dma_wait3A_227 = arith.constant 9520 : i32
        %dma_wait3A_228 = arith.constant 0 : i32
        %dma_wait3A_229 = tpu.memref_slice %arg5[%dma_wait3A_227, %dma_wait3A_228] : memref<10000x128xf32, #tpu.memory_space<vmem_shared>> -> memref<80x128xf32, #tpu.memory_space<vmem_shared>>
        %dma_wait3A_230 = arith.constant 9520 : i32
        %dma_wait3A_231 = arith.constant 0 : i32
        %dma_wait3A_232 = tpu.memref_slice %arg5[%dma_wait3A_230, %dma_wait3A_231] : memref<10000x128xf32, #tpu.memory_space<vmem_shared>> -> memref<80x128xf32, #tpu.memory_space<vmem_shared>>
        %dma_wait3A_233 = arith.constant 0 : i32
        %dma_wait3A_234 = arith.constant 0 : i32
        %dma_wait3A_235 = tpu.memref_slice %arg8[%run_scoped3A_202, %dma_wait3A_233, %dma_wait3A_234] : memref<3x80x128xf32, #tpu.memory_space<vmem>> -> memref<1x80x128xf32, #tpu.memory_space<vmem>>
        %dma_wait3A_236 = tpu.memref_squeeze %dma_wait3A_235 : memref<1x80x128xf32, #tpu.memory_space<vmem>> -> memref<80x128xf32, #tpu.memory_space<vmem>>
        tpu.wait_dma2 semaphore(%run_scoped3A_208 : memref<!tpu.dma_semaphore, #tpu.memory_space<semaphore_mem>>) src(%dma_wait3A_236 : memref<80x128xf32, #tpu.memory_space<vmem>>) dst(%dma_wait3A_232 : memref<80x128xf32, #tpu.memory_space<vmem_shared>>)
        tpu.yield
      }) : () -> ()
      %run_scoped3A_203 = arith.constant 2 : i32
      "tpu.region"() ({
        %run_scoped3A_208 = tpu.sem_alloc : memref<!tpu.dma_semaphore, #tpu.memory_space<semaphore_mem>>
        %dma_start3A_209 = arith.constant 0 : i32
        %dma_start3A_210 = arith.constant 0 : i32
        %dma_start3A_211 = tpu.memref_slice %arg8[%run_scoped3A_203, %dma_start3A_209, %dma_start3A_210] : memref<3x80x128xf32, #tpu.memory_space<vmem>> -> memref<1x80x128xf32, #tpu.memory_space<vmem>>
        %dma_start3A_212 = tpu.memref_squeeze %dma_start3A_211 : memref<1x80x128xf32, #tpu.memory_space<vmem>> -> memref<80x128xf32, #tpu.memory_space<vmem>>
        %dma_start3A_213 = arith.constant 9600 : i32
        %dma_start3A_214 = arith.constant 0 : i32
        %dma_start3A_215 = tpu.memref_slice %arg5[%dma_start3A_213, %dma_start3A_214] : memref<10000x128xf32, #tpu.memory_space<vmem_shared>> -> memref<80x128xf32, #tpu.memory_space<vmem_shared>>
        %dma_start3A_216 = arith.constant 9600 : i32
        %dma_start3A_217 = arith.constant 0 : i32
        %dma_start3A_218 = tpu.memref_slice %arg5[%dma_start3A_216, %dma_start3A_217] : memref<10000x128xf32, #tpu.memory_space<vmem_shared>> -> memref<80x128xf32, #tpu.memory_space<vmem_shared>>
        %dma_start3A_219 = arith.constant 0 : i32
        %dma_start3A_220 = arith.constant 0 : i32
        %dma_start3A_221 = tpu.memref_slice %arg8[%run_scoped3A_203, %dma_start3A_219, %dma_start3A_220] : memref<3x80x128xf32, #tpu.memory_space<vmem>> -> memref<1x80x128xf32, #tpu.memory_space<vmem>>
        %dma_start3A_222 = tpu.memref_squeeze %dma_start3A_221 : memref<1x80x128xf32, #tpu.memory_space<vmem>> -> memref<80x128xf32, #tpu.memory_space<vmem>>
        tpu.enqueue_dma source(%dma_start3A_222 : memref<80x128xf32, #tpu.memory_space<vmem>>) target(%dma_start3A_218 : memref<80x128xf32, #tpu.memory_space<vmem_shared>>) target_semaphore(%run_scoped3A_208 : memref<!tpu.dma_semaphore, #tpu.memory_space<semaphore_mem>>)
        %dma_wait3A_223 = arith.constant 0 : i32
        %dma_wait3A_224 = arith.constant 0 : i32
        %dma_wait3A_225 = tpu.memref_slice %arg8[%run_scoped3A_203, %dma_wait3A_223, %dma_wait3A_224] : memref<3x80x128xf32, #tpu.memory_space<vmem>> -> memref<1x80x128xf32, #tpu.memory_space<vmem>>
        %dma_wait3A_226 = tpu.memref_squeeze %dma_wait3A_225 : memref<1x80x128xf32, #tpu.memory_space<vmem>> -> memref<80x128xf32, #tpu.memory_space<vmem>>
        %dma_wait3A_227 = arith.constant 9600 : i32
        %dma_wait3A_228 = arith.constant 0 : i32
        %dma_wait3A_229 = tpu.memref_slice %arg5[%dma_wait3A_227, %dma_wait3A_228] : memref<10000x128xf32, #tpu.memory_space<vmem_shared>> -> memref<80x128xf32, #tpu.memory_space<vmem_shared>>
        %dma_wait3A_230 = arith.constant 9600 : i32
        %dma_wait3A_231 = arith.constant 0 : i32
        %dma_wait3A_232 = tpu.memref_slice %arg5[%dma_wait3A_230, %dma_wait3A_231] : memref<10000x128xf32, #tpu.memory_space<vmem_shared>> -> memref<80x128xf32, #tpu.memory_space<vmem_shared>>
        %dma_wait3A_233 = arith.constant 0 : i32
        %dma_wait3A_234 = arith.constant 0 : i32
        %dma_wait3A_235 = tpu.memref_slice %arg8[%run_scoped3A_203, %dma_wait3A_233, %dma_wait3A_234] : memref<3x80x128xf32, #tpu.memory_space<vmem>> -> memref<1x80x128xf32, #tpu.memory_space<vmem>>
        %dma_wait3A_236 = tpu.memref_squeeze %dma_wait3A_235 : memref<1x80x128xf32, #tpu.memory_space<vmem>> -> memref<80x128xf32, #tpu.memory_space<vmem>>
        tpu.wait_dma2 semaphore(%run_scoped3A_208 : memref<!tpu.dma_semaphore, #tpu.memory_space<semaphore_mem>>) src(%dma_wait3A_236 : memref<80x128xf32, #tpu.memory_space<vmem>>) dst(%dma_wait3A_232 : memref<80x128xf32, #tpu.memory_space<vmem_shared>>)
        tpu.yield
      }) : () -> ()
      %run_scoped3A_204 = arith.constant 2 : i32
      "tpu.region"() ({
        %run_scoped3A_208 = tpu.sem_alloc : memref<!tpu.dma_semaphore, #tpu.memory_space<semaphore_mem>>
        %dma_start3A_209 = arith.constant 0 : i32
        %dma_start3A_210 = arith.constant 0 : i32
        %dma_start3A_211 = tpu.memref_slice %arg8[%run_scoped3A_204, %dma_start3A_209, %dma_start3A_210] : memref<3x80x128xf32, #tpu.memory_space<vmem>> -> memref<1x80x128xf32, #tpu.memory_space<vmem>>
        %dma_start3A_212 = tpu.memref_squeeze %dma_start3A_211 : memref<1x80x128xf32, #tpu.memory_space<vmem>> -> memref<80x128xf32, #tpu.memory_space<vmem>>
        %dma_start3A_213 = arith.constant 9680 : i32
        %dma_start3A_214 = arith.constant 0 : i32
        %dma_start3A_215 = tpu.memref_slice %arg5[%dma_start3A_213, %dma_start3A_214] : memref<10000x128xf32, #tpu.memory_space<vmem_shared>> -> memref<80x128xf32, #tpu.memory_space<vmem_shared>>
        %dma_start3A_216 = arith.constant 9680 : i32
        %dma_start3A_217 = arith.constant 0 : i32
        %dma_start3A_218 = tpu.memref_slice %arg5[%dma_start3A_216, %dma_start3A_217] : memref<10000x128xf32, #tpu.memory_space<vmem_shared>> -> memref<80x128xf32, #tpu.memory_space<vmem_shared>>
        %dma_start3A_219 = arith.constant 0 : i32
        %dma_start3A_220 = arith.constant 0 : i32
        %dma_start3A_221 = tpu.memref_slice %arg8[%run_scoped3A_204, %dma_start3A_219, %dma_start3A_220] : memref<3x80x128xf32, #tpu.memory_space<vmem>> -> memref<1x80x128xf32, #tpu.memory_space<vmem>>
        %dma_start3A_222 = tpu.memref_squeeze %dma_start3A_221 : memref<1x80x128xf32, #tpu.memory_space<vmem>> -> memref<80x128xf32, #tpu.memory_space<vmem>>
        tpu.enqueue_dma source(%dma_start3A_222 : memref<80x128xf32, #tpu.memory_space<vmem>>) target(%dma_start3A_218 : memref<80x128xf32, #tpu.memory_space<vmem_shared>>) target_semaphore(%run_scoped3A_208 : memref<!tpu.dma_semaphore, #tpu.memory_space<semaphore_mem>>)
        %dma_wait3A_223 = arith.constant 0 : i32
        %dma_wait3A_224 = arith.constant 0 : i32
        %dma_wait3A_225 = tpu.memref_slice %arg8[%run_scoped3A_204, %dma_wait3A_223, %dma_wait3A_224] : memref<3x80x128xf32, #tpu.memory_space<vmem>> -> memref<1x80x128xf32, #tpu.memory_space<vmem>>
        %dma_wait3A_226 = tpu.memref_squeeze %dma_wait3A_225 : memref<1x80x128xf32, #tpu.memory_space<vmem>> -> memref<80x128xf32, #tpu.memory_space<vmem>>
        %dma_wait3A_227 = arith.constant 9680 : i32
        %dma_wait3A_228 = arith.constant 0 : i32
        %dma_wait3A_229 = tpu.memref_slice %arg5[%dma_wait3A_227, %dma_wait3A_228] : memref<10000x128xf32, #tpu.memory_space<vmem_shared>> -> memref<80x128xf32, #tpu.memory_space<vmem_shared>>
        %dma_wait3A_230 = arith.constant 9680 : i32
        %dma_wait3A_231 = arith.constant 0 : i32
        %dma_wait3A_232 = tpu.memref_slice %arg5[%dma_wait3A_230, %dma_wait3A_231] : memref<10000x128xf32, #tpu.memory_space<vmem_shared>> -> memref<80x128xf32, #tpu.memory_space<vmem_shared>>
        %dma_wait3A_233 = arith.constant 0 : i32
        %dma_wait3A_234 = arith.constant 0 : i32
        %dma_wait3A_235 = tpu.memref_slice %arg8[%run_scoped3A_204, %dma_wait3A_233, %dma_wait3A_234] : memref<3x80x128xf32, #tpu.memory_space<vmem>> -> memref<1x80x128xf32, #tpu.memory_space<vmem>>
        %dma_wait3A_236 = tpu.memref_squeeze %dma_wait3A_235 : memref<1x80x128xf32, #tpu.memory_space<vmem>> -> memref<80x128xf32, #tpu.memory_space<vmem>>
        tpu.wait_dma2 semaphore(%run_scoped3A_208 : memref<!tpu.dma_semaphore, #tpu.memory_space<semaphore_mem>>) src(%dma_wait3A_236 : memref<80x128xf32, #tpu.memory_space<vmem>>) dst(%dma_wait3A_232 : memref<80x128xf32, #tpu.memory_space<vmem_shared>>)
        tpu.yield
      }) : () -> ()
      %run_scoped3A_205 = arith.constant 2 : i32
      "tpu.region"() ({
        %run_scoped3A_208 = tpu.sem_alloc : memref<!tpu.dma_semaphore, #tpu.memory_space<semaphore_mem>>
        %dma_start3A_209 = arith.constant 0 : i32
        %dma_start3A_210 = arith.constant 0 : i32
        %dma_start3A_211 = tpu.memref_slice %arg8[%run_scoped3A_205, %dma_start3A_209, %dma_start3A_210] : memref<3x80x128xf32, #tpu.memory_space<vmem>> -> memref<1x80x128xf32, #tpu.memory_space<vmem>>
        %dma_start3A_212 = tpu.memref_squeeze %dma_start3A_211 : memref<1x80x128xf32, #tpu.memory_space<vmem>> -> memref<80x128xf32, #tpu.memory_space<vmem>>
        %dma_start3A_213 = arith.constant 9760 : i32
        %dma_start3A_214 = arith.constant 0 : i32
        %dma_start3A_215 = tpu.memref_slice %arg5[%dma_start3A_213, %dma_start3A_214] : memref<10000x128xf32, #tpu.memory_space<vmem_shared>> -> memref<80x128xf32, #tpu.memory_space<vmem_shared>>
        %dma_start3A_216 = arith.constant 9760 : i32
        %dma_start3A_217 = arith.constant 0 : i32
        %dma_start3A_218 = tpu.memref_slice %arg5[%dma_start3A_216, %dma_start3A_217] : memref<10000x128xf32, #tpu.memory_space<vmem_shared>> -> memref<80x128xf32, #tpu.memory_space<vmem_shared>>
        %dma_start3A_219 = arith.constant 0 : i32
        %dma_start3A_220 = arith.constant 0 : i32
        %dma_start3A_221 = tpu.memref_slice %arg8[%run_scoped3A_205, %dma_start3A_219, %dma_start3A_220] : memref<3x80x128xf32, #tpu.memory_space<vmem>> -> memref<1x80x128xf32, #tpu.memory_space<vmem>>
        %dma_start3A_222 = tpu.memref_squeeze %dma_start3A_221 : memref<1x80x128xf32, #tpu.memory_space<vmem>> -> memref<80x128xf32, #tpu.memory_space<vmem>>
        tpu.enqueue_dma source(%dma_start3A_222 : memref<80x128xf32, #tpu.memory_space<vmem>>) target(%dma_start3A_218 : memref<80x128xf32, #tpu.memory_space<vmem_shared>>) target_semaphore(%run_scoped3A_208 : memref<!tpu.dma_semaphore, #tpu.memory_space<semaphore_mem>>)
        %dma_wait3A_223 = arith.constant 0 : i32
        %dma_wait3A_224 = arith.constant 0 : i32
        %dma_wait3A_225 = tpu.memref_slice %arg8[%run_scoped3A_205, %dma_wait3A_223, %dma_wait3A_224] : memref<3x80x128xf32, #tpu.memory_space<vmem>> -> memref<1x80x128xf32, #tpu.memory_space<vmem>>
        %dma_wait3A_226 = tpu.memref_squeeze %dma_wait3A_225 : memref<1x80x128xf32, #tpu.memory_space<vmem>> -> memref<80x128xf32, #tpu.memory_space<vmem>>
        %dma_wait3A_227 = arith.constant 9760 : i32
        %dma_wait3A_228 = arith.constant 0 : i32
        %dma_wait3A_229 = tpu.memref_slice %arg5[%dma_wait3A_227, %dma_wait3A_228] : memref<10000x128xf32, #tpu.memory_space<vmem_shared>> -> memref<80x128xf32, #tpu.memory_space<vmem_shared>>
        %dma_wait3A_230 = arith.constant 9760 : i32
        %dma_wait3A_231 = arith.constant 0 : i32
        %dma_wait3A_232 = tpu.memref_slice %arg5[%dma_wait3A_230, %dma_wait3A_231] : memref<10000x128xf32, #tpu.memory_space<vmem_shared>> -> memref<80x128xf32, #tpu.memory_space<vmem_shared>>
        %dma_wait3A_233 = arith.constant 0 : i32
        %dma_wait3A_234 = arith.constant 0 : i32
        %dma_wait3A_235 = tpu.memref_slice %arg8[%run_scoped3A_205, %dma_wait3A_233, %dma_wait3A_234] : memref<3x80x128xf32, #tpu.memory_space<vmem>> -> memref<1x80x128xf32, #tpu.memory_space<vmem>>
        %dma_wait3A_236 = tpu.memref_squeeze %dma_wait3A_235 : memref<1x80x128xf32, #tpu.memory_space<vmem>> -> memref<80x128xf32, #tpu.memory_space<vmem>>
        tpu.wait_dma2 semaphore(%run_scoped3A_208 : memref<!tpu.dma_semaphore, #tpu.memory_space<semaphore_mem>>) src(%dma_wait3A_236 : memref<80x128xf32, #tpu.memory_space<vmem>>) dst(%dma_wait3A_232 : memref<80x128xf32, #tpu.memory_space<vmem_shared>>)
        tpu.yield
      }) : () -> ()
      %run_scoped3A_206 = arith.constant 2 : i32
      "tpu.region"() ({
        %run_scoped3A_208 = tpu.sem_alloc : memref<!tpu.dma_semaphore, #tpu.memory_space<semaphore_mem>>
        %dma_start3A_209 = arith.constant 0 : i32
        %dma_start3A_210 = arith.constant 0 : i32
        %dma_start3A_211 = tpu.memref_slice %arg8[%run_scoped3A_206, %dma_start3A_209, %dma_start3A_210] : memref<3x80x128xf32, #tpu.memory_space<vmem>> -> memref<1x80x128xf32, #tpu.memory_space<vmem>>
        %dma_start3A_212 = tpu.memref_squeeze %dma_start3A_211 : memref<1x80x128xf32, #tpu.memory_space<vmem>> -> memref<80x128xf32, #tpu.memory_space<vmem>>
        %dma_start3A_213 = arith.constant 9840 : i32
        %dma_start3A_214 = arith.constant 0 : i32
        %dma_start3A_215 = tpu.memref_slice %arg5[%dma_start3A_213, %dma_start3A_214] : memref<10000x128xf32, #tpu.memory_space<vmem_shared>> -> memref<80x128xf32, #tpu.memory_space<vmem_shared>>
        %dma_start3A_216 = arith.constant 9840 : i32
        %dma_start3A_217 = arith.constant 0 : i32
        %dma_start3A_218 = tpu.memref_slice %arg5[%dma_start3A_216, %dma_start3A_217] : memref<10000x128xf32, #tpu.memory_space<vmem_shared>> -> memref<80x128xf32, #tpu.memory_space<vmem_shared>>
        %dma_start3A_219 = arith.constant 0 : i32
        %dma_start3A_220 = arith.constant 0 : i32
        %dma_start3A_221 = tpu.memref_slice %arg8[%run_scoped3A_206, %dma_start3A_219, %dma_start3A_220] : memref<3x80x128xf32, #tpu.memory_space<vmem>> -> memref<1x80x128xf32, #tpu.memory_space<vmem>>
        %dma_start3A_222 = tpu.memref_squeeze %dma_start3A_221 : memref<1x80x128xf32, #tpu.memory_space<vmem>> -> memref<80x128xf32, #tpu.memory_space<vmem>>
        tpu.enqueue_dma source(%dma_start3A_222 : memref<80x128xf32, #tpu.memory_space<vmem>>) target(%dma_start3A_218 : memref<80x128xf32, #tpu.memory_space<vmem_shared>>) target_semaphore(%run_scoped3A_208 : memref<!tpu.dma_semaphore, #tpu.memory_space<semaphore_mem>>)
        %dma_wait3A_223 = arith.constant 0 : i32
        %dma_wait3A_224 = arith.constant 0 : i32
        %dma_wait3A_225 = tpu.memref_slice %arg8[%run_scoped3A_206, %dma_wait3A_223, %dma_wait3A_224] : memref<3x80x128xf32, #tpu.memory_space<vmem>> -> memref<1x80x128xf32, #tpu.memory_space<vmem>>
        %dma_wait3A_226 = tpu.memref_squeeze %dma_wait3A_225 : memref<1x80x128xf32, #tpu.memory_space<vmem>> -> memref<80x128xf32, #tpu.memory_space<vmem>>
        %dma_wait3A_227 = arith.constant 9840 : i32
        %dma_wait3A_228 = arith.constant 0 : i32
        %dma_wait3A_229 = tpu.memref_slice %arg5[%dma_wait3A_227, %dma_wait3A_228] : memref<10000x128xf32, #tpu.memory_space<vmem_shared>> -> memref<80x128xf32, #tpu.memory_space<vmem_shared>>
        %dma_wait3A_230 = arith.constant 9840 : i32
        %dma_wait3A_231 = arith.constant 0 : i32
        %dma_wait3A_232 = tpu.memref_slice %arg5[%dma_wait3A_230, %dma_wait3A_231] : memref<10000x128xf32, #tpu.memory_space<vmem_shared>> -> memref<80x128xf32, #tpu.memory_space<vmem_shared>>
        %dma_wait3A_233 = arith.constant 0 : i32
        %dma_wait3A_234 = arith.constant 0 : i32
        %dma_wait3A_235 = tpu.memref_slice %arg8[%run_scoped3A_206, %dma_wait3A_233, %dma_wait3A_234] : memref<3x80x128xf32, #tpu.memory_space<vmem>> -> memref<1x80x128xf32, #tpu.memory_space<vmem>>
        %dma_wait3A_236 = tpu.memref_squeeze %dma_wait3A_235 : memref<1x80x128xf32, #tpu.memory_space<vmem>> -> memref<80x128xf32, #tpu.memory_space<vmem>>
        tpu.wait_dma2 semaphore(%run_scoped3A_208 : memref<!tpu.dma_semaphore, #tpu.memory_space<semaphore_mem>>) src(%dma_wait3A_236 : memref<80x128xf32, #tpu.memory_space<vmem>>) dst(%dma_wait3A_232 : memref<80x128xf32, #tpu.memory_space<vmem_shared>>)
        tpu.yield
      }) : () -> ()
      %run_scoped3A_207 = arith.constant 2 : i32
      "tpu.region"() ({
        %run_scoped3A_208 = tpu.sem_alloc : memref<!tpu.dma_semaphore, #tpu.memory_space<semaphore_mem>>
        %dma_start3A_209 = arith.constant 0 : i32
        %dma_start3A_210 = arith.constant 0 : i32
        %dma_start3A_211 = tpu.memref_slice %arg8[%run_scoped3A_207, %dma_start3A_209, %dma_start3A_210] : memref<3x80x128xf32, #tpu.memory_space<vmem>> -> memref<1x80x128xf32, #tpu.memory_space<vmem>>
        %dma_start3A_212 = tpu.memref_squeeze %dma_start3A_211 : memref<1x80x128xf32, #tpu.memory_space<vmem>> -> memref<80x128xf32, #tpu.memory_space<vmem>>
        %dma_start3A_213 = arith.constant 9920 : i32
        %dma_start3A_214 = arith.constant 0 : i32
        %dma_start3A_215 = tpu.memref_slice %arg5[%dma_start3A_213, %dma_start3A_214] : memref<10000x128xf32, #tpu.memory_space<vmem_shared>> -> memref<80x128xf32, #tpu.memory_space<vmem_shared>>
        %dma_start3A_216 = arith.constant 9920 : i32
        %dma_start3A_217 = arith.constant 0 : i32
        %dma_start3A_218 = tpu.memref_slice %arg5[%dma_start3A_216, %dma_start3A_217] : memref<10000x128xf32, #tpu.memory_space<vmem_shared>> -> memref<80x128xf32, #tpu.memory_space<vmem_shared>>
        %dma_start3A_219 = arith.constant 0 : i32
        %dma_start3A_220 = arith.constant 0 : i32
        %dma_start3A_221 = tpu.memref_slice %arg8[%run_scoped3A_207, %dma_start3A_219, %dma_start3A_220] : memref<3x80x128xf32, #tpu.memory_space<vmem>> -> memref<1x80x128xf32, #tpu.memory_space<vmem>>
        %dma_start3A_222 = tpu.memref_squeeze %dma_start3A_221 : memref<1x80x128xf32, #tpu.memory_space<vmem>> -> memref<80x128xf32, #tpu.memory_space<vmem>>
        tpu.enqueue_dma source(%dma_start3A_222 : memref<80x128xf32, #tpu.memory_space<vmem>>) target(%dma_start3A_218 : memref<80x128xf32, #tpu.memory_space<vmem_shared>>) target_semaphore(%run_scoped3A_208 : memref<!tpu.dma_semaphore, #tpu.memory_space<semaphore_mem>>)
        %dma_wait3A_223 = arith.constant 0 : i32
        %dma_wait3A_224 = arith.constant 0 : i32
        %dma_wait3A_225 = tpu.memref_slice %arg8[%run_scoped3A_207, %dma_wait3A_223, %dma_wait3A_224] : memref<3x80x128xf32, #tpu.memory_space<vmem>> -> memref<1x80x128xf32, #tpu.memory_space<vmem>>
        %dma_wait3A_226 = tpu.memref_squeeze %dma_wait3A_225 : memref<1x80x128xf32, #tpu.memory_space<vmem>> -> memref<80x128xf32, #tpu.memory_space<vmem>>
        %dma_wait3A_227 = arith.constant 9920 : i32
        %dma_wait3A_228 = arith.constant 0 : i32
        %dma_wait3A_229 = tpu.memref_slice %arg5[%dma_wait3A_227, %dma_wait3A_228] : memref<10000x128xf32, #tpu.memory_space<vmem_shared>> -> memref<80x128xf32, #tpu.memory_space<vmem_shared>>
        %dma_wait3A_230 = arith.constant 9920 : i32
        %dma_wait3A_231 = arith.constant 0 : i32
        %dma_wait3A_232 = tpu.memref_slice %arg5[%dma_wait3A_230, %dma_wait3A_231] : memref<10000x128xf32, #tpu.memory_space<vmem_shared>> -> memref<80x128xf32, #tpu.memory_space<vmem_shared>>
        %dma_wait3A_233 = arith.constant 0 : i32
        %dma_wait3A_234 = arith.constant 0 : i32
        %dma_wait3A_235 = tpu.memref_slice %arg8[%run_scoped3A_207, %dma_wait3A_233, %dma_wait3A_234] : memref<3x80x128xf32, #tpu.memory_space<vmem>> -> memref<1x80x128xf32, #tpu.memory_space<vmem>>
        %dma_wait3A_236 = tpu.memref_squeeze %dma_wait3A_235 : memref<1x80x128xf32, #tpu.memory_space<vmem>> -> memref<80x128xf32, #tpu.memory_space<vmem>>
        tpu.wait_dma2 semaphore(%run_scoped3A_208 : memref<!tpu.dma_semaphore, #tpu.memory_space<semaphore_mem>>) src(%dma_wait3A_236 : memref<80x128xf32, #tpu.memory_space<vmem>>) dst(%dma_wait3A_232 : memref<80x128xf32, #tpu.memory_space<vmem_shared>>)
        tpu.yield
      }) : () -> ()
    } else {
    }
    %barrier3A = arith.constant 0 : index
    tpu.barrier barrier_id(%barrier3A)
    %scan3A_71 = arith.constant 0 : i32
    %scan3A_72 = arith.constant 0 : i32
    %scan3A_73 = arith.constant 41 : i32
    %scan3A_74 = arith.addi %scan3A_72, %scan3A_73 : i32
    %scan3A_75 = arith.constant 1 : i32
    scf.for %scan3A_201 = %scan3A_72 to %scan3A_74 step %scan3A_75  : i32 {
      %mul3A_202 = arith.constant 3 : i32
      %mul3A_203 = arith.muli %mul3A_202, %scan3A_201 : i32
      %eq3A_204 = arith.constant 0 : i32
      %eq3A_205 = arith.cmpi eq, %scan3A_201, %eq3A_204 : i32
      %convert_element_type3A_206 = arith.extui %eq3A_205 : i1 to i32
      %cond3A_207 = arith.constant 0 : i32
      %cond3A_208 = arith.cmpi ne, %convert_element_type3A_206, %cond3A_207 : i32
      scf.if %cond3A_208 {
        %add3A_392 = arith.constant 160000 : i32
        %add3A_393 = arith.addi %add3A_392, %multiple_of3A_3 : i32
        %add3A_394 = arith.constant 0 : i32
        %add3A_395 = arith.addi %add3A_393, %add3A_394 : i32
        %multiple_of3A_396 = tpu.assume_multiple %add3A_395, 8 : i32
        %dma_wait3A_397 = arith.constant 0 : i32
        %dma_wait3A_398 = arith.constant 0 : i32
        %dma_wait3A_399 = tpu.memref_slice %arg7[%dma_wait3A_397, %dma_wait3A_398] : memref<3x80xi32, #tpu.memory_space<vmem>> -> memref<1x80xi32, #tpu.memory_space<vmem>>
        %dma_wait3A_400 = tpu.memref_squeeze %dma_wait3A_399 : memref<1x80xi32, #tpu.memory_space<vmem>> -> memref<80xi32, #tpu.memory_space<vmem>>
        %dma_wait3A_401 = tpu.memref_slice %arg3[%multiple_of3A_396] : memref<320000xi32, #tpu.memory_space<hbm>> -> memref<80xi32, #tpu.memory_space<hbm>>
        %dma_wait3A_402 = arith.constant 0 : i32
        %dma_wait3A_403 = tpu.memref_slice %arg7[%dma_wait3A_397, %dma_wait3A_402] : memref<3x80xi32, #tpu.memory_space<vmem>> -> memref<1x80xi32, #tpu.memory_space<vmem>>
        %dma_wait3A_404 = tpu.memref_squeeze %dma_wait3A_403 : memref<1x80xi32, #tpu.memory_space<vmem>> -> memref<80xi32, #tpu.memory_space<vmem>>
        %dma_wait3A_405 = tpu.memref_slice %arg3[%multiple_of3A_396] : memref<320000xi32, #tpu.memory_space<hbm>> -> memref<80xi32, #tpu.memory_space<hbm>>
        tpu.wait_dma2 semaphore(%arg15 : memref<!tpu.dma_semaphore, #tpu.memory_space<semaphore_mem>>) src(%dma_wait3A_405 : memref<80xi32, #tpu.memory_space<hbm>>) dst(%dma_wait3A_404 : memref<80xi32, #tpu.memory_space<vmem>>)
        %multiple_of3A_406 = arith.constant 0 : i32
        %multiple_of3A_407 = tpu.assume_multiple %multiple_of3A_406, 8 : i32
        %dma_wait3A_408 = arith.constant 0 : i32
        %dma_wait3A_409 = arith.constant 0 : i32
        %dma_wait3A_410 = arith.constant 0 : i32
        %dma_wait3A_411 = tpu.memref_slice %arg8[%dma_wait3A_408, %dma_wait3A_409, %dma_wait3A_410] : memref<3x80x128xf32, #tpu.memory_space<vmem>> -> memref<1x80x128xf32, #tpu.memory_space<vmem>>
        %dma_wait3A_412 = tpu.memref_squeeze %dma_wait3A_411 : memref<1x80x128xf32, #tpu.memory_space<vmem>> -> memref<80x128xf32, #tpu.memory_space<vmem>>
        %dma_wait3A_413 = tpu.memref_slice %arg6[%multiple_of3A_407] : memref<10000xi32, #tpu.memory_space<vmem>> -> memref<80xi32, #tpu.memory_space<vmem>>
        %dma_wait3A_414 = arith.constant 0 : i32
        %dma_wait3A_415 = tpu.memref_slice %arg2[%dma_wait3A_414, %multiple_of3A] : memref<10000x256xf32, #tpu.memory_space<hbm>> -> memref<10000x128xf32, #tpu.memory_space<hbm>>
        %dma_wait3A_416 = arith.constant 0 : i32
        %dma_wait3A_417 = arith.constant 0 : i32
        %dma_wait3A_418 = tpu.memref_slice %dma_wait3A_415[%dma_wait3A_416, %dma_wait3A_417] : memref<10000x128xf32, #tpu.memory_space<hbm>> -> memref<10000x128xf32, #tpu.memory_space<hbm>>
        tpu.wait_indirect_dma semaphore(%arg9 : memref<!tpu.dma_semaphore, #tpu.memory_space<semaphore_mem>>) src(%dma_wait3A_418 : memref<10000x128xf32, #tpu.memory_space<hbm>>) dst(%dma_wait3A_412 : memref<80x128xf32, #tpu.memory_space<vmem>>)
        %dma_start3A_419 = arith.constant 0 : i32
        %dma_start3A_420 = arith.constant 0 : i32
        %dma_start3A_421 = arith.constant 0 : i32
        %dma_start3A_422 = arith.constant 0 : i32
        %dma_start3A_423 = tpu.memref_slice %arg8[%dma_start3A_419, %dma_start3A_421, %dma_start3A_422] : memref<3x80x128xf32, #tpu.memory_space<vmem>> -> memref<1x80x128xf32, #tpu.memory_space<vmem>>
        %dma_start3A_424 = tpu.memref_squeeze %dma_start3A_423 : memref<1x80x128xf32, #tpu.memory_space<vmem>> -> memref<80x128xf32, #tpu.memory_space<vmem>>
        %dma_start3A_425 = arith.constant 0 : i32
        %dma_start3A_426 = tpu.memref_slice %arg7[%dma_start3A_420, %dma_start3A_425] : memref<3x80xi32, #tpu.memory_space<vmem>> -> memref<1x80xi32, #tpu.memory_space<vmem>>
        %dma_start3A_427 = tpu.memref_squeeze %dma_start3A_426 : memref<1x80xi32, #tpu.memory_space<vmem>> -> memref<80xi32, #tpu.memory_space<vmem>>
        %dma_start3A_428 = arith.constant 0 : i32
        %dma_start3A_429 = arith.constant 0 : i32
        %dma_start3A_430 = tpu.memref_slice %arg5[%dma_start3A_428, %dma_start3A_429] : memref<10000x128xf32, #tpu.memory_space<vmem_shared>> -> memref<10000x128xf32, #tpu.memory_space<vmem_shared>>
        tpu.enqueue_indirect_dma source(%dma_start3A_424 : memref<80x128xf32, #tpu.memory_space<vmem>>) target(%dma_start3A_430 : memref<10000x128xf32, #tpu.memory_space<vmem_shared>>) offsets(%dma_start3A_427 : memref<80xi32, #tpu.memory_space<vmem>>) semaphore(%arg12 : memref<!tpu.dma_semaphore, #tpu.memory_space<semaphore_mem>>) {add = true}
        %add3A_431 = arith.constant 160000 : i32
        %add3A_432 = arith.addi %add3A_431, %multiple_of3A_3 : i32
        %add3A_433 = arith.constant 160 : i32
        %add3A_434 = arith.addi %add3A_432, %add3A_433 : i32
        %multiple_of3A_435 = tpu.assume_multiple %add3A_434, 8 : i32
        %dma_start3A_436 = arith.constant 2 : i32
        %dma_start3A_437 = arith.constant 0 : i32
        %dma_start3A_438 = tpu.memref_slice %arg7[%dma_start3A_436, %dma_start3A_437] : memref<3x80xi32, #tpu.memory_space<vmem>> -> memref<1x80xi32, #tpu.memory_space<vmem>>
        %dma_start3A_439 = tpu.memref_squeeze %dma_start3A_438 : memref<1x80xi32, #tpu.memory_space<vmem>> -> memref<80xi32, #tpu.memory_space<vmem>>
        %dma_start3A_440 = tpu.memref_slice %arg3[%multiple_of3A_435] : memref<320000xi32, #tpu.memory_space<hbm>> -> memref<80xi32, #tpu.memory_space<hbm>>
        %dma_start3A_441 = arith.constant 0 : i32
        %dma_start3A_442 = tpu.memref_slice %arg7[%dma_start3A_436, %dma_start3A_441] : memref<3x80xi32, #tpu.memory_space<vmem>> -> memref<1x80xi32, #tpu.memory_space<vmem>>
        %dma_start3A_443 = tpu.memref_squeeze %dma_start3A_442 : memref<1x80xi32, #tpu.memory_space<vmem>> -> memref<80xi32, #tpu.memory_space<vmem>>
        %dma_start3A_444 = tpu.memref_slice %arg3[%multiple_of3A_435] : memref<320000xi32, #tpu.memory_space<hbm>> -> memref<80xi32, #tpu.memory_space<hbm>>
        tpu.enqueue_dma source(%dma_start3A_444 : memref<80xi32, #tpu.memory_space<hbm>>) target(%dma_start3A_443 : memref<80xi32, #tpu.memory_space<vmem>>) target_semaphore(%arg17 : memref<!tpu.dma_semaphore, #tpu.memory_space<semaphore_mem>>)
        %multiple_of3A_445 = arith.constant 160 : i32
        %multiple_of3A_446 = tpu.assume_multiple %multiple_of3A_445, 8 : i32
        %dma_start3A_447 = arith.constant 2 : i32
        %dma_start3A_448 = arith.constant 0 : i32
        %dma_start3A_449 = arith.constant 0 : i32
        %dma_start3A_450 = tpu.memref_slice %arg8[%dma_start3A_447, %dma_start3A_448, %dma_start3A_449] : memref<3x80x128xf32, #tpu.memory_space<vmem>> -> memref<1x80x128xf32, #tpu.memory_space<vmem>>
        %dma_start3A_451 = tpu.memref_squeeze %dma_start3A_450 : memref<1x80x128xf32, #tpu.memory_space<vmem>> -> memref<80x128xf32, #tpu.memory_space<vmem>>
        %dma_start3A_452 = tpu.memref_slice %arg6[%multiple_of3A_446] : memref<10000xi32, #tpu.memory_space<vmem>> -> memref<80xi32, #tpu.memory_space<vmem>>
        %dma_start3A_453 = arith.constant 0 : i32
        %dma_start3A_454 = tpu.memref_slice %arg2[%dma_start3A_453, %multiple_of3A] : memref<10000x256xf32, #tpu.memory_space<hbm>> -> memref<10000x128xf32, #tpu.memory_space<hbm>>
        %dma_start3A_455 = arith.constant 0 : i32
        %dma_start3A_456 = arith.constant 0 : i32
        %dma_start3A_457 = tpu.memref_slice %dma_start3A_454[%dma_start3A_455, %dma_start3A_456] : memref<10000x128xf32, #tpu.memory_space<hbm>> -> memref<10000x128xf32, #tpu.memory_space<hbm>>
        tpu.enqueue_indirect_dma source(%dma_start3A_457 : memref<10000x128xf32, #tpu.memory_space<hbm>>) target(%dma_start3A_451 : memref<80x128xf32, #tpu.memory_space<vmem>>) offsets(%dma_start3A_452 : memref<80xi32, #tpu.memory_space<vmem>>) semaphore(%arg11 : memref<!tpu.dma_semaphore, #tpu.memory_space<semaphore_mem>>)
      } else {
      }
      %gt3A = arith.constant 0 : i32
      %gt3A_209 = arith.cmpi sgt, %scan3A_201, %gt3A : i32
      %convert_element_type3A_210 = arith.extui %gt3A_209 : i1 to i32
      %cond3A_211 = arith.constant 0 : i32
      %cond3A_212 = arith.cmpi ne, %convert_element_type3A_210, %cond3A_211 : i32
      scf.if %cond3A_212 {
        %add3A_392 = arith.constant 160000 : i32
        %add3A_393 = arith.addi %add3A_392, %multiple_of3A_3 : i32
        %mul3A_394 = arith.constant 80 : i32
        %mul3A_395 = arith.muli %mul3A_203, %mul3A_394 : i32
        %add3A_396 = arith.addi %add3A_393, %mul3A_395 : i32
        %multiple_of3A_397 = tpu.assume_multiple %add3A_396, 8 : i32
        %dma_wait3A_398 = arith.constant 0 : i32
        %dma_wait3A_399 = arith.constant 0 : i32
        %dma_wait3A_400 = tpu.memref_slice %arg7[%dma_wait3A_398, %dma_wait3A_399] : memref<3x80xi32, #tpu.memory_space<vmem>> -> memref<1x80xi32, #tpu.memory_space<vmem>>
        %dma_wait3A_401 = tpu.memref_squeeze %dma_wait3A_400 : memref<1x80xi32, #tpu.memory_space<vmem>> -> memref<80xi32, #tpu.memory_space<vmem>>
        %dma_wait3A_402 = tpu.memref_slice %arg3[%multiple_of3A_397] : memref<320000xi32, #tpu.memory_space<hbm>> -> memref<80xi32, #tpu.memory_space<hbm>>
        %dma_wait3A_403 = arith.constant 0 : i32
        %dma_wait3A_404 = tpu.memref_slice %arg7[%dma_wait3A_398, %dma_wait3A_403] : memref<3x80xi32, #tpu.memory_space<vmem>> -> memref<1x80xi32, #tpu.memory_space<vmem>>
        %dma_wait3A_405 = tpu.memref_squeeze %dma_wait3A_404 : memref<1x80xi32, #tpu.memory_space<vmem>> -> memref<80xi32, #tpu.memory_space<vmem>>
        %dma_wait3A_406 = tpu.memref_slice %arg3[%multiple_of3A_397] : memref<320000xi32, #tpu.memory_space<hbm>> -> memref<80xi32, #tpu.memory_space<hbm>>
        tpu.wait_dma2 semaphore(%arg15 : memref<!tpu.dma_semaphore, #tpu.memory_space<semaphore_mem>>) src(%dma_wait3A_406 : memref<80xi32, #tpu.memory_space<hbm>>) dst(%dma_wait3A_405 : memref<80xi32, #tpu.memory_space<vmem>>)
        %mul3A_407 = arith.constant 80 : i32
        %mul3A_408 = arith.muli %mul3A_203, %mul3A_407 : i32
        %multiple_of3A_409 = tpu.assume_multiple %mul3A_408, 8 : i32
        %dma_wait3A_410 = arith.constant 0 : i32
        %dma_wait3A_411 = arith.constant 0 : i32
        %dma_wait3A_412 = arith.constant 0 : i32
        %dma_wait3A_413 = tpu.memref_slice %arg8[%dma_wait3A_410, %dma_wait3A_411, %dma_wait3A_412] : memref<3x80x128xf32, #tpu.memory_space<vmem>> -> memref<1x80x128xf32, #tpu.memory_space<vmem>>
        %dma_wait3A_414 = tpu.memref_squeeze %dma_wait3A_413 : memref<1x80x128xf32, #tpu.memory_space<vmem>> -> memref<80x128xf32, #tpu.memory_space<vmem>>
        %dma_wait3A_415 = tpu.memref_slice %arg6[%multiple_of3A_409] : memref<10000xi32, #tpu.memory_space<vmem>> -> memref<80xi32, #tpu.memory_space<vmem>>
        %dma_wait3A_416 = arith.constant 0 : i32
        %dma_wait3A_417 = tpu.memref_slice %arg2[%dma_wait3A_416, %multiple_of3A] : memref<10000x256xf32, #tpu.memory_space<hbm>> -> memref<10000x128xf32, #tpu.memory_space<hbm>>
        %dma_wait3A_418 = arith.constant 0 : i32
        %dma_wait3A_419 = arith.constant 0 : i32
        %dma_wait3A_420 = tpu.memref_slice %dma_wait3A_417[%dma_wait3A_418, %dma_wait3A_419] : memref<10000x128xf32, #tpu.memory_space<hbm>> -> memref<10000x128xf32, #tpu.memory_space<hbm>>
        tpu.wait_indirect_dma semaphore(%arg9 : memref<!tpu.dma_semaphore, #tpu.memory_space<semaphore_mem>>) src(%dma_wait3A_420 : memref<10000x128xf32, #tpu.memory_space<hbm>>) dst(%dma_wait3A_414 : memref<80x128xf32, #tpu.memory_space<vmem>>)
        %dma_start3A_421 = arith.constant 0 : i32
        %dma_start3A_422 = arith.constant 0 : i32
        %dma_start3A_423 = arith.constant 0 : i32
        %dma_start3A_424 = arith.constant 0 : i32
        %dma_start3A_425 = tpu.memref_slice %arg8[%dma_start3A_421, %dma_start3A_423, %dma_start3A_424] : memref<3x80x128xf32, #tpu.memory_space<vmem>> -> memref<1x80x128xf32, #tpu.memory_space<vmem>>
        %dma_start3A_426 = tpu.memref_squeeze %dma_start3A_425 : memref<1x80x128xf32, #tpu.memory_space<vmem>> -> memref<80x128xf32, #tpu.memory_space<vmem>>
        %dma_start3A_427 = arith.constant 0 : i32
        %dma_start3A_428 = tpu.memref_slice %arg7[%dma_start3A_422, %dma_start3A_427] : memref<3x80xi32, #tpu.memory_space<vmem>> -> memref<1x80xi32, #tpu.memory_space<vmem>>
        %dma_start3A_429 = tpu.memref_squeeze %dma_start3A_428 : memref<1x80xi32, #tpu.memory_space<vmem>> -> memref<80xi32, #tpu.memory_space<vmem>>
        %dma_start3A_430 = arith.constant 0 : i32
        %dma_start3A_431 = arith.constant 0 : i32
        %dma_start3A_432 = tpu.memref_slice %arg5[%dma_start3A_430, %dma_start3A_431] : memref<10000x128xf32, #tpu.memory_space<vmem_shared>> -> memref<10000x128xf32, #tpu.memory_space<vmem_shared>>
        tpu.enqueue_indirect_dma source(%dma_start3A_426 : memref<80x128xf32, #tpu.memory_space<vmem>>) target(%dma_start3A_432 : memref<10000x128xf32, #tpu.memory_space<vmem_shared>>) offsets(%dma_start3A_429 : memref<80xi32, #tpu.memory_space<vmem>>) semaphore(%arg12 : memref<!tpu.dma_semaphore, #tpu.memory_space<semaphore_mem>>) {add = true}
        %sub3A_433 = arith.constant 1 : i32
        %sub3A_434 = arith.subi %mul3A_203, %sub3A_433 : i32
        %dma_wait3A_435 = arith.constant 2 : i32
        %dma_wait3A_436 = arith.constant 2 : i32
        %dma_wait3A_437 = arith.constant 0 : i32
        %dma_wait3A_438 = arith.constant 0 : i32
        %dma_wait3A_439 = tpu.memref_slice %arg8[%dma_wait3A_435, %dma_wait3A_437, %dma_wait3A_438] : memref<3x80x128xf32, #tpu.memory_space<vmem>> -> memref<1x80x128xf32, #tpu.memory_space<vmem>>
        %dma_wait3A_440 = tpu.memref_squeeze %dma_wait3A_439 : memref<1x80x128xf32, #tpu.memory_space<vmem>> -> memref<80x128xf32, #tpu.memory_space<vmem>>
        %dma_wait3A_441 = arith.constant 0 : i32
        %dma_wait3A_442 = tpu.memref_slice %arg7[%dma_wait3A_436, %dma_wait3A_441] : memref<3x80xi32, #tpu.memory_space<vmem>> -> memref<1x80xi32, #tpu.memory_space<vmem>>
        %dma_wait3A_443 = tpu.memref_squeeze %dma_wait3A_442 : memref<1x80xi32, #tpu.memory_space<vmem>> -> memref<80xi32, #tpu.memory_space<vmem>>
        %dma_wait3A_444 = arith.constant 0 : i32
        %dma_wait3A_445 = arith.constant 0 : i32
        %dma_wait3A_446 = tpu.memref_slice %arg5[%dma_wait3A_444, %dma_wait3A_445] : memref<10000x128xf32, #tpu.memory_space<vmem_shared>> -> memref<10000x128xf32, #tpu.memory_space<vmem_shared>>
        tpu.wait_indirect_dma semaphore(%arg14 : memref<!tpu.dma_semaphore, #tpu.memory_space<semaphore_mem>>) src(%dma_wait3A_440 : memref<80x128xf32, #tpu.memory_space<vmem>>) dst(%dma_wait3A_446 : memref<10000x128xf32, #tpu.memory_space<vmem_shared>>)
        %add3A_447 = arith.constant 2 : i32
        %add3A_448 = arith.addi %mul3A_203, %add3A_447 : i32
        %add3A_449 = arith.constant 160000 : i32
        %add3A_450 = arith.addi %add3A_449, %multiple_of3A_3 : i32
        %mul3A_451 = arith.constant 80 : i32
        %mul3A_452 = arith.muli %add3A_448, %mul3A_451 : i32
        %add3A_453 = arith.addi %add3A_450, %mul3A_452 : i32
        %multiple_of3A_454 = tpu.assume_multiple %add3A_453, 8 : i32
        %dma_start3A_455 = arith.constant 2 : i32
        %dma_start3A_456 = arith.constant 0 : i32
        %dma_start3A_457 = tpu.memref_slice %arg7[%dma_start3A_455, %dma_start3A_456] : memref<3x80xi32, #tpu.memory_space<vmem>> -> memref<1x80xi32, #tpu.memory_space<vmem>>
        %dma_start3A_458 = tpu.memref_squeeze %dma_start3A_457 : memref<1x80xi32, #tpu.memory_space<vmem>> -> memref<80xi32, #tpu.memory_space<vmem>>
        %dma_start3A_459 = tpu.memref_slice %arg3[%multiple_of3A_454] : memref<320000xi32, #tpu.memory_space<hbm>> -> memref<80xi32, #tpu.memory_space<hbm>>
        %dma_start3A_460 = arith.constant 0 : i32
        %dma_start3A_461 = tpu.memref_slice %arg7[%dma_start3A_455, %dma_start3A_460] : memref<3x80xi32, #tpu.memory_space<vmem>> -> memref<1x80xi32, #tpu.memory_space<vmem>>
        %dma_start3A_462 = tpu.memref_squeeze %dma_start3A_461 : memref<1x80xi32, #tpu.memory_space<vmem>> -> memref<80xi32, #tpu.memory_space<vmem>>
        %dma_start3A_463 = tpu.memref_slice %arg3[%multiple_of3A_454] : memref<320000xi32, #tpu.memory_space<hbm>> -> memref<80xi32, #tpu.memory_space<hbm>>
        tpu.enqueue_dma source(%dma_start3A_463 : memref<80xi32, #tpu.memory_space<hbm>>) target(%dma_start3A_462 : memref<80xi32, #tpu.memory_space<vmem>>) target_semaphore(%arg17 : memref<!tpu.dma_semaphore, #tpu.memory_space<semaphore_mem>>)
        %add3A_464 = arith.constant 2 : i32
        %add3A_465 = arith.addi %mul3A_203, %add3A_464 : i32
        %mul3A_466 = arith.constant 80 : i32
        %mul3A_467 = arith.muli %add3A_465, %mul3A_466 : i32
        %multiple_of3A_468 = tpu.assume_multiple %mul3A_467, 8 : i32
        %dma_start3A_469 = arith.constant 2 : i32
        %dma_start3A_470 = arith.constant 0 : i32
        %dma_start3A_471 = arith.constant 0 : i32
        %dma_start3A_472 = tpu.memref_slice %arg8[%dma_start3A_469, %dma_start3A_470, %dma_start3A_471] : memref<3x80x128xf32, #tpu.memory_space<vmem>> -> memref<1x80x128xf32, #tpu.memory_space<vmem>>
        %dma_start3A_473 = tpu.memref_squeeze %dma_start3A_472 : memref<1x80x128xf32, #tpu.memory_space<vmem>> -> memref<80x128xf32, #tpu.memory_space<vmem>>
        %dma_start3A_474 = tpu.memref_slice %arg6[%multiple_of3A_468] : memref<10000xi32, #tpu.memory_space<vmem>> -> memref<80xi32, #tpu.memory_space<vmem>>
        %dma_start3A_475 = arith.constant 0 : i32
        %dma_start3A_476 = tpu.memref_slice %arg2[%dma_start3A_475, %multiple_of3A] : memref<10000x256xf32, #tpu.memory_space<hbm>> -> memref<10000x128xf32, #tpu.memory_space<hbm>>
        %dma_start3A_477 = arith.constant 0 : i32
        %dma_start3A_478 = arith.constant 0 : i32
        %dma_start3A_479 = tpu.memref_slice %dma_start3A_476[%dma_start3A_477, %dma_start3A_478] : memref<10000x128xf32, #tpu.memory_space<hbm>> -> memref<10000x128xf32, #tpu.memory_space<hbm>>
        tpu.enqueue_indirect_dma source(%dma_start3A_479 : memref<10000x128xf32, #tpu.memory_space<hbm>>) target(%dma_start3A_473 : memref<80x128xf32, #tpu.memory_space<vmem>>) offsets(%dma_start3A_474 : memref<80xi32, #tpu.memory_space<vmem>>) semaphore(%arg11 : memref<!tpu.dma_semaphore, #tpu.memory_space<semaphore_mem>>)
      } else {
      }
      %add3A_213 = arith.constant 1 : i32
      %add3A_214 = arith.addi %mul3A_203, %add3A_213 : i32
      %add3A_215 = arith.constant 160000 : i32
      %add3A_216 = arith.addi %add3A_215, %multiple_of3A_3 : i32
      %mul3A_217 = arith.constant 80 : i32
      %mul3A_218 = arith.muli %add3A_214, %mul3A_217 : i32
      %add3A_219 = arith.addi %add3A_216, %mul3A_218 : i32
      %multiple_of3A_220 = tpu.assume_multiple %add3A_219, 8 : i32
      %dma_wait3A_221 = arith.constant 1 : i32
      %dma_wait3A_222 = arith.constant 0 : i32
      %dma_wait3A_223 = tpu.memref_slice %arg7[%dma_wait3A_221, %dma_wait3A_222] : memref<3x80xi32, #tpu.memory_space<vmem>> -> memref<1x80xi32, #tpu.memory_space<vmem>>
      %dma_wait3A_224 = tpu.memref_squeeze %dma_wait3A_223 : memref<1x80xi32, #tpu.memory_space<vmem>> -> memref<80xi32, #tpu.memory_space<vmem>>
      %dma_wait3A_225 = tpu.memref_slice %arg3[%multiple_of3A_220] : memref<320000xi32, #tpu.memory_space<hbm>> -> memref<80xi32, #tpu.memory_space<hbm>>
      %dma_wait3A_226 = arith.constant 0 : i32
      %dma_wait3A_227 = tpu.memref_slice %arg7[%dma_wait3A_221, %dma_wait3A_226] : memref<3x80xi32, #tpu.memory_space<vmem>> -> memref<1x80xi32, #tpu.memory_space<vmem>>
      %dma_wait3A_228 = tpu.memref_squeeze %dma_wait3A_227 : memref<1x80xi32, #tpu.memory_space<vmem>> -> memref<80xi32, #tpu.memory_space<vmem>>
      %dma_wait3A_229 = tpu.memref_slice %arg3[%multiple_of3A_220] : memref<320000xi32, #tpu.memory_space<hbm>> -> memref<80xi32, #tpu.memory_space<hbm>>
      tpu.wait_dma2 semaphore(%arg16 : memref<!tpu.dma_semaphore, #tpu.memory_space<semaphore_mem>>) src(%dma_wait3A_229 : memref<80xi32, #tpu.memory_space<hbm>>) dst(%dma_wait3A_228 : memref<80xi32, #tpu.memory_space<vmem>>)
      %mul3A_230 = arith.constant 80 : i32
      %mul3A_231 = arith.muli %add3A_214, %mul3A_230 : i32
      %multiple_of3A_232 = tpu.assume_multiple %mul3A_231, 8 : i32
      %dma_wait3A_233 = arith.constant 1 : i32
      %dma_wait3A_234 = arith.constant 0 : i32
      %dma_wait3A_235 = arith.constant 0 : i32
      %dma_wait3A_236 = tpu.memref_slice %arg8[%dma_wait3A_233, %dma_wait3A_234, %dma_wait3A_235] : memref<3x80x128xf32, #tpu.memory_space<vmem>> -> memref<1x80x128xf32, #tpu.memory_space<vmem>>
      %dma_wait3A_237 = tpu.memref_squeeze %dma_wait3A_236 : memref<1x80x128xf32, #tpu.memory_space<vmem>> -> memref<80x128xf32, #tpu.memory_space<vmem>>
      %dma_wait3A_238 = tpu.memref_slice %arg6[%multiple_of3A_232] : memref<10000xi32, #tpu.memory_space<vmem>> -> memref<80xi32, #tpu.memory_space<vmem>>
      %dma_wait3A_239 = arith.constant 0 : i32
      %dma_wait3A_240 = tpu.memref_slice %arg2[%dma_wait3A_239, %multiple_of3A] : memref<10000x256xf32, #tpu.memory_space<hbm>> -> memref<10000x128xf32, #tpu.memory_space<hbm>>
      %dma_wait3A_241 = arith.constant 0 : i32
      %dma_wait3A_242 = arith.constant 0 : i32
      %dma_wait3A_243 = tpu.memref_slice %dma_wait3A_240[%dma_wait3A_241, %dma_wait3A_242] : memref<10000x128xf32, #tpu.memory_space<hbm>> -> memref<10000x128xf32, #tpu.memory_space<hbm>>
      tpu.wait_indirect_dma semaphore(%arg10 : memref<!tpu.dma_semaphore, #tpu.memory_space<semaphore_mem>>) src(%dma_wait3A_243 : memref<10000x128xf32, #tpu.memory_space<hbm>>) dst(%dma_wait3A_237 : memref<80x128xf32, #tpu.memory_space<vmem>>)
      %dma_start3A_244 = arith.constant 1 : i32
      %dma_start3A_245 = arith.constant 1 : i32
      %dma_start3A_246 = arith.constant 0 : i32
      %dma_start3A_247 = arith.constant 0 : i32
      %dma_start3A_248 = tpu.memref_slice %arg8[%dma_start3A_244, %dma_start3A_246, %dma_start3A_247] : memref<3x80x128xf32, #tpu.memory_space<vmem>> -> memref<1x80x128xf32, #tpu.memory_space<vmem>>
      %dma_start3A_249 = tpu.memref_squeeze %dma_start3A_248 : memref<1x80x128xf32, #tpu.memory_space<vmem>> -> memref<80x128xf32, #tpu.memory_space<vmem>>
      %dma_start3A_250 = arith.constant 0 : i32
      %dma_start3A_251 = tpu.memref_slice %arg7[%dma_start3A_245, %dma_start3A_250] : memref<3x80xi32, #tpu.memory_space<vmem>> -> memref<1x80xi32, #tpu.memory_space<vmem>>
      %dma_start3A_252 = tpu.memref_squeeze %dma_start3A_251 : memref<1x80xi32, #tpu.memory_space<vmem>> -> memref<80xi32, #tpu.memory_space<vmem>>
      %dma_start3A_253 = arith.constant 0 : i32
      %dma_start3A_254 = arith.constant 0 : i32
      %dma_start3A_255 = tpu.memref_slice %arg5[%dma_start3A_253, %dma_start3A_254] : memref<10000x128xf32, #tpu.memory_space<vmem_shared>> -> memref<10000x128xf32, #tpu.memory_space<vmem_shared>>
      tpu.enqueue_indirect_dma source(%dma_start3A_249 : memref<80x128xf32, #tpu.memory_space<vmem>>) target(%dma_start3A_255 : memref<10000x128xf32, #tpu.memory_space<vmem_shared>>) offsets(%dma_start3A_252 : memref<80xi32, #tpu.memory_space<vmem>>) semaphore(%arg13 : memref<!tpu.dma_semaphore, #tpu.memory_space<semaphore_mem>>) {add = true}
      %sub3A = arith.constant 1 : i32
      %sub3A_256 = arith.subi %add3A_214, %sub3A : i32
      %dma_wait3A_257 = arith.constant 0 : i32
      %dma_wait3A_258 = arith.constant 0 : i32
      %dma_wait3A_259 = arith.constant 0 : i32
      %dma_wait3A_260 = arith.constant 0 : i32
      %dma_wait3A_261 = tpu.memref_slice %arg8[%dma_wait3A_257, %dma_wait3A_259, %dma_wait3A_260] : memref<3x80x128xf32, #tpu.memory_space<vmem>> -> memref<1x80x128xf32, #tpu.memory_space<vmem>>
      %dma_wait3A_262 = tpu.memref_squeeze %dma_wait3A_261 : memref<1x80x128xf32, #tpu.memory_space<vmem>> -> memref<80x128xf32, #tpu.memory_space<vmem>>
      %dma_wait3A_263 = arith.constant 0 : i32
      %dma_wait3A_264 = tpu.memref_slice %arg7[%dma_wait3A_258, %dma_wait3A_263] : memref<3x80xi32, #tpu.memory_space<vmem>> -> memref<1x80xi32, #tpu.memory_space<vmem>>
      %dma_wait3A_265 = tpu.memref_squeeze %dma_wait3A_264 : memref<1x80xi32, #tpu.memory_space<vmem>> -> memref<80xi32, #tpu.memory_space<vmem>>
      %dma_wait3A_266 = arith.constant 0 : i32
      %dma_wait3A_267 = arith.constant 0 : i32
      %dma_wait3A_268 = tpu.memref_slice %arg5[%dma_wait3A_266, %dma_wait3A_267] : memref<10000x128xf32, #tpu.memory_space<vmem_shared>> -> memref<10000x128xf32, #tpu.memory_space<vmem_shared>>
      tpu.wait_indirect_dma semaphore(%arg12 : memref<!tpu.dma_semaphore, #tpu.memory_space<semaphore_mem>>) src(%dma_wait3A_262 : memref<80x128xf32, #tpu.memory_space<vmem>>) dst(%dma_wait3A_268 : memref<10000x128xf32, #tpu.memory_space<vmem_shared>>)
      %add3A_269 = arith.constant 2 : i32
      %add3A_270 = arith.addi %add3A_214, %add3A_269 : i32
      %add3A_271 = arith.constant 160000 : i32
      %add3A_272 = arith.addi %add3A_271, %multiple_of3A_3 : i32
      %mul3A_273 = arith.constant 80 : i32
      %mul3A_274 = arith.muli %add3A_270, %mul3A_273 : i32
      %add3A_275 = arith.addi %add3A_272, %mul3A_274 : i32
      %multiple_of3A_276 = tpu.assume_multiple %add3A_275, 8 : i32
      %dma_start3A_277 = arith.constant 0 : i32
      %dma_start3A_278 = arith.constant 0 : i32
      %dma_start3A_279 = tpu.memref_slice %arg7[%dma_start3A_277, %dma_start3A_278] : memref<3x80xi32, #tpu.memory_space<vmem>> -> memref<1x80xi32, #tpu.memory_space<vmem>>
      %dma_start3A_280 = tpu.memref_squeeze %dma_start3A_279 : memref<1x80xi32, #tpu.memory_space<vmem>> -> memref<80xi32, #tpu.memory_space<vmem>>
      %dma_start3A_281 = tpu.memref_slice %arg3[%multiple_of3A_276] : memref<320000xi32, #tpu.memory_space<hbm>> -> memref<80xi32, #tpu.memory_space<hbm>>
      %dma_start3A_282 = arith.constant 0 : i32
      %dma_start3A_283 = tpu.memref_slice %arg7[%dma_start3A_277, %dma_start3A_282] : memref<3x80xi32, #tpu.memory_space<vmem>> -> memref<1x80xi32, #tpu.memory_space<vmem>>
      %dma_start3A_284 = tpu.memref_squeeze %dma_start3A_283 : memref<1x80xi32, #tpu.memory_space<vmem>> -> memref<80xi32, #tpu.memory_space<vmem>>
      %dma_start3A_285 = tpu.memref_slice %arg3[%multiple_of3A_276] : memref<320000xi32, #tpu.memory_space<hbm>> -> memref<80xi32, #tpu.memory_space<hbm>>
      tpu.enqueue_dma source(%dma_start3A_285 : memref<80xi32, #tpu.memory_space<hbm>>) target(%dma_start3A_284 : memref<80xi32, #tpu.memory_space<vmem>>) target_semaphore(%arg15 : memref<!tpu.dma_semaphore, #tpu.memory_space<semaphore_mem>>)
      %add3A_286 = arith.constant 2 : i32
      %add3A_287 = arith.addi %add3A_214, %add3A_286 : i32
      %mul3A_288 = arith.constant 80 : i32
      %mul3A_289 = arith.muli %add3A_287, %mul3A_288 : i32
      %multiple_of3A_290 = tpu.assume_multiple %mul3A_289, 8 : i32
      %dma_start3A_291 = arith.constant 0 : i32
      %dma_start3A_292 = arith.constant 0 : i32
      %dma_start3A_293 = arith.constant 0 : i32
      %dma_start3A_294 = tpu.memref_slice %arg8[%dma_start3A_291, %dma_start3A_292, %dma_start3A_293] : memref<3x80x128xf32, #tpu.memory_space<vmem>> -> memref<1x80x128xf32, #tpu.memory_space<vmem>>
      %dma_start3A_295 = tpu.memref_squeeze %dma_start3A_294 : memref<1x80x128xf32, #tpu.memory_space<vmem>> -> memref<80x128xf32, #tpu.memory_space<vmem>>
      %dma_start3A_296 = tpu.memref_slice %arg6[%multiple_of3A_290] : memref<10000xi32, #tpu.memory_space<vmem>> -> memref<80xi32, #tpu.memory_space<vmem>>
      %dma_start3A_297 = arith.constant 0 : i32
      %dma_start3A_298 = tpu.memref_slice %arg2[%dma_start3A_297, %multiple_of3A] : memref<10000x256xf32, #tpu.memory_space<hbm>> -> memref<10000x128xf32, #tpu.memory_space<hbm>>
      %dma_start3A_299 = arith.constant 0 : i32
      %dma_start3A_300 = arith.constant 0 : i32
      %dma_start3A_301 = tpu.memref_slice %dma_start3A_298[%dma_start3A_299, %dma_start3A_300] : memref<10000x128xf32, #tpu.memory_space<hbm>> -> memref<10000x128xf32, #tpu.memory_space<hbm>>
      tpu.enqueue_indirect_dma source(%dma_start3A_301 : memref<10000x128xf32, #tpu.memory_space<hbm>>) target(%dma_start3A_295 : memref<80x128xf32, #tpu.memory_space<vmem>>) offsets(%dma_start3A_296 : memref<80xi32, #tpu.memory_space<vmem>>) semaphore(%arg9 : memref<!tpu.dma_semaphore, #tpu.memory_space<semaphore_mem>>)
      %add3A_302 = arith.constant 2 : i32
      %add3A_303 = arith.addi %mul3A_203, %add3A_302 : i32
      %add3A_304 = arith.constant 160000 : i32
      %add3A_305 = arith.addi %add3A_304, %multiple_of3A_3 : i32
      %mul3A_306 = arith.constant 80 : i32
      %mul3A_307 = arith.muli %add3A_303, %mul3A_306 : i32
      %add3A_308 = arith.addi %add3A_305, %mul3A_307 : i32
      %multiple_of3A_309 = tpu.assume_multiple %add3A_308, 8 : i32
      %dma_wait3A_310 = arith.constant 2 : i32
      %dma_wait3A_311 = arith.constant 0 : i32
      %dma_wait3A_312 = tpu.memref_slice %arg7[%dma_wait3A_310, %dma_wait3A_311] : memref<3x80xi32, #tpu.memory_space<vmem>> -> memref<1x80xi32, #tpu.memory_space<vmem>>
      %dma_wait3A_313 = tpu.memref_squeeze %dma_wait3A_312 : memref<1x80xi32, #tpu.memory_space<vmem>> -> memref<80xi32, #tpu.memory_space<vmem>>
      %dma_wait3A_314 = tpu.memref_slice %arg3[%multiple_of3A_309] : memref<320000xi32, #tpu.memory_space<hbm>> -> memref<80xi32, #tpu.memory_space<hbm>>
      %dma_wait3A_315 = arith.constant 0 : i32
      %dma_wait3A_316 = tpu.memref_slice %arg7[%dma_wait3A_310, %dma_wait3A_315] : memref<3x80xi32, #tpu.memory_space<vmem>> -> memref<1x80xi32, #tpu.memory_space<vmem>>
      %dma_wait3A_317 = tpu.memref_squeeze %dma_wait3A_316 : memref<1x80xi32, #tpu.memory_space<vmem>> -> memref<80xi32, #tpu.memory_space<vmem>>
      %dma_wait3A_318 = tpu.memref_slice %arg3[%multiple_of3A_309] : memref<320000xi32, #tpu.memory_space<hbm>> -> memref<80xi32, #tpu.memory_space<hbm>>
      tpu.wait_dma2 semaphore(%arg17 : memref<!tpu.dma_semaphore, #tpu.memory_space<semaphore_mem>>) src(%dma_wait3A_318 : memref<80xi32, #tpu.memory_space<hbm>>) dst(%dma_wait3A_317 : memref<80xi32, #tpu.memory_space<vmem>>)
      %mul3A_319 = arith.constant 80 : i32
      %mul3A_320 = arith.muli %add3A_303, %mul3A_319 : i32
      %multiple_of3A_321 = tpu.assume_multiple %mul3A_320, 8 : i32
      %dma_wait3A_322 = arith.constant 2 : i32
      %dma_wait3A_323 = arith.constant 0 : i32
      %dma_wait3A_324 = arith.constant 0 : i32
      %dma_wait3A_325 = tpu.memref_slice %arg8[%dma_wait3A_322, %dma_wait3A_323, %dma_wait3A_324] : memref<3x80x128xf32, #tpu.memory_space<vmem>> -> memref<1x80x128xf32, #tpu.memory_space<vmem>>
      %dma_wait3A_326 = tpu.memref_squeeze %dma_wait3A_325 : memref<1x80x128xf32, #tpu.memory_space<vmem>> -> memref<80x128xf32, #tpu.memory_space<vmem>>
      %dma_wait3A_327 = tpu.memref_slice %arg6[%multiple_of3A_321] : memref<10000xi32, #tpu.memory_space<vmem>> -> memref<80xi32, #tpu.memory_space<vmem>>
      %dma_wait3A_328 = arith.constant 0 : i32
      %dma_wait3A_329 = tpu.memref_slice %arg2[%dma_wait3A_328, %multiple_of3A] : memref<10000x256xf32, #tpu.memory_space<hbm>> -> memref<10000x128xf32, #tpu.memory_space<hbm>>
      %dma_wait3A_330 = arith.constant 0 : i32
      %dma_wait3A_331 = arith.constant 0 : i32
      %dma_wait3A_332 = tpu.memref_slice %dma_wait3A_329[%dma_wait3A_330, %dma_wait3A_331] : memref<10000x128xf32, #tpu.memory_space<hbm>> -> memref<10000x128xf32, #tpu.memory_space<hbm>>
      tpu.wait_indirect_dma semaphore(%arg11 : memref<!tpu.dma_semaphore, #tpu.memory_space<semaphore_mem>>) src(%dma_wait3A_332 : memref<10000x128xf32, #tpu.memory_space<hbm>>) dst(%dma_wait3A_326 : memref<80x128xf32, #tpu.memory_space<vmem>>)
      %dma_start3A_333 = arith.constant 2 : i32
      %dma_start3A_334 = arith.constant 2 : i32
      %dma_start3A_335 = arith.constant 0 : i32
      %dma_start3A_336 = arith.constant 0 : i32
      %dma_start3A_337 = tpu.memref_slice %arg8[%dma_start3A_333, %dma_start3A_335, %dma_start3A_336] : memref<3x80x128xf32, #tpu.memory_space<vmem>> -> memref<1x80x128xf32, #tpu.memory_space<vmem>>
      %dma_start3A_338 = tpu.memref_squeeze %dma_start3A_337 : memref<1x80x128xf32, #tpu.memory_space<vmem>> -> memref<80x128xf32, #tpu.memory_space<vmem>>
      %dma_start3A_339 = arith.constant 0 : i32
      %dma_start3A_340 = tpu.memref_slice %arg7[%dma_start3A_334, %dma_start3A_339] : memref<3x80xi32, #tpu.memory_space<vmem>> -> memref<1x80xi32, #tpu.memory_space<vmem>>
      %dma_start3A_341 = tpu.memref_squeeze %dma_start3A_340 : memref<1x80xi32, #tpu.memory_space<vmem>> -> memref<80xi32, #tpu.memory_space<vmem>>
      %dma_start3A_342 = arith.constant 0 : i32
      %dma_start3A_343 = arith.constant 0 : i32
      %dma_start3A_344 = tpu.memref_slice %arg5[%dma_start3A_342, %dma_start3A_343] : memref<10000x128xf32, #tpu.memory_space<vmem_shared>> -> memref<10000x128xf32, #tpu.memory_space<vmem_shared>>
      tpu.enqueue_indirect_dma source(%dma_start3A_338 : memref<80x128xf32, #tpu.memory_space<vmem>>) target(%dma_start3A_344 : memref<10000x128xf32, #tpu.memory_space<vmem_shared>>) offsets(%dma_start3A_341 : memref<80xi32, #tpu.memory_space<vmem>>) semaphore(%arg14 : memref<!tpu.dma_semaphore, #tpu.memory_space<semaphore_mem>>) {add = true}
      %sub3A_345 = arith.constant 1 : i32
      %sub3A_346 = arith.subi %add3A_303, %sub3A_345 : i32
      %dma_wait3A_347 = arith.constant 1 : i32
      %dma_wait3A_348 = arith.constant 1 : i32
      %dma_wait3A_349 = arith.constant 0 : i32
      %dma_wait3A_350 = arith.constant 0 : i32
      %dma_wait3A_351 = tpu.memref_slice %arg8[%dma_wait3A_347, %dma_wait3A_349, %dma_wait3A_350] : memref<3x80x128xf32, #tpu.memory_space<vmem>> -> memref<1x80x128xf32, #tpu.memory_space<vmem>>
      %dma_wait3A_352 = tpu.memref_squeeze %dma_wait3A_351 : memref<1x80x128xf32, #tpu.memory_space<vmem>> -> memref<80x128xf32, #tpu.memory_space<vmem>>
      %dma_wait3A_353 = arith.constant 0 : i32
      %dma_wait3A_354 = tpu.memref_slice %arg7[%dma_wait3A_348, %dma_wait3A_353] : memref<3x80xi32, #tpu.memory_space<vmem>> -> memref<1x80xi32, #tpu.memory_space<vmem>>
      %dma_wait3A_355 = tpu.memref_squeeze %dma_wait3A_354 : memref<1x80xi32, #tpu.memory_space<vmem>> -> memref<80xi32, #tpu.memory_space<vmem>>
      %dma_wait3A_356 = arith.constant 0 : i32
      %dma_wait3A_357 = arith.constant 0 : i32
      %dma_wait3A_358 = tpu.memref_slice %arg5[%dma_wait3A_356, %dma_wait3A_357] : memref<10000x128xf32, #tpu.memory_space<vmem_shared>> -> memref<10000x128xf32, #tpu.memory_space<vmem_shared>>
      tpu.wait_indirect_dma semaphore(%arg13 : memref<!tpu.dma_semaphore, #tpu.memory_space<semaphore_mem>>) src(%dma_wait3A_352 : memref<80x128xf32, #tpu.memory_space<vmem>>) dst(%dma_wait3A_358 : memref<10000x128xf32, #tpu.memory_space<vmem_shared>>)
      %add3A_359 = arith.constant 2 : i32
      %add3A_360 = arith.addi %add3A_303, %add3A_359 : i32
      %add3A_361 = arith.constant 160000 : i32
      %add3A_362 = arith.addi %add3A_361, %multiple_of3A_3 : i32
      %mul3A_363 = arith.constant 80 : i32
      %mul3A_364 = arith.muli %add3A_360, %mul3A_363 : i32
      %add3A_365 = arith.addi %add3A_362, %mul3A_364 : i32
      %multiple_of3A_366 = tpu.assume_multiple %add3A_365, 8 : i32
      %dma_start3A_367 = arith.constant 1 : i32
      %dma_start3A_368 = arith.constant 0 : i32
      %dma_start3A_369 = tpu.memref_slice %arg7[%dma_start3A_367, %dma_start3A_368] : memref<3x80xi32, #tpu.memory_space<vmem>> -> memref<1x80xi32, #tpu.memory_space<vmem>>
      %dma_start3A_370 = tpu.memref_squeeze %dma_start3A_369 : memref<1x80xi32, #tpu.memory_space<vmem>> -> memref<80xi32, #tpu.memory_space<vmem>>
      %dma_start3A_371 = tpu.memref_slice %arg3[%multiple_of3A_366] : memref<320000xi32, #tpu.memory_space<hbm>> -> memref<80xi32, #tpu.memory_space<hbm>>
      %dma_start3A_372 = arith.constant 0 : i32
      %dma_start3A_373 = tpu.memref_slice %arg7[%dma_start3A_367, %dma_start3A_372] : memref<3x80xi32, #tpu.memory_space<vmem>> -> memref<1x80xi32, #tpu.memory_space<vmem>>
      %dma_start3A_374 = tpu.memref_squeeze %dma_start3A_373 : memref<1x80xi32, #tpu.memory_space<vmem>> -> memref<80xi32, #tpu.memory_space<vmem>>
      %dma_start3A_375 = tpu.memref_slice %arg3[%multiple_of3A_366] : memref<320000xi32, #tpu.memory_space<hbm>> -> memref<80xi32, #tpu.memory_space<hbm>>
      tpu.enqueue_dma source(%dma_start3A_375 : memref<80xi32, #tpu.memory_space<hbm>>) target(%dma_start3A_374 : memref<80xi32, #tpu.memory_space<vmem>>) target_semaphore(%arg16 : memref<!tpu.dma_semaphore, #tpu.memory_space<semaphore_mem>>)
      %add3A_376 = arith.constant 2 : i32
      %add3A_377 = arith.addi %add3A_303, %add3A_376 : i32
      %mul3A_378 = arith.constant 80 : i32
      %mul3A_379 = arith.muli %add3A_377, %mul3A_378 : i32
      %multiple_of3A_380 = tpu.assume_multiple %mul3A_379, 8 : i32
      %dma_start3A_381 = arith.constant 1 : i32
      %dma_start3A_382 = arith.constant 0 : i32
      %dma_start3A_383 = arith.constant 0 : i32
      %dma_start3A_384 = tpu.memref_slice %arg8[%dma_start3A_381, %dma_start3A_382, %dma_start3A_383] : memref<3x80x128xf32, #tpu.memory_space<vmem>> -> memref<1x80x128xf32, #tpu.memory_space<vmem>>
      %dma_start3A_385 = tpu.memref_squeeze %dma_start3A_384 : memref<1x80x128xf32, #tpu.memory_space<vmem>> -> memref<80x128xf32, #tpu.memory_space<vmem>>
      %dma_start3A_386 = tpu.memref_slice %arg6[%multiple_of3A_380] : memref<10000xi32, #tpu.memory_space<vmem>> -> memref<80xi32, #tpu.memory_space<vmem>>
      %dma_start3A_387 = arith.constant 0 : i32
      %dma_start3A_388 = tpu.memref_slice %arg2[%dma_start3A_387, %multiple_of3A] : memref<10000x256xf32, #tpu.memory_space<hbm>> -> memref<10000x128xf32, #tpu.memory_space<hbm>>
      %dma_start3A_389 = arith.constant 0 : i32
      %dma_start3A_390 = arith.constant 0 : i32
      %dma_start3A_391 = tpu.memref_slice %dma_start3A_388[%dma_start3A_389, %dma_start3A_390] : memref<10000x128xf32, #tpu.memory_space<hbm>> -> memref<10000x128xf32, #tpu.memory_space<hbm>>
      tpu.enqueue_indirect_dma source(%dma_start3A_391 : memref<10000x128xf32, #tpu.memory_space<hbm>>) target(%dma_start3A_385 : memref<80x128xf32, #tpu.memory_space<vmem>>) offsets(%dma_start3A_386 : memref<80xi32, #tpu.memory_space<vmem>>) semaphore(%arg10 : memref<!tpu.dma_semaphore, #tpu.memory_space<semaphore_mem>>)
    }
    %scan3A_76 = arith.constant 41 : i32
    %add3A_77 = arith.constant 160000 : i32
    %add3A_78 = arith.addi %add3A_77, %multiple_of3A_3 : i32
    %add3A_79 = arith.constant 9840 : i32
    %add3A_80 = arith.addi %add3A_78, %add3A_79 : i32
    %multiple_of3A_81 = tpu.assume_multiple %add3A_80, 8 : i32
    %dma_wait3A = arith.constant 0 : i32
    %dma_wait3A_82 = arith.constant 0 : i32
    %dma_wait3A_83 = tpu.memref_slice %arg7[%dma_wait3A, %dma_wait3A_82] : memref<3x80xi32, #tpu.memory_space<vmem>> -> memref<1x80xi32, #tpu.memory_space<vmem>>
    %dma_wait3A_84 = tpu.memref_squeeze %dma_wait3A_83 : memref<1x80xi32, #tpu.memory_space<vmem>> -> memref<80xi32, #tpu.memory_space<vmem>>
    %dma_wait3A_85 = tpu.memref_slice %arg3[%multiple_of3A_81] : memref<320000xi32, #tpu.memory_space<hbm>> -> memref<80xi32, #tpu.memory_space<hbm>>
    %dma_wait3A_86 = arith.constant 0 : i32
    %dma_wait3A_87 = tpu.memref_slice %arg7[%dma_wait3A, %dma_wait3A_86] : memref<3x80xi32, #tpu.memory_space<vmem>> -> memref<1x80xi32, #tpu.memory_space<vmem>>
    %dma_wait3A_88 = tpu.memref_squeeze %dma_wait3A_87 : memref<1x80xi32, #tpu.memory_space<vmem>> -> memref<80xi32, #tpu.memory_space<vmem>>
    %dma_wait3A_89 = tpu.memref_slice %arg3[%multiple_of3A_81] : memref<320000xi32, #tpu.memory_space<hbm>> -> memref<80xi32, #tpu.memory_space<hbm>>
    tpu.wait_dma2 semaphore(%arg15 : memref<!tpu.dma_semaphore, #tpu.memory_space<semaphore_mem>>) src(%dma_wait3A_89 : memref<80xi32, #tpu.memory_space<hbm>>) dst(%dma_wait3A_88 : memref<80xi32, #tpu.memory_space<vmem>>)
    %multiple_of3A_90 = arith.constant 9840 : i32
    %multiple_of3A_91 = tpu.assume_multiple %multiple_of3A_90, 8 : i32
    %dma_wait3A_92 = arith.constant 0 : i32
    %dma_wait3A_93 = arith.constant 0 : i32
    %dma_wait3A_94 = arith.constant 0 : i32
    %dma_wait3A_95 = tpu.memref_slice %arg8[%dma_wait3A_92, %dma_wait3A_93, %dma_wait3A_94] : memref<3x80x128xf32, #tpu.memory_space<vmem>> -> memref<1x80x128xf32, #tpu.memory_space<vmem>>
    %dma_wait3A_96 = tpu.memref_squeeze %dma_wait3A_95 : memref<1x80x128xf32, #tpu.memory_space<vmem>> -> memref<80x128xf32, #tpu.memory_space<vmem>>
    %dma_wait3A_97 = tpu.memref_slice %arg6[%multiple_of3A_91] : memref<10000xi32, #tpu.memory_space<vmem>> -> memref<80xi32, #tpu.memory_space<vmem>>
    %dma_wait3A_98 = arith.constant 0 : i32
    %dma_wait3A_99 = tpu.memref_slice %arg2[%dma_wait3A_98, %multiple_of3A] : memref<10000x256xf32, #tpu.memory_space<hbm>> -> memref<10000x128xf32, #tpu.memory_space<hbm>>
    %dma_wait3A_100 = arith.constant 0 : i32
    %dma_wait3A_101 = arith.constant 0 : i32
    %dma_wait3A_102 = tpu.memref_slice %dma_wait3A_99[%dma_wait3A_100, %dma_wait3A_101] : memref<10000x128xf32, #tpu.memory_space<hbm>> -> memref<10000x128xf32, #tpu.memory_space<hbm>>
    tpu.wait_indirect_dma semaphore(%arg9 : memref<!tpu.dma_semaphore, #tpu.memory_space<semaphore_mem>>) src(%dma_wait3A_102 : memref<10000x128xf32, #tpu.memory_space<hbm>>) dst(%dma_wait3A_96 : memref<80x128xf32, #tpu.memory_space<vmem>>)
    %dma_start3A_103 = arith.constant 0 : i32
    %dma_start3A_104 = arith.constant 0 : i32
    %dma_start3A_105 = arith.constant 0 : i32
    %dma_start3A_106 = arith.constant 0 : i32
    %dma_start3A_107 = tpu.memref_slice %arg8[%dma_start3A_103, %dma_start3A_105, %dma_start3A_106] : memref<3x80x128xf32, #tpu.memory_space<vmem>> -> memref<1x80x128xf32, #tpu.memory_space<vmem>>
    %dma_start3A_108 = tpu.memref_squeeze %dma_start3A_107 : memref<1x80x128xf32, #tpu.memory_space<vmem>> -> memref<80x128xf32, #tpu.memory_space<vmem>>
    %dma_start3A_109 = arith.constant 0 : i32
    %dma_start3A_110 = tpu.memref_slice %arg7[%dma_start3A_104, %dma_start3A_109] : memref<3x80xi32, #tpu.memory_space<vmem>> -> memref<1x80xi32, #tpu.memory_space<vmem>>
    %dma_start3A_111 = tpu.memref_squeeze %dma_start3A_110 : memref<1x80xi32, #tpu.memory_space<vmem>> -> memref<80xi32, #tpu.memory_space<vmem>>
    %dma_start3A_112 = arith.constant 0 : i32
    %dma_start3A_113 = arith.constant 0 : i32
    %dma_start3A_114 = tpu.memref_slice %arg5[%dma_start3A_112, %dma_start3A_113] : memref<10000x128xf32, #tpu.memory_space<vmem_shared>> -> memref<10000x128xf32, #tpu.memory_space<vmem_shared>>
    tpu.enqueue_indirect_dma source(%dma_start3A_108 : memref<80x128xf32, #tpu.memory_space<vmem>>) target(%dma_start3A_114 : memref<10000x128xf32, #tpu.memory_space<vmem_shared>>) offsets(%dma_start3A_111 : memref<80xi32, #tpu.memory_space<vmem>>) semaphore(%arg12 : memref<!tpu.dma_semaphore, #tpu.memory_space<semaphore_mem>>) {add = true}
    %dma_wait3A_115 = arith.constant 2 : i32
    %dma_wait3A_116 = arith.constant 2 : i32
    %dma_wait3A_117 = arith.constant 0 : i32
    %dma_wait3A_118 = arith.constant 0 : i32
    %dma_wait3A_119 = tpu.memref_slice %arg8[%dma_wait3A_115, %dma_wait3A_117, %dma_wait3A_118] : memref<3x80x128xf32, #tpu.memory_space<vmem>> -> memref<1x80x128xf32, #tpu.memory_space<vmem>>
    %dma_wait3A_120 = tpu.memref_squeeze %dma_wait3A_119 : memref<1x80x128xf32, #tpu.memory_space<vmem>> -> memref<80x128xf32, #tpu.memory_space<vmem>>
    %dma_wait3A_121 = arith.constant 0 : i32
    %dma_wait3A_122 = tpu.memref_slice %arg7[%dma_wait3A_116, %dma_wait3A_121] : memref<3x80xi32, #tpu.memory_space<vmem>> -> memref<1x80xi32, #tpu.memory_space<vmem>>
    %dma_wait3A_123 = tpu.memref_squeeze %dma_wait3A_122 : memref<1x80xi32, #tpu.memory_space<vmem>> -> memref<80xi32, #tpu.memory_space<vmem>>
    %dma_wait3A_124 = arith.constant 0 : i32
    %dma_wait3A_125 = arith.constant 0 : i32
    %dma_wait3A_126 = tpu.memref_slice %arg5[%dma_wait3A_124, %dma_wait3A_125] : memref<10000x128xf32, #tpu.memory_space<vmem_shared>> -> memref<10000x128xf32, #tpu.memory_space<vmem_shared>>
    tpu.wait_indirect_dma semaphore(%arg14 : memref<!tpu.dma_semaphore, #tpu.memory_space<semaphore_mem>>) src(%dma_wait3A_120 : memref<80x128xf32, #tpu.memory_space<vmem>>) dst(%dma_wait3A_126 : memref<10000x128xf32, #tpu.memory_space<vmem_shared>>)
    %add3A_127 = arith.constant 160000 : i32
    %add3A_128 = arith.addi %add3A_127, %multiple_of3A_3 : i32
    %add3A_129 = arith.constant 9920 : i32
    %add3A_130 = arith.addi %add3A_128, %add3A_129 : i32
    %multiple_of3A_131 = tpu.assume_multiple %add3A_130, 8 : i32
    %dma_wait3A_132 = arith.constant 1 : i32
    %dma_wait3A_133 = arith.constant 0 : i32
    %dma_wait3A_134 = tpu.memref_slice %arg7[%dma_wait3A_132, %dma_wait3A_133] : memref<3x80xi32, #tpu.memory_space<vmem>> -> memref<1x80xi32, #tpu.memory_space<vmem>>
    %dma_wait3A_135 = tpu.memref_squeeze %dma_wait3A_134 : memref<1x80xi32, #tpu.memory_space<vmem>> -> memref<80xi32, #tpu.memory_space<vmem>>
    %dma_wait3A_136 = tpu.memref_slice %arg3[%multiple_of3A_131] : memref<320000xi32, #tpu.memory_space<hbm>> -> memref<80xi32, #tpu.memory_space<hbm>>
    %dma_wait3A_137 = arith.constant 0 : i32
    %dma_wait3A_138 = tpu.memref_slice %arg7[%dma_wait3A_132, %dma_wait3A_137] : memref<3x80xi32, #tpu.memory_space<vmem>> -> memref<1x80xi32, #tpu.memory_space<vmem>>
    %dma_wait3A_139 = tpu.memref_squeeze %dma_wait3A_138 : memref<1x80xi32, #tpu.memory_space<vmem>> -> memref<80xi32, #tpu.memory_space<vmem>>
    %dma_wait3A_140 = tpu.memref_slice %arg3[%multiple_of3A_131] : memref<320000xi32, #tpu.memory_space<hbm>> -> memref<80xi32, #tpu.memory_space<hbm>>
    tpu.wait_dma2 semaphore(%arg16 : memref<!tpu.dma_semaphore, #tpu.memory_space<semaphore_mem>>) src(%dma_wait3A_140 : memref<80xi32, #tpu.memory_space<hbm>>) dst(%dma_wait3A_139 : memref<80xi32, #tpu.memory_space<vmem>>)
    %multiple_of3A_141 = arith.constant 9920 : i32
    %multiple_of3A_142 = tpu.assume_multiple %multiple_of3A_141, 8 : i32
    %dma_wait3A_143 = arith.constant 1 : i32
    %dma_wait3A_144 = arith.constant 0 : i32
    %dma_wait3A_145 = arith.constant 0 : i32
    %dma_wait3A_146 = tpu.memref_slice %arg8[%dma_wait3A_143, %dma_wait3A_144, %dma_wait3A_145] : memref<3x80x128xf32, #tpu.memory_space<vmem>> -> memref<1x80x128xf32, #tpu.memory_space<vmem>>
    %dma_wait3A_147 = tpu.memref_squeeze %dma_wait3A_146 : memref<1x80x128xf32, #tpu.memory_space<vmem>> -> memref<80x128xf32, #tpu.memory_space<vmem>>
    %dma_wait3A_148 = tpu.memref_slice %arg6[%multiple_of3A_142] : memref<10000xi32, #tpu.memory_space<vmem>> -> memref<80xi32, #tpu.memory_space<vmem>>
    %dma_wait3A_149 = arith.constant 0 : i32
    %dma_wait3A_150 = tpu.memref_slice %arg2[%dma_wait3A_149, %multiple_of3A] : memref<10000x256xf32, #tpu.memory_space<hbm>> -> memref<10000x128xf32, #tpu.memory_space<hbm>>
    %dma_wait3A_151 = arith.constant 0 : i32
    %dma_wait3A_152 = arith.constant 0 : i32
    %dma_wait3A_153 = tpu.memref_slice %dma_wait3A_150[%dma_wait3A_151, %dma_wait3A_152] : memref<10000x128xf32, #tpu.memory_space<hbm>> -> memref<10000x128xf32, #tpu.memory_space<hbm>>
    tpu.wait_indirect_dma semaphore(%arg10 : memref<!tpu.dma_semaphore, #tpu.memory_space<semaphore_mem>>) src(%dma_wait3A_153 : memref<10000x128xf32, #tpu.memory_space<hbm>>) dst(%dma_wait3A_147 : memref<80x128xf32, #tpu.memory_space<vmem>>)
    %dma_start3A_154 = arith.constant 1 : i32
    %dma_start3A_155 = arith.constant 1 : i32
    %dma_start3A_156 = arith.constant 0 : i32
    %dma_start3A_157 = arith.constant 0 : i32
    %dma_start3A_158 = tpu.memref_slice %arg8[%dma_start3A_154, %dma_start3A_156, %dma_start3A_157] : memref<3x80x128xf32, #tpu.memory_space<vmem>> -> memref<1x80x128xf32, #tpu.memory_space<vmem>>
    %dma_start3A_159 = tpu.memref_squeeze %dma_start3A_158 : memref<1x80x128xf32, #tpu.memory_space<vmem>> -> memref<80x128xf32, #tpu.memory_space<vmem>>
    %dma_start3A_160 = arith.constant 0 : i32
    %dma_start3A_161 = tpu.memref_slice %arg7[%dma_start3A_155, %dma_start3A_160] : memref<3x80xi32, #tpu.memory_space<vmem>> -> memref<1x80xi32, #tpu.memory_space<vmem>>
    %dma_start3A_162 = tpu.memref_squeeze %dma_start3A_161 : memref<1x80xi32, #tpu.memory_space<vmem>> -> memref<80xi32, #tpu.memory_space<vmem>>
    %dma_start3A_163 = arith.constant 0 : i32
    %dma_start3A_164 = arith.constant 0 : i32
    %dma_start3A_165 = tpu.memref_slice %arg5[%dma_start3A_163, %dma_start3A_164] : memref<10000x128xf32, #tpu.memory_space<vmem_shared>> -> memref<10000x128xf32, #tpu.memory_space<vmem_shared>>
    tpu.enqueue_indirect_dma source(%dma_start3A_159 : memref<80x128xf32, #tpu.memory_space<vmem>>) target(%dma_start3A_165 : memref<10000x128xf32, #tpu.memory_space<vmem_shared>>) offsets(%dma_start3A_162 : memref<80xi32, #tpu.memory_space<vmem>>) semaphore(%arg13 : memref<!tpu.dma_semaphore, #tpu.memory_space<semaphore_mem>>) {add = true}
    %dma_wait3A_166 = arith.constant 0 : i32
    %dma_wait3A_167 = arith.constant 0 : i32
    %dma_wait3A_168 = arith.constant 0 : i32
    %dma_wait3A_169 = arith.constant 0 : i32
    %dma_wait3A_170 = tpu.memref_slice %arg8[%dma_wait3A_166, %dma_wait3A_168, %dma_wait3A_169] : memref<3x80x128xf32, #tpu.memory_space<vmem>> -> memref<1x80x128xf32, #tpu.memory_space<vmem>>
    %dma_wait3A_171 = tpu.memref_squeeze %dma_wait3A_170 : memref<1x80x128xf32, #tpu.memory_space<vmem>> -> memref<80x128xf32, #tpu.memory_space<vmem>>
    %dma_wait3A_172 = arith.constant 0 : i32
    %dma_wait3A_173 = tpu.memref_slice %arg7[%dma_wait3A_167, %dma_wait3A_172] : memref<3x80xi32, #tpu.memory_space<vmem>> -> memref<1x80xi32, #tpu.memory_space<vmem>>
    %dma_wait3A_174 = tpu.memref_squeeze %dma_wait3A_173 : memref<1x80xi32, #tpu.memory_space<vmem>> -> memref<80xi32, #tpu.memory_space<vmem>>
    %dma_wait3A_175 = arith.constant 0 : i32
    %dma_wait3A_176 = arith.constant 0 : i32
    %dma_wait3A_177 = tpu.memref_slice %arg5[%dma_wait3A_175, %dma_wait3A_176] : memref<10000x128xf32, #tpu.memory_space<vmem_shared>> -> memref<10000x128xf32, #tpu.memory_space<vmem_shared>>
    tpu.wait_indirect_dma semaphore(%arg12 : memref<!tpu.dma_semaphore, #tpu.memory_space<semaphore_mem>>) src(%dma_wait3A_171 : memref<80x128xf32, #tpu.memory_space<vmem>>) dst(%dma_wait3A_177 : memref<10000x128xf32, #tpu.memory_space<vmem_shared>>)
    %dma_wait3A_178 = arith.constant 1 : i32
    %dma_wait3A_179 = arith.constant 1 : i32
    %dma_wait3A_180 = arith.constant 0 : i32
    %dma_wait3A_181 = arith.constant 0 : i32
    %dma_wait3A_182 = tpu.memref_slice %arg8[%dma_wait3A_178, %dma_wait3A_180, %dma_wait3A_181] : memref<3x80x128xf32, #tpu.memory_space<vmem>> -> memref<1x80x128xf32, #tpu.memory_space<vmem>>
    %dma_wait3A_183 = tpu.memref_squeeze %dma_wait3A_182 : memref<1x80x128xf32, #tpu.memory_space<vmem>> -> memref<80x128xf32, #tpu.memory_space<vmem>>
    %dma_wait3A_184 = arith.constant 0 : i32
    %dma_wait3A_185 = tpu.memref_slice %arg7[%dma_wait3A_179, %dma_wait3A_184] : memref<3x80xi32, #tpu.memory_space<vmem>> -> memref<1x80xi32, #tpu.memory_space<vmem>>
    %dma_wait3A_186 = tpu.memref_squeeze %dma_wait3A_185 : memref<1x80xi32, #tpu.memory_space<vmem>> -> memref<80xi32, #tpu.memory_space<vmem>>
    %dma_wait3A_187 = arith.constant 0 : i32
    %dma_wait3A_188 = arith.constant 0 : i32
    %dma_wait3A_189 = tpu.memref_slice %arg5[%dma_wait3A_187, %dma_wait3A_188] : memref<10000x128xf32, #tpu.memory_space<vmem_shared>> -> memref<10000x128xf32, #tpu.memory_space<vmem_shared>>
    tpu.wait_indirect_dma semaphore(%arg13 : memref<!tpu.dma_semaphore, #tpu.memory_space<semaphore_mem>>) src(%dma_wait3A_183 : memref<80x128xf32, #tpu.memory_space<vmem>>) dst(%dma_wait3A_189 : memref<10000x128xf32, #tpu.memory_space<vmem_shared>>)
    %barrier3A_190 = arith.constant 0 : index
    tpu.barrier barrier_id(%barrier3A_190)
    %lt3A_191 = arith.constant 15 : i32
    %lt3A_192 = arith.cmpi slt, %arg1, %lt3A_191 : i32
    %convert_element_type3A_193 = arith.extui %lt3A_192 : i1 to i32
    %cond3A_194 = arith.constant 0 : i32
    %cond3A_195 = arith.cmpi ne, %convert_element_type3A_193, %cond3A_194 : i32
    scf.if %cond3A_195 {
      "tpu.region"() ({
        %run_scoped3A = tpu.sem_alloc : memref<!tpu.dma_semaphore, #tpu.memory_space<semaphore_mem>>
        %dma_start3A_201 = tpu.memref_slice %arg4[%multiple_of3A_64, %multiple_of3A] : memref<10000x256xf32, #tpu.memory_space<hbm>> -> memref<624x128xf32, #tpu.memory_space<hbm>>
        %dma_start3A_202 = arith.constant 0 : i32
        %dma_start3A_203 = tpu.memref_slice %arg5[%multiple_of3A_64, %dma_start3A_202] : memref<10000x128xf32, #tpu.memory_space<vmem_shared>> -> memref<624x128xf32, #tpu.memory_space<vmem_shared>>
        tpu.enqueue_dma source(%dma_start3A_203 : memref<624x128xf32, #tpu.memory_space<vmem_shared>>) target(%dma_start3A_201 : memref<624x128xf32, #tpu.memory_space<hbm>>) target_semaphore(%run_scoped3A : memref<!tpu.dma_semaphore, #tpu.memory_space<semaphore_mem>>)
        %dma_wait3A_204 = tpu.memref_slice %arg4[%multiple_of3A_64, %multiple_of3A] : memref<10000x256xf32, #tpu.memory_space<hbm>> -> memref<624x128xf32, #tpu.memory_space<hbm>>
        %dma_wait3A_205 = arith.constant 0 : i32
        %dma_wait3A_206 = tpu.memref_slice %arg5[%multiple_of3A_64, %dma_wait3A_205] : memref<10000x128xf32, #tpu.memory_space<vmem_shared>> -> memref<624x128xf32, #tpu.memory_space<vmem_shared>>
        tpu.wait_dma2 semaphore(%run_scoped3A : memref<!tpu.dma_semaphore, #tpu.memory_space<semaphore_mem>>) src(%dma_wait3A_206 : memref<624x128xf32, #tpu.memory_space<vmem_shared>>) dst(%dma_wait3A_204 : memref<624x128xf32, #tpu.memory_space<hbm>>)
        tpu.yield
      }) : () -> ()
    } else {
    }
    %eq3A_196 = arith.constant 15 : i32
    %eq3A_197 = arith.cmpi eq, %arg1, %eq3A_196 : i32
    %convert_element_type3A_198 = arith.extui %eq3A_197 : i1 to i32
    %cond3A_199 = arith.constant 0 : i32
    %cond3A_200 = arith.cmpi ne, %convert_element_type3A_198, %cond3A_199 : i32
    scf.if %cond3A_200 {
      "tpu.region"() ({
        %run_scoped3A = tpu.sem_alloc : memref<!tpu.dma_semaphore, #tpu.memory_space<semaphore_mem>>
        %dma_start3A_201 = arith.constant 9360 : i32
        %dma_start3A_202 = tpu.memref_slice %arg4[%dma_start3A_201, %multiple_of3A] : memref<10000x256xf32, #tpu.memory_space<hbm>> -> memref<640x128xf32, #tpu.memory_space<hbm>>
        %dma_start3A_203 = arith.constant 9360 : i32
        %dma_start3A_204 = arith.constant 0 : i32
        %dma_start3A_205 = tpu.memref_slice %arg5[%dma_start3A_203, %dma_start3A_204] : memref<10000x128xf32, #tpu.memory_space<vmem_shared>> -> memref<640x128xf32, #tpu.memory_space<vmem_shared>>
        tpu.enqueue_dma source(%dma_start3A_205 : memref<640x128xf32, #tpu.memory_space<vmem_shared>>) target(%dma_start3A_202 : memref<640x128xf32, #tpu.memory_space<hbm>>) target_semaphore(%run_scoped3A : memref<!tpu.dma_semaphore, #tpu.memory_space<semaphore_mem>>)
        %dma_wait3A_206 = arith.constant 9360 : i32
        %dma_wait3A_207 = tpu.memref_slice %arg4[%dma_wait3A_206, %multiple_of3A] : memref<10000x256xf32, #tpu.memory_space<hbm>> -> memref<640x128xf32, #tpu.memory_space<hbm>>
        %dma_wait3A_208 = arith.constant 9360 : i32
        %dma_wait3A_209 = arith.constant 0 : i32
        %dma_wait3A_210 = tpu.memref_slice %arg5[%dma_wait3A_208, %dma_wait3A_209] : memref<10000x128xf32, #tpu.memory_space<vmem_shared>> -> memref<640x128xf32, #tpu.memory_space<vmem_shared>>
        tpu.wait_dma2 semaphore(%run_scoped3A : memref<!tpu.dma_semaphore, #tpu.memory_space<semaphore_mem>>) src(%dma_wait3A_210 : memref<640x128xf32, #tpu.memory_space<vmem_shared>>) dst(%dma_wait3A_207 : memref<640x128xf32, #tpu.memory_space<hbm>>)
        tpu.yield
      }) : () -> ()
    } else {
    }
    return
  }
}

</mosaic_0001>

<sc_bundles>
// kernel: kernel.3.cloned.1.call-start
scs
__scs_entry_jumppad:
0x0: {  	(pc) =	sbr.rel $0x88, $3  }
0x1: {  	(tag) =	ssettag $0x0;
	lr =	simm.s32 $0x1  }
0x2: {  	[smem:$0x3F9F] =	sst lr;
	_ =	strace $0xD0000000  }
0x3: {  	_ = 	snop  }
0x4: {  	_ = 	snop  }
0x5: {  	_ = 	snop  }
0x6: {  	_ = 	snop  }
0x7: {  	_ = 	snop  }
__scs_overlays_trampoline_lowered:
0x8: {  	[smem:$0x3FAE] =	sst s0  }
0x9: {  	[smem:$0x3FAF] =	sst s1  }
0xa: {  	[smem:$0x3FB0] =	sst s2  }
0xb: {  	[smem:$0x3FB1] =	sst s3  }
0xc: {  	[smem:$0x3FB2] =	sst s4  }
0xd: {  	[smem:$0x3FB3] =	sst s5  }
0xe: {  	[smem:$0x3FB4] =	sst s6  }
0xf: {  	[smem:$0x3FB5] =	sst s7  }
0x10: {  	[smem:$0x3FB6] =	sst s8  }
0x11: {  	[smem:$0x3FB7] =	sst s9;
	s0 =	simm.s32 @!p0 $0x0  }
0x12: {  	s1 =	sld [smem:$0x3F9D];
	s0 =	simm.s32 @p0 $0x1  }
0x13: {  	[smem:$0x3FB8] =	sst s0;
	s0 =	simm.s32 @!p1 $0x0  }
0x14: {  	s2 =	sld [smem:$0x3F9C];
	s0 =	simm.s32 @p1 $0x1  }
0x15: {  	[smem:$0x3FB9] =	sst s0;
	s0 =	simm.s32 @!p2 $0x0  }
0x16: {  	s3 =	sld [smem:$0x3FDB];
	s0 =	simm.s32 @p2 $0x1  }
0x17: {  	s4 =	simm.s32 $0x1BF5;
	[smem:$0x3FBB] =	sst s0  }
0x18: {  	s0 =	sld [smem:$0x3F9E];
	_ =	swait.ge [sflag:s4], $0x0  }
0x19: {  	s7 =	sld [smem:$0x3F9F]  }
0x1a: {  	s8 =	sadd.s32 $0xFFFFE003, lr  }
0x1b: {  	s9 =	sadd.s32 $0xFFFFFEF7, lr;
	s5 =	simm.s32 $0xFFFFFFFF;
	p2 =	slt.u32 s8, $0xFFFFF086  }
0x1c: {  	p1 =	slt.u32 s9, $0xF7A;
	s5 =	simm.s32 @!p2 $0x0  }
0x1d: {  	s5 =	simm.s32 @p1 $0x1;
	p0 =	seq.s32 s7, s2  }
0x1e: {  	s7 =	smul.u32 @!p0 $0xF7A, s2;
	p2 =	seq.s32 @!p0 s5, $0x0  }
0x1f: {  	s9 =	smul.u32 $0xF7A, s1;
	s8 =	simm.s32 @!p0 $0x1BF5;
	p2 =	por !p2, p0  }
0x20: {  	[sflag:s8] =	ssyncset.s32 @!p0 $0xFFFFF086;
	s6 =	sadd.s32 @!p0 s3, s7;
	s7 =	simm.s32 @!p0 $0x108  }
0x21: {  	s3 =	sadd.s32 s3, s9;
	s6 =	sadd.s32 @!p0 $0x88, s6;
	s7 =	simm.s32 @p2 $0x1082  }
0x22: {  	[simem:s7], [sflag:s8] =	dma.local @!p0 [hbm:s6], $0xF7A  }
0x23: {  	s9 =	sor.u32 $0xD0000000, s2;
	s6 =	simm.s32 $0x108;
	_ =	swait.ge @!p0 [sflag:s8], $0x0  }
0x24: {  	s3 =	sadd.s32 $0x88, s3;
	s6 =	simm.s32 @!p1 $0x1082;
	[sflag:s4] =	ssyncset.s32 $0xFFFFF086  }
0x25: {  	[simem:s6], [sflag:s4] =	dma.local [hbm:s3], $0xF7A  }
0x26: {  	[smem:$0x3F9F] =	sst s1;
	(tag) =	ssettag s2;
	_ =	strace s9  }
0x27: {  	s1 =	sld [smem:$0x3FAF]  }
0x28: {  	s2 =	sld [smem:$0x3FB0]  }
0x29: {  	s4 =	sld [smem:$0x3FB2]  }
0x2a: {  	p0 =	seq.s32 s5, $0x0;
	s5 =	sld [smem:$0x3FB3]  }
0x2b: {  	s6 =	sld [smem:$0x3FB4]  }
0x2c: {  	s7 =	sld [smem:$0x3FB5]  }
0x2d: {  	s3 =	simm.s32 $0x108;
	s8 =	sld [smem:$0x3FB6]  }
0x2e: {  	s3 =	simm.s32 @!p0 $0x1082;
	s9 =	sld [smem:$0x3FB7]  }
0x2f: {  	lr =	sadd.s32 s0, s3;
	s0 =	sld [smem:$0x3FAE]  }
0x30: {  	s3 =	sld [smem:$0x3FB1]  }
0x31: {  	[smem:$0x3FBA] =	sst s10  }
0x32: {  	s10 =	sld [smem:$0x3FB8];
	_ =	sdelay $0x3  }
0x33: {  	p0 =	seq.s32 s10, $0x1;
	s10 =	sld [smem:$0x3FBA];
	_ =	sdelay $0x3  }
0x34: {  	[smem:$0x3FBA] =	sst s10  }
0x35: {  	s10 =	sld [smem:$0x3FB9];
	_ =	sdelay $0x3  }
0x36: {  	p1 =	seq.s32 s10, $0x1;
	s10 =	sld [smem:$0x3FBA];
	_ =	sdelay $0x3  }
0x37: {  	[smem:$0x3FBA] =	sst s10  }
0x38: {  	s10 =	sld [smem:$0x3FBB]  }
0x39: {  	_ = 	snop;
	(pc) =	sbr.ind lr, $3  }
0x3a: {  	_ = 	snop  }
0x3b: {  	_ = 	snop  }
0x3c: {  	p2 =	seq.s32 s10, $0x1;
	s10 =	sld [smem:$0x3FBA]  }
0x3d: {  	_ =	shalt  }
0x3e: {  	_ =	shalt  }
0x3f: {  	_ =	shalt  }
0x40: {  	_ =	shalt  }
0x41: {  	_ =	shalt  }
0x42: {  	_ =	shalt  }
0x43: {  	_ =	shalt  }
0x44: {  	_ =	shalt  }
0x45: {  	_ =	shalt  }
0x46: {  	_ =	shalt  }
0x47: {  	_ =	shalt  }
0x48: {  	_ =	shalt  }
0x49: {  	_ =	shalt  }
0x4a: {  	_ =	shalt  }
0x4b: {  	_ =	shalt  }
0x4c: {  	_ =	shalt  }
0x4d: {  	_ =	shalt  }
0x4e: {  	_ =	shalt  }
0x4f: {  	_ =	shalt  }
0x50: {  	_ =	shalt  }
0x51: {  	_ =	shalt  }
0x52: {  	_ =	shalt  }
0x53: {  	_ =	shalt  }
0x54: {  	_ =	shalt  }
0x55: {  	_ =	shalt  }
0x56: {  	_ =	shalt  }
0x57: {  	_ =	shalt  }
0x58: {  	_ =	shalt  }
0x59: {  	_ =	shalt  }
0x5a: {  	_ =	shalt  }
0x5b: {  	_ =	shalt  }
0x5c: {  	_ =	shalt  }
0x5d: {  	_ =	shalt  }
0x5e: {  	_ =	shalt  }
0x5f: {  	_ =	shalt  }
0x60: {  	_ =	shalt  }
0x61: {  	_ =	shalt  }
0x62: {  	_ =	shalt  }
0x63: {  	_ =	shalt  }
0x64: {  	_ =	shalt  }
0x65: {  	_ =	shalt  }
0x66: {  	_ =	shalt  }
0x67: {  	_ =	shalt  }
0x68: {  	_ =	shalt  }
0x69: {  	_ =	shalt  }
0x6a: {  	_ =	shalt  }
0x6b: {  	_ =	shalt  }
0x6c: {  	_ =	shalt  }
0x6d: {  	_ =	shalt  }
0x6e: {  	_ =	shalt  }
0x6f: {  	_ =	shalt  }
0x70: {  	_ =	shalt  }
0x71: {  	_ =	shalt  }
0x72: {  	_ =	shalt  }
0x73: {  	_ =	shalt  }
0x74: {  	_ =	shalt  }
0x75: {  	_ =	shalt  }
0x76: {  	_ =	shalt  }
0x77: {  	_ =	shalt  }
0x78: {  	_ =	shalt  }
0x79: {  	_ =	shalt  }
0x7a: {  	_ =	shalt  }
0x7b: {  	_ =	shalt  }
0x7c: {  	_ =	shalt  }
0x7d: {  	_ =	shalt  }
0x7e: {  	_ =	shalt  }
0x7f: {  	_ =	shalt  }
0x80: {  	_ =	shalt  }
0x81: {  	_ =	shalt  }
0x82: {  	_ =	shalt  }
0x83: {  	_ =	shalt  }
0x84: {  	_ =	shalt  }
0x85: {  	_ =	shalt  }
0x86: {  	_ =	shalt  }
0x87: {  	_ =	shalt  }
.Lfunc_end0:
.L_simem_size_0:
called_computation_lowered:
.L_overlay_start_0:
0x88: {  	s2 =	sld [smem:$0x3FD9]  }
0x89: {  	s3 =	sld [smem:$0x3FFE];
	_ =	sdelay $0x1  }
0x8a: {  	s1 =	srdreg.scid  }
0x8b: {  	s0 =	sand.u32 $0x1, s1  }
0x8c: {  	s17 =	sshll.u32 s0, $0xA;
	s2 =	sadd.s32 s3, s2  }
0x8d: {  	s2 =	sadd.s32 s2, s17  }
0x8e: {  	[smem:$0x3FC6] =	sst s2  }
0x8f: {  	_ = 	snop  }
0x90: {  	s2 =	sld [smem:$0x3FC9]  }
0x91: {  	s18 =	sld [smem:$0x3FD0];
	(tm) =	ssettm $0x1  }
0x92: {  	s4 =	sld [smem:$0x3FFB];
	_ =	sdelay $0x3  }
0x93: {  	_ =	strace s4  }
0x94: {  	s4 =	sld [smem:$0x3FFC];
	_ =	sdelay $0x3  }
0x95: {  	_ =	strace s4  }
0x96: {  	s4 =	sld [smem:$0x3FFD];
	_ =	sdelay $0x3  }
0x97: {  	_ =	strace s4  }
0x98: {  	_ =	strace $0x8FFFFFFF  }
0x99: {  	s19 =	sld [smem:$0x3FDB];
	_ =	sdelay $0x1  }
0x9a: {  	s5 =	simm.s32 $_scs_section_size  }
0x9b: {  	s6 =	simm.s32 $_size__tile_overlayer_lowered;
	s7 =	simm.s32 $_tile_overlayer_lowered  }
0x9c: {  	s22 =	simm.s32 $0x1BFF;
	s21 =	sshll.u32 s7, $0x1;
	s4 =	sadd.s32 s5, s19  }
0x9d: {  	s8 =	simm.s32 $0x0;
	s20 =	sshll.u32 s6, $0x1;
	s6 =	sadd.s32 s21, s4  }
0x9e: {  	[timem:s8], [sflag:s22] =	dma.local [hbm:s6], s20  }
0x9f: {  	_ =	swait.ge [sflag:s22], s20  }
0xa0: {  	s5 =	ssub.s32 $0x0, s20;
	[sflag:s22] =	ssyncset.done $0x0  }
0xa1: {  	[sflag:s22] =	ssyncadd.s32 s5;
	_ =	sdelay $0x1  }
0xa2: {  	s23 =	simm.s32 $0x1B8B  }
0xa3: {  	_ =	swait.ge [sflag:s23], $0x1  }
0xa4: {  	[sflag:s23] =	ssyncset.done $0x0  }
0xa5: {  	s25 =	simm.s32 $0x1B8E;
	s24 =	sld [smem:$0x3FFE];
	[sflag:s23] =	ssyncadd.s32 $0xFFFFFFFF  }
0xa6: {  	s26 =	simm.s32 $execute0_lowered;
	[smem:$0x3FD2] =	sst s25  }
0xa7: {  	s6 =	sshll.u32 s26, $0x1;
	_ =	strace $0x80000046;
	[dreg:$0x1] =	wrdreg $0xFFFFFFFF  }
0xa8: {  	s28 =	simm.s32 $_size_execute0_lowered;
	s4 =	sadd.s32 s4, s6;
	[dreg:$0x0] =	wrdreg $0x0  }
0xa9: {  	s6 =	sshll.u32 s28, $0x1;
	[dreg:$0x2] =	wrdreg s4  }
0xaa: {  	[dreg:$0x3] =	wrdreg s6  }
0xab: {  	[dreg:$0x4] =	wrdreg $0xC0  }
0xac: {  	_ =	task [dreg:s8], $0x5FFFF  }
0xad: {  	[dreg:$0x1] =	wrdreg $0xFFFFFFFF  }
0xae: {  	[dreg:$0x0] =	wrdreg $0x60  }
0xaf: {  	[dreg:$0x2] =	wrdreg s2  }
0xb0: {  	[dreg:$0x3] =	wrdreg s24  }
0xb1: {  	[dreg:$0x4] =	wrdreg s18  }
0xb2: {  	[dreg:$0x5] =	wrdreg $0x0  }
0xb3: {  	[dreg:$0x6] =	wrdreg $0x9  }
0xb4: {  	_ =	task.clear_ibuf [dreg:s8], $0x7FFFF;
	_ =	strace $0x90000046  }
0xb5: {  	s29 =	simm.s32 $0x9;
	_ =	strace $0x80000048  }
0xb6: {  	_ =	swait.ge [sflag:s29], $0x1  }
0xb7: {  	[sflag:s29] =	ssyncadd.s32 $0xFFFFFFFF  }
0xb8: {  	_ =	strace $0x90000048  }
0xb9: {  	_ =	sfence  }
0xba: {  	s30 =	sld [smem:$0x0];
	_ =	sdelay $0x2  }
0xbb: {  	s31 =	sshll.u32 s1, $0xD;
	s1 =	sshrl.u32 s1, $0x2  }
0xbc: {  	s3 =	sand.u32 $0x4000, s31;
	s1 =	sadd.s32 s1, s30  }
0xbd: {  	s0 =	sor.u32 s3, s0;
	s1 =	sshll.u32 s1, $0x11  }
0xbe: {  	s0 =	sor.u32 s1, s0  }
0xbf: {  	s0 =	sadd.s32 $0x8F2B, s0  }
0xc0: {  	[sflag:s0] =	ssyncadd.remote.s32 $0x1  }
0xc1: {  	_ =	sfence.sel $0xFFFF  }
0xc2: {  	[dreg:$0x0] =	wrdreg $0xFFFFFFFF;
	(pc) =	sbr.abs _section_cstart, $3  }
0xc3: {  	[dreg:$0x1] =	wrdreg $0xFFFFFFFF  }
0xc4: {  	_ =	task.clear_ibuf [dreg:s8], $0x2FFFF;
	_ =	strace $0x9FFFFFFF  }
0xc5: {  	(tm) =	ssettm $0x7FFFFFFF  }
tec
execute0_lowered:
.L_overlay_start_1:
0x0: {  	(tag) =	ssettag $0x1  }
0x1: {  	s0 =	rddreg [dreg:$0x0]  }
0x2: {  	s1 =	rddreg [dreg:$0x1]  }
0x3: {  	s6 =	rddreg [dreg:$0x2]  }
0x4: {  	s2 =	rddreg [dreg:$0x3]  }
0x5: {  	s3 =	simm.s32 $0x0;
	s4 =	srdreg.scid;
	s11 =	stileid.u32  }
0x6: {  	s28 =	simm.s32 $0x9;
	s31 =	simm.s32 $0x3;
	s8 =	smul.u32 $0x2710, s11  }
0x7: {  	[smem:$0x7FF] =	sst s3;
	s7 =	sand.u32 $0x1, s4;
	s10 =	smul.u32 $0x4E000, s11  }
0x8: {  	s4 =	sadd.s32 $0x400, s1;
	s30 =	smul.u32 $0x27000, s11;
	s17 =	sadd.s32 $0x124800, s2  }
0x9: {  	s18 =	sadd.s32 $0x127000, s2;
	p0 =	seq.s32 s11, $0xF;
	_ =	strace $0x80000047  }
0xa: {  	s19 =	ssub.s32 $0x2, s7;
	s24 =	sshll.u32 s7, $0x7;
	[dreg:$0x10] =	wrdreg s17  }
0xb: {  	s7 =	sshll.u32 s7, $0xA;
	[dreg:$0x11] =	wrdreg s18;
	s18 =	simm.s32 $0x8  }
0xc: {  	s17 =	simm.s32 $0x5;
	s9 =	sshrl.u32 s19, $0x1;
	s22 =	sshrl.u32 s10, $0x2  }
0xd: {  	s5 =	sadd.s32 $0x27100, s8;
	s8 =	sshrl.u32 s8, $0x3;
	s13 =	sadd.s32 s22, s2  }
0xe: {  	s10 =	sadd.s32 s0, s24;
	s22 =	sadd.s32 $0x12E800, s2;
	[dreg:$0x8] =	wrdreg s13  }
0xf: {  	s20 =	sshrl.u32 s5, $0x3;
	s12 =	sadd.s32 s4, s8;
	[dreg:$0x14] =	wrdreg s22  }
0x10: {  	s0 =	sor.u32 s7, s30;
	s21 =	sadd.s32 s4, s20;
	[dreg:$0x5] =	wrdreg s12  }
0x11: {  	s7 =	simm.s32 $0x16080;
	s23 =	sadd.s32 $0x4E2A, s12;
	[dreg:$0x6] =	wrdreg s21  }
0x12: {  	s1 =	ssub.s32 s19, s9;
	s25 =	sadd.s32 $0x2800, s13;
	[dreg:$0x7] =	wrdreg s23  }
0x13: {  	s0 =	sshrl.u32 s0, $0x3;
	s26 =	sadd.s32 $0x5000, s13;
	[dreg:$0x9] =	wrdreg s25  }
0x14: {  	s19 =	smul.u32 $0x4E2, s11;
	s29 =	sadd.s32 $0x7800, s13;
	[dreg:$0xa] =	wrdreg s26  }
0x15: {  	s9 =	simm.s32 $0x4;
	s8 =	sadd.s32 $0xA000, s13;
	[dreg:$0xb] =	wrdreg s29  }
0x16: {  	s11 =	simm.s32 $0x6;
	s14 =	sadd.s32 $0xC800, s13;
	[dreg:$0xc] =	wrdreg s8  }
0x17: {  	s15 =	sadd.s32 $0xF000, s13;
	s16 =	sadd.s32 $0x11800, s13;
	[dreg:$0xd] =	wrdreg s14  }
0x18: {  	s20 =	sadd.s32 $0x129800, s2;
	s0 =	sadd.s32 s6, s0;
	[dreg:$0xe] =	wrdreg s15  }
0x19: {  	s1 =	smax.u32 s1, $0x1;
	s30 =	sadd.s32 $0x4E34, s12;
	[dreg:$0xf] =	wrdreg s16  }
0x1a: {  	s22 =	simm.s32 $0x18A00;
	s12 =	simm.s32 $0x7;
	[dreg:$0x12] =	wrdreg s20  }
0x1b: {  	s13 =	simm.s32 $0x1;
	[dreg:$0x13] =	wrdreg s0;
	s21 =	sadd.s32 s24, s6  }
0x1c: {  	s23 =	sadd.s32 s19, s4;
	[dreg:$0x16] =	wrdreg s1;
	s24 =	sadd.s32 $0x12C000, s2  }
0x1d: {  	s25 =	sadd.s32 $0x131000, s2;
	s26 =	sadd.s32 $0x133800, s2;
	s29 =	sadd.s32 $0x136000, s2  }
0x1e: {  	v0 =	vimm.s32 $0x7;
	v3 =	vlaneseq.u32;
	[dreg:$0x1c] =	wrdreg s30;
	s1 =	simm.s32 $0x16000;
	s8 =	simm.s32 $0x16200  }
0x1f: {  	v1 =	vimm.s32 $0x1;
	v2 =	vimm.s32 $0x0;
	vm0 =	vmmov $0x1;
	s14 =	simm.s32 $0x50;
	s15 =	simm.s32 $0x16100;
	[dreg:$0x18] =	wrdreg s24  }
.Ltmp0:
0x20: {  	v4 =	vimm.s32 $0x2;
	v5 =	vimm.s32 $0x3;
	v6 =	vimm.s32 $0x4;
	s16 =	simm.s32 $0x1B200;
	[dreg:$0x19] =	wrdreg s25;
	(pc) =	sbr.rel .LBB2_1-.Ltmp0, $4  }
0x21: {  	v7 =	vimm.s32 $0x5;
	v8 =	vimm.s32 $0x6;
	v9 =	vimm.s32 $0x8;
	s6 =	simm.s32 $0x1D800;
	s19 =	simm.s32 $0x1D880;
	[dreg:$0x1a] =	wrdreg s26  }
0x22: {  	v10 =	vimm.s32 $0x9;
	v11 =	vimm.s32 $0xA;
	v12 =	vimm.s32 $0xB;
	s0 =	sadd.s32 $0x49200, s21;
	[dreg:$0x1b] =	wrdreg s29;
	s26 =	simm.s32 $0x1D980  }
0x23: {  	v13 =	vimm.s32 $0xC;
	v14 =	vimm.s32 $0xD;
	v15 =	vimm.s32 $0xE;
	s21 =	simm.s32 $0x2;
	[dreg:$0x15] =	wrdreg s0;
	s0 =	sadd.s32 $0x4E34, s23  }
0x24: {  	v16 =	vimm.s32 $0xF;
	v17 =	vimm.f32 $0.0e+00;
	v3 =	vmul.u32 $0x8, v3;
	s24 =	simm.s32 $0x0;
	[dreg:$0x17] =	wrdreg s0;
	s0 =	simm.s32 $0x1D900  }
.LBB2_8:
0x25: {  	_ =	swait.ge [sflag:s12], $0x50  }
0x26: {  	[sflag:s12] =	ssyncset.done $0x0  }
0x27: {  	[sflag:s12] =	ssyncadd.s32 $0xFFFFFFB0  }
0x28: {  	_ =	swait.ge [sflag:s13], $0x2800  }
0x29: {  	[sflag:s13] =	ssyncset.done $0x0  }
0x2a: {  	[sflag:s13] =	ssyncadd.s32 $0xFFFFD800  }
0x2b: {  	[spmem:s2] =	stream.indirect.scatter.add.f32 [tilespmem:s8], [sflag:$0x4], $0x80, s1, s14, $0xb8;
	[tilespmem:$0x1DA00] =	vst v63  }
0x2c: {  	_ =	swait.ge [sflag:s11], $0x2800  }
0x2d: {  	[sflag:s11] =	ssyncset.done $0x0  }
0x2e: {  	[sflag:s11] =	ssyncadd.s32 $0xFFFFD800  }
0x2f: {  	_ =	swait.ge [sflag:s18], $0x50  }
0x30: {  	[sflag:s18] =	ssyncset.done $0x0  }
0x31: {  	[sflag:s18] =	ssyncadd.s32 $0xFFFFFFB0  }
0x32: {  	_ =	swait.ge [sflag:s21], $0x2800  }
0x33: {  	[sflag:s21] =	ssyncset.done $0x0  }
0x34: {  	[sflag:s21] =	ssyncadd.s32 $0xFFFFD800  }
0x35: {  	[spmem:s2] =	stream.indirect.scatter.add.f32 [tilespmem:s22], [sflag:$0x5], $0x80, s7, s14, $0xb8;
	[tilespmem:$0x1DA00] =	vst v63  }
0x36: {  	_ =	swait.ge [sflag:s9], $0x2800  }
0x37: {  	[sflag:s9] =	ssyncset.done $0x0  }
0x38: {  	[sflag:s9] =	ssyncadd.s32 $0xFFFFD800  }
0x39: {  	_ =	swait.ge [sflag:s17], $0x2800  }
0x3a: {  	[sflag:s17] =	ssyncset.done $0x0  }
0x3b: {  	[sflag:s17] =	ssyncadd.s32 $0xFFFFD800  }
0x3c: {  	s23 =	simm.s32 @p0 $0x8;
	[bflag:$0x0] =	sbarrier.arrive $0xFFFF  }
0x3d: {  	s24 =	simm.s32 @p0 $0x100;
	s25 =	simm.s32 @p0 $0x80;
	s20 =	rddreg [dreg:$0x10]  }
0x3e: {  	s29 =	simm.s32 @p0 $0x1FCA;
	s30 =	rddreg [dreg:$0x15];
	s20 =	sshrl.u32 @p0 s20, $0x3  }
0x3f: {  	[hbm:s30@s24], [sflag:s29] =	dma.strided @p0 [spmem:s20@s25], $0x2800, s23, $0x10   }
0x40: {  	s20 =	simm.s32 @p0 $0xA  }
0x41: {  	s23 =	stileid.u32;
	s24 =	simm.s32 @!p0 $0x8;
	_ =	swait.ge @p0 [sflag:s20], $0x2800  }
0x42: {  	s25 =	simm.s32 @!p0 $0x100;
	s23 =	sshll.u32 @!p0 s23, $0x6;
	[sflag:s20] =	ssyncset.done @p0 $0x0  }
0x43: {  	[sflag:s20] =	ssyncadd.s32 @p0 $0xFFFFD800;
	s20 =	sor.u32 @!p0 $0x1C0A, s23;
	s23 =	rddreg [dreg:$0x8]  }
0x44: {  	s29 =	simm.s32 @!p0 $0x80;
	s30 =	rddreg [dreg:$0x13];
	s23 =	sshrl.u32 @!p0 s23, $0x3  }
0x45: {  	[hbm:s30@s25], [sflag:s20] =	dma.strided @!p0 [spmem:s23@s29], $0x2700, s24, $0x10   }
0x46: {  	s20 =	simm.s32 @!p0 $0xA  }
0x47: {  	_ =	swait.ge @!p0 [sflag:s20], $0x2700  }
0x48: {  	s29 =	rddreg [dreg:$0x1d]  }
0x49: {  	s30 =	rddreg [dreg:$0x16];
	s24 =	sadd.s32 $0x1, s29  }
0x4a: {  	p1 =	sne.s32 s24, s30  }
.Ltmp1:
0x4b: {  	_ = 	snop;
	(pc) =	sbr.rel @!p1 .LBB2_9-.Ltmp1, $3  }
0x4c: {  	_ =	sdelay $0x1  }
0x4d: {  	[sflag:s20] =	ssyncset.done @!p0 $0x0  }
0x4e: {  	[sflag:s20] =	ssyncadd.s32 @!p0 $0xFFFFD900  }
.LBB2_1:
0x4f: {  	[dreg:$0x1d] =	wrdreg s24  }
0x50: {  	s20 =	rddreg [dreg:$0x5];
	s23 =	simm.s32 $0x13880;
	s30 =	simm.s32 $0xA  }
0x51: {  	[tilespmem:s23], [sflag:$0xA] =	stream.linear.gather [hbm4b:s20+s3], $0x2710, $0x38;
	[tilespmem:$0x1DA00] =	vst v63  }
0x52: {  	_ =	swait.ge [sflag:s30], $0x2710  }
0x53: {  	[sflag:s30] =	ssyncset.done $0x0  }
0x54: {  	s23 =	rddreg [dreg:$0x6];
	[sflag:s30] =	ssyncadd.s32 $0xFFFFD8F0  }
0x55: {  	[tilespmem:s1], [sflag:$0x7] =	stream.linear.gather [hbm4b:s23+s3], $0x50, $0x38;
	[tilespmem:$0x1DA00] =	vst v63  }
0x56: {  	s24 =	rddreg [dreg:$0x7]  }
0x57: {  	[tilespmem:s7], [sflag:$0x8] =	stream.linear.gather [hbm4b:s24+s3], $0x50, $0x38;
	[tilespmem:$0x1DA00] =	vst v63  }
0x58: {  	v18 =	vld [tilespmem:$0x13880];
	_ =	sdelay $0x4  }
0x59: {  	v19 =	vshll.u32 v18, $0x1  }
0x5a: {  	v18 =	vand.u32 $0x7, v18;
	v19 =	vand.u32 $0xFFFFFFF0, v19  }
0x5b: {  	v18 =	vor.u32 v18, v19  }
0x5c: {  	v19 =	vperm.xlane v18, v2;
	_ =	sdelay $0x1  }
0x5d: {  	v20 =	vperm.xlane v18, v1;
	v19 =	vadd.s32 v3, v19;
	_ =	sdelay $0x1  }
0x5e: {  	v21 =	vperm.xlane v18, v4;
	v20 =	vadd.s32 v3, v20;
	_ =	sdelay $0x1  }
0x5f: {  	v22 =	vperm.xlane v18, v5;
	v21 =	vadd.s32 v3, v21  }
0x60: {  	[tilespmem:s8], [sflag:$0x1] =	stream.indirect_vreg.gather [hbm4b:s10+s3], $0x80, v19, vm0, $0xb8;
	[tilespmem:$0x1DA00] =	vst v63  }
0x61: {  	s25 =	simm.s32 $0x16280;
	v47 =	vperm.xlane v18, v6;
	v19 =	vadd.s32 v3, v22  }
0x62: {  	[tilespmem:s25], [sflag:$0x1] =	stream.indirect_vreg.gather [hbm4b:s10+s3], $0x80, v20, vm0, $0xb8;
	[tilespmem:$0x1DA00] =	vst v63  }
0x63: {  	s29 =	simm.s32 $0x16300;
	v49 =	vperm.xlane v18, v7;
	v48 =	vadd.s32 v3, v47  }
0x64: {  	[tilespmem:s29], [sflag:$0x1] =	stream.indirect_vreg.gather [hbm4b:s10+s3], $0x80, v21, vm0, $0xb8;
	[tilespmem:$0x1DA00] =	vst v63  }
0x65: {  	s30 =	simm.s32 $0x16380;
	v51 =	vperm.xlane v18, v8;
	v50 =	vadd.s32 v3, v49  }
0x66: {  	[tilespmem:s30], [sflag:$0x1] =	stream.indirect_vreg.gather [hbm4b:s10+s3], $0x80, v19, vm0, $0xb8;
	[tilespmem:$0x1DA00] =	vst v63  }
0x67: {  	s23 =	simm.s32 $0x16400;
	v52 =	vperm.xlane v18, v0;
	v19 =	vadd.s32 v3, v51  }
0x68: {  	[tilespmem:s23], [sflag:$0x1] =	stream.indirect_vreg.gather [hbm4b:s10+s3], $0x80, v48, vm0, $0xb8;
	[tilespmem:$0x1DA00] =	vst v63  }
0x69: {  	s24 =	simm.s32 $0x16480;
	v54 =	vperm.xlane v18, v9;
	v53 =	vadd.s32 v3, v52  }
0x6a: {  	[tilespmem:s24], [sflag:$0x1] =	stream.indirect_vreg.gather [hbm4b:s10+s3], $0x80, v50, vm0, $0xb8;
	[tilespmem:$0x1DA00] =	vst v63  }
0x6b: {  	v56 =	vperm.xlane v18, v10;
	v55 =	vadd.s32 v3, v54;
	s25 =	simm.s32 $0x16500  }
0x6c: {  	[tilespmem:s25], [sflag:$0x1] =	stream.indirect_vreg.gather [hbm4b:s10+s3], $0x80, v19, vm0, $0xb8;
	[tilespmem:$0x1DA00] =	vst v63  }
0x6d: {  	v57 =	vperm.xlane v18, v11;
	s29 =	simm.s32 $0x16580;
	v19 =	vadd.s32 v3, v56  }
0x6e: {  	[tilespmem:s29], [sflag:$0x1] =	stream.indirect_vreg.gather [hbm4b:s10+s3], $0x80, v53, vm0, $0xb8;
	[tilespmem:$0x1DA00] =	vst v63  }
0x6f: {  	v59 =	vperm.xlane v18, v12;
	v58 =	vadd.s32 v3, v57;
	s30 =	simm.s32 $0x16600  }
0x70: {  	[tilespmem:s30], [sflag:$0x1] =	stream.indirect_vreg.gather [hbm4b:s10+s3], $0x80, v55, vm0, $0xb8;
	[tilespmem:$0x1DA00] =	vst v63  }
0x71: {  	v61 =	vperm.xlane v18, v13;
	v60 =	vadd.s32 v3, v59;
	s23 =	simm.s32 $0x16680  }
0x72: {  	[tilespmem:s23], [sflag:$0x1] =	stream.indirect_vreg.gather [hbm4b:s10+s3], $0x80, v19, vm0, $0xb8;
	[tilespmem:$0x1DA00] =	vst v63  }
0x73: {  	v62 =	vperm.xlane v18, v14;
	s24 =	simm.s32 $0x16700;
	v19 =	vadd.s32 v3, v61  }
0x74: {  	[tilespmem:s24], [sflag:$0x1] =	stream.indirect_vreg.gather [hbm4b:s10+s3], $0x80, v58, vm0, $0xb8;
	[tilespmem:$0x1DA00] =	vst v63  }
0x75: {  	v24 =	vperm.xlane v18, v15;
	v63 =	vadd.s32 v3, v62;
	s25 =	simm.s32 $0x16780  }
0x76: {  	[tilespmem:s25], [sflag:$0x1] =	stream.indirect_vreg.gather [hbm4b:s10+s3], $0x80, v60, vm0, $0xb8;
	[tilespmem:$0x1DA00] =	vst v63  }
0x77: {  	v18 =	vperm.xlane v18, v16;
	v25 =	vadd.s32 v3, v24;
	s29 =	simm.s32 $0x16800  }
0x78: {  	[tilespmem:s29], [sflag:$0x1] =	stream.indirect_vreg.gather [hbm4b:s10+s3], $0x80, v19, vm0, $0xb8;
	[tilespmem:$0x1DA00] =	vst v63  }
0x79: {  	v18 =	vadd.s32 v3, v18;
	s30 =	simm.s32 $0x16880  }
0x7a: {  	[tilespmem:s30], [sflag:$0x1] =	stream.indirect_vreg.gather [hbm4b:s10+s3], $0x80, v63, vm0, $0xb8;
	[tilespmem:$0x1DA00] =	vst v63  }
0x7b: {  	s23 =	simm.s32 $0x16900  }
0x7c: {  	[tilespmem:s23], [sflag:$0x1] =	stream.indirect_vreg.gather [hbm4b:s10+s3], $0x80, v25, vm0, $0xb8;
	[tilespmem:$0x1DA00] =	vst v63  }
0x7d: {  	s24 =	simm.s32 $0x16980  }
0x7e: {  	[tilespmem:s24], [sflag:$0x1] =	stream.indirect_vreg.gather [hbm4b:s10+s3], $0x80, v18, vm0, $0xb8;
	[tilespmem:$0x1DA00] =	vst v63  }
0x7f: {  	v18 =	vld [tilespmem:$0x13890];
	_ =	sdelay $0x4  }
0x80: {  	v19 =	vshll.u32 v18, $0x1  }
0x81: {  	v18 =	vand.u32 $0x7, v18;
	v19 =	vand.u32 $0xFFFFFFF0, v19  }
0x82: {  	v18 =	vor.u32 v18, v19  }
0x83: {  	v19 =	vperm.xlane v18, v2;
	_ =	sdelay $0x1  }
0x84: {  	v26 =	vperm.xlane v18, v1;
	v19 =	vadd.s32 v3, v19;
	_ =	sdelay $0x1  }
0x85: {  	v27 =	vperm.xlane v18, v4;
	v20 =	vadd.s32 v3, v26;
	_ =	sdelay $0x1  }
0x86: {  	s25 =	simm.s32 $0x16A00;
	v28 =	vperm.xlane v18, v5;
	v21 =	vadd.s32 v3, v27  }
0x87: {  	[tilespmem:s25], [sflag:$0x1] =	stream.indirect_vreg.gather [hbm4b:s10+s3], $0x80, v19, vm0, $0xb8;
	[tilespmem:$0x1DA00] =	vst v63  }
0x88: {  	s29 =	simm.s32 $0x16A80;
	v29 =	vperm.xlane v18, v6;
	v19 =	vadd.s32 v3, v28  }
0x89: {  	[tilespmem:s29], [sflag:$0x1] =	stream.indirect_vreg.gather [hbm4b:s10+s3], $0x80, v20, vm0, $0xb8;
	[tilespmem:$0x1DA00] =	vst v63  }
0x8a: {  	s30 =	simm.s32 $0x16B00;
	v31 =	vperm.xlane v18, v7;
	v30 =	vadd.s32 v3, v29  }
0x8b: {  	[tilespmem:s30], [sflag:$0x1] =	stream.indirect_vreg.gather [hbm4b:s10+s3], $0x80, v21, vm0, $0xb8;
	[tilespmem:$0x1DA00] =	vst v63  }
0x8c: {  	s23 =	simm.s32 $0x16B80;
	v33 =	vperm.xlane v18, v8;
	v32 =	vadd.s32 v3, v31  }
0x8d: {  	[tilespmem:s23], [sflag:$0x1] =	stream.indirect_vreg.gather [hbm4b:s10+s3], $0x80, v19, vm0, $0xb8;
	[tilespmem:$0x1DA00] =	vst v63  }
0x8e: {  	s24 =	simm.s32 $0x16C00;
	v34 =	vperm.xlane v18, v0;
	v19 =	vadd.s32 v3, v33  }
0x8f: {  	[tilespmem:s24], [sflag:$0x1] =	stream.indirect_vreg.gather [hbm4b:s10+s3], $0x80, v30, vm0, $0xb8;
	[tilespmem:$0x1DA00] =	vst v63  }
0x90: {  	v36 =	vperm.xlane v18, v9;
	v35 =	vadd.s32 v3, v34;
	s25 =	simm.s32 $0x16C80  }
0x91: {  	[tilespmem:s25], [sflag:$0x1] =	stream.indirect_vreg.gather [hbm4b:s10+s3], $0x80, v32, vm0, $0xb8;
	[tilespmem:$0x1DA00] =	vst v63  }
0x92: {  	v38 =	vperm.xlane v18, v10;
	v37 =	vadd.s32 v3, v36;
	s29 =	simm.s32 $0x16D00  }
0x93: {  	[tilespmem:s29], [sflag:$0x1] =	stream.indirect_vreg.gather [hbm4b:s10+s3], $0x80, v19, vm0, $0xb8;
	[tilespmem:$0x1DA00] =	vst v63  }
0x94: {  	v39 =	vperm.xlane v18, v11;
	s30 =	simm.s32 $0x16D80;
	v19 =	vadd.s32 v3, v38  }
0x95: {  	[tilespmem:s30], [sflag:$0x1] =	stream.indirect_vreg.gather [hbm4b:s10+s3], $0x80, v35, vm0, $0xb8;
	[tilespmem:$0x1DA00] =	vst v63  }
0x96: {  	v41 =	vperm.xlane v18, v12;
	v40 =	vadd.s32 v3, v39;
	s23 =	simm.s32 $0x16E00  }
0x97: {  	[tilespmem:s23], [sflag:$0x1] =	stream.indirect_vreg.gather [hbm4b:s10+s3], $0x80, v37, vm0, $0xb8;
	[tilespmem:$0x1DA00] =	vst v63  }
0x98: {  	v43 =	vperm.xlane v18, v13;
	v42 =	vadd.s32 v3, v41;
	s24 =	simm.s32 $0x16E80  }
0x99: {  	[tilespmem:s24], [sflag:$0x1] =	stream.indirect_vreg.gather [hbm4b:s10+s3], $0x80, v19, vm0, $0xb8;
	[tilespmem:$0x1DA00] =	vst v63  }
0x9a: {  	v44 =	vperm.xlane v18, v14;
	s25 =	simm.s32 $0x16F00;
	v19 =	vadd.s32 v3, v43  }
0x9b: {  	[tilespmem:s25], [sflag:$0x1] =	stream.indirect_vreg.gather [hbm4b:s10+s3], $0x80, v40, vm0, $0xb8;
	[tilespmem:$0x1DA00] =	vst v63  }
0x9c: {  	v46 =	vperm.xlane v18, v15;
	v45 =	vadd.s32 v3, v44;
	s29 =	simm.s32 $0x16F80  }
0x9d: {  	[tilespmem:s29], [sflag:$0x1] =	stream.indirect_vreg.gather [hbm4b:s10+s3], $0x80, v42, vm0, $0xb8;
	[tilespmem:$0x1DA00] =	vst v63  }
0x9e: {  	v18 =	vperm.xlane v18, v16;
	v47 =	vadd.s32 v3, v46;
	s30 =	simm.s32 $0x17000  }
0x9f: {  	[tilespmem:s30], [sflag:$0x1] =	stream.indirect_vreg.gather [hbm4b:s10+s3], $0x80, v19, vm0, $0xb8;
	[tilespmem:$0x1DA00] =	vst v63  }
0xa0: {  	v18 =	vadd.s32 v3, v18;
	s23 =	simm.s32 $0x17080  }
0xa1: {  	[tilespmem:s23], [sflag:$0x1] =	stream.indirect_vreg.gather [hbm4b:s10+s3], $0x80, v45, vm0, $0xb8;
	[tilespmem:$0x1DA00] =	vst v63  }
0xa2: {  	s24 =	simm.s32 $0x17100  }
0xa3: {  	[tilespmem:s24], [sflag:$0x1] =	stream.indirect_vreg.gather [hbm4b:s10+s3], $0x80, v47, vm0, $0xb8;
	[tilespmem:$0x1DA00] =	vst v63  }
0xa4: {  	s25 =	simm.s32 $0x17180  }
0xa5: {  	[tilespmem:s25], [sflag:$0x1] =	stream.indirect_vreg.gather [hbm4b:s10+s3], $0x80, v18, vm0, $0xb8;
	[tilespmem:$0x1DA00] =	vst v63  }
0xa6: {  	v18 =	vld [tilespmem:$0x138A0];
	_ =	sdelay $0x4  }
0xa7: {  	v19 =	vshll.u32 v18, $0x1  }
0xa8: {  	v18 =	vand.u32 $0x7, v18;
	v19 =	vand.u32 $0xFFFFFFF0, v19  }
0xa9: {  	v18 =	vor.u32 v18, v19  }
0xaa: {  	v19 =	vperm.xlane v18, v2;
	_ =	sdelay $0x1  }
0xab: {  	v48 =	vperm.xlane v18, v1;
	v19 =	vadd.s32 v3, v19;
	_ =	sdelay $0x1  }
0xac: {  	v49 =	vperm.xlane v18, v4;
	v20 =	vadd.s32 v3, v48;
	_ =	sdelay $0x1  }
0xad: {  	s29 =	simm.s32 $0x17200;
	v50 =	vperm.xlane v18, v5;
	v21 =	vadd.s32 v3, v49  }
0xae: {  	[tilespmem:s29], [sflag:$0x1] =	stream.indirect_vreg.gather [hbm4b:s10+s3], $0x80, v19, vm0, $0xb8;
	[tilespmem:$0x1DA00] =	vst v63  }
0xaf: {  	s30 =	simm.s32 $0x17280;
	v51 =	vperm.xlane v18, v6;
	v19 =	vadd.s32 v3, v50  }
0xb0: {  	[tilespmem:s30], [sflag:$0x1] =	stream.indirect_vreg.gather [hbm4b:s10+s3], $0x80, v20, vm0, $0xb8;
	[tilespmem:$0x1DA00] =	vst v63  }
0xb1: {  	s23 =	simm.s32 $0x17300;
	v53 =	vperm.xlane v18, v7;
	v52 =	vadd.s32 v3, v51  }
0xb2: {  	[tilespmem:s23], [sflag:$0x1] =	stream.indirect_vreg.gather [hbm4b:s10+s3], $0x80, v21, vm0, $0xb8;
	[tilespmem:$0x1DA00] =	vst v63  }
0xb3: {  	s24 =	simm.s32 $0x17380;
	v55 =	vperm.xlane v18, v8;
	v54 =	vadd.s32 v3, v53  }
0xb4: {  	[tilespmem:s24], [sflag:$0x1] =	stream.indirect_vreg.gather [hbm4b:s10+s3], $0x80, v19, vm0, $0xb8;
	[tilespmem:$0x1DA00] =	vst v63  }
0xb5: {  	s25 =	simm.s32 $0x17400;
	v56 =	vperm.xlane v18, v0;
	v19 =	vadd.s32 v3, v55  }
0xb6: {  	[tilespmem:s25], [sflag:$0x1] =	stream.indirect_vreg.gather [hbm4b:s10+s3], $0x80, v52, vm0, $0xb8;
	[tilespmem:$0x1DA00] =	vst v63  }
0xb7: {  	v58 =	vperm.xlane v18, v9;
	v57 =	vadd.s32 v3, v56;
	s29 =	simm.s32 $0x17480  }
0xb8: {  	[tilespmem:s29], [sflag:$0x1] =	stream.indirect_vreg.gather [hbm4b:s10+s3], $0x80, v54, vm0, $0xb8;
	[tilespmem:$0x1DA00] =	vst v63  }
0xb9: {  	v60 =	vperm.xlane v18, v10;
	v59 =	vadd.s32 v3, v58;
	s30 =	simm.s32 $0x17500  }
0xba: {  	[tilespmem:s30], [sflag:$0x1] =	stream.indirect_vreg.gather [hbm4b:s10+s3], $0x80, v19, vm0, $0xb8;
	[tilespmem:$0x1DA00] =	vst v63  }
0xbb: {  	v61 =	vperm.xlane v18, v11;
	s23 =	simm.s32 $0x17580;
	v19 =	vadd.s32 v3, v60  }
0xbc: {  	[tilespmem:s23], [sflag:$0x1] =	stream.indirect_vreg.gather [hbm4b:s10+s3], $0x80, v57, vm0, $0xb8;
	[tilespmem:$0x1DA00] =	vst v63  }
0xbd: {  	v63 =	vperm.xlane v18, v12;
	v62 =	vadd.s32 v3, v61;
	s24 =	simm.s32 $0x17600  }
0xbe: {  	[tilespmem:s24], [sflag:$0x1] =	stream.indirect_vreg.gather [hbm4b:s10+s3], $0x80, v59, vm0, $0xb8;
	[tilespmem:$0x1DA00] =	vst v63  }
0xbf: {  	v25 =	vperm.xlane v18, v13;
	v24 =	vadd.s32 v3, v63;
	s25 =	simm.s32 $0x17680  }
0xc0: {  	[tilespmem:s25], [sflag:$0x1] =	stream.indirect_vreg.gather [hbm4b:s10+s3], $0x80, v19, vm0, $0xb8;
	[tilespmem:$0x1DA00] =	vst v63  }
0xc1: {  	v26 =	vperm.xlane v18, v14;
	s29 =	simm.s32 $0x17700;
	v19 =	vadd.s32 v3, v25  }
0xc2: {  	[tilespmem:s29], [sflag:$0x1] =	stream.indirect_vreg.gather [hbm4b:s10+s3], $0x80, v62, vm0, $0xb8;
	[tilespmem:$0x1DA00] =	vst v63  }
0xc3: {  	v28 =	vperm.xlane v18, v15;
	v27 =	vadd.s32 v3, v26;
	s30 =	simm.s32 $0x17780  }
0xc4: {  	[tilespmem:s30], [sflag:$0x1] =	stream.indirect_vreg.gather [hbm4b:s10+s3], $0x80, v24, vm0, $0xb8;
	[tilespmem:$0x1DA00] =	vst v63  }
0xc5: {  	v18 =	vperm.xlane v18, v16;
	v29 =	vadd.s32 v3, v28;
	s23 =	simm.s32 $0x17800  }
0xc6: {  	[tilespmem:s23], [sflag:$0x1] =	stream.indirect_vreg.gather [hbm4b:s10+s3], $0x80, v19, vm0, $0xb8;
	[tilespmem:$0x1DA00] =	vst v63  }
0xc7: {  	v18 =	vadd.s32 v3, v18;
	s24 =	simm.s32 $0x17880  }
0xc8: {  	[tilespmem:s24], [sflag:$0x1] =	stream.indirect_vreg.gather [hbm4b:s10+s3], $0x80, v27, vm0, $0xb8;
	[tilespmem:$0x1DA00] =	vst v63  }
0xc9: {  	s25 =	simm.s32 $0x17900  }
0xca: {  	[tilespmem:s25], [sflag:$0x1] =	stream.indirect_vreg.gather [hbm4b:s10+s3], $0x80, v29, vm0, $0xb8;
	[tilespmem:$0x1DA00] =	vst v63  }
0xcb: {  	s29 =	simm.s32 $0x17980  }
0xcc: {  	[tilespmem:s29], [sflag:$0x1] =	stream.indirect_vreg.gather [hbm4b:s10+s3], $0x80, v18, vm0, $0xb8;
	[tilespmem:$0x1DA00] =	vst v63  }
0xcd: {  	v18 =	vld [tilespmem:$0x138B0];
	_ =	sdelay $0x4  }
0xce: {  	v19 =	vshll.u32 v18, $0x1  }
0xcf: {  	v18 =	vand.u32 $0x7, v18;
	v19 =	vand.u32 $0xFFFFFFF0, v19  }
0xd0: {  	v18 =	vor.u32 v18, v19  }
0xd1: {  	v19 =	vperm.xlane v18, v2;
	_ =	sdelay $0x1  }
0xd2: {  	v30 =	vperm.xlane v18, v1;
	v19 =	vadd.s32 v3, v19;
	_ =	sdelay $0x1  }
0xd3: {  	v31 =	vperm.xlane v18, v4;
	v20 =	vadd.s32 v3, v30;
	_ =	sdelay $0x1  }
0xd4: {  	s30 =	simm.s32 $0x17A00;
	v32 =	vperm.xlane v18, v5;
	v21 =	vadd.s32 v3, v31  }
0xd5: {  	[tilespmem:s30], [sflag:$0x1] =	stream.indirect_vreg.gather [hbm4b:s10+s3], $0x80, v19, vm0, $0xb8;
	[tilespmem:$0x1DA00] =	vst v63  }
0xd6: {  	s23 =	simm.s32 $0x17A80;
	v33 =	vperm.xlane v18, v6;
	v19 =	vadd.s32 v3, v32  }
0xd7: {  	[tilespmem:s23], [sflag:$0x1] =	stream.indirect_vreg.gather [hbm4b:s10+s3], $0x80, v20, vm0, $0xb8;
	[tilespmem:$0x1DA00] =	vst v63  }
0xd8: {  	s24 =	simm.s32 $0x17B00;
	v35 =	vperm.xlane v18, v7;
	v34 =	vadd.s32 v3, v33  }
0xd9: {  	[tilespmem:s24], [sflag:$0x1] =	stream.indirect_vreg.gather [hbm4b:s10+s3], $0x80, v21, vm0, $0xb8;
	[tilespmem:$0x1DA00] =	vst v63  }
0xda: {  	s25 =	simm.s32 $0x17B80;
	v37 =	vperm.xlane v18, v8;
	v36 =	vadd.s32 v3, v35  }
0xdb: {  	[tilespmem:s25], [sflag:$0x1] =	stream.indirect_vreg.gather [hbm4b:s10+s3], $0x80, v19, vm0, $0xb8;
	[tilespmem:$0x1DA00] =	vst v63  }
0xdc: {  	s29 =	simm.s32 $0x17C00;
	v38 =	vperm.xlane v18, v0;
	v19 =	vadd.s32 v3, v37  }
0xdd: {  	[tilespmem:s29], [sflag:$0x1] =	stream.indirect_vreg.gather [hbm4b:s10+s3], $0x80, v34, vm0, $0xb8;
	[tilespmem:$0x1DA00] =	vst v63  }
0xde: {  	v40 =	vperm.xlane v18, v9;
	v39 =	vadd.s32 v3, v38;
	s30 =	simm.s32 $0x17C80  }
0xdf: {  	[tilespmem:s30], [sflag:$0x1] =	stream.indirect_vreg.gather [hbm4b:s10+s3], $0x80, v36, vm0, $0xb8;
	[tilespmem:$0x1DA00] =	vst v63  }
0xe0: {  	v42 =	vperm.xlane v18, v10;
	v41 =	vadd.s32 v3, v40;
	s23 =	simm.s32 $0x17D00  }
0xe1: {  	[tilespmem:s23], [sflag:$0x1] =	stream.indirect_vreg.gather [hbm4b:s10+s3], $0x80, v19, vm0, $0xb8;
	[tilespmem:$0x1DA00] =	vst v63  }
0xe2: {  	v43 =	vperm.xlane v18, v11;
	s24 =	simm.s32 $0x17D80;
	v19 =	vadd.s32 v3, v42  }
0xe3: {  	[tilespmem:s24], [sflag:$0x1] =	stream.indirect_vreg.gather [hbm4b:s10+s3], $0x80, v39, vm0, $0xb8;
	[tilespmem:$0x1DA00] =	vst v63  }
0xe4: {  	v45 =	vperm.xlane v18, v12;
	v44 =	vadd.s32 v3, v43;
	s25 =	simm.s32 $0x17E00  }
0xe5: {  	[tilespmem:s25], [sflag:$0x1] =	stream.indirect_vreg.gather [hbm4b:s10+s3], $0x80, v41, vm0, $0xb8;
	[tilespmem:$0x1DA00] =	vst v63  }
0xe6: {  	v47 =	vperm.xlane v18, v13;
	v46 =	vadd.s32 v3, v45;
	s29 =	simm.s32 $0x17E80  }
0xe7: {  	[tilespmem:s29], [sflag:$0x1] =	stream.indirect_vreg.gather [hbm4b:s10+s3], $0x80, v19, vm0, $0xb8;
	[tilespmem:$0x1DA00] =	vst v63  }
0xe8: {  	v48 =	vperm.xlane v18, v14;
	s30 =	simm.s32 $0x17F00;
	v19 =	vadd.s32 v3, v47  }
0xe9: {  	[tilespmem:s30], [sflag:$0x1] =	stream.indirect_vreg.gather [hbm4b:s10+s3], $0x80, v44, vm0, $0xb8;
	[tilespmem:$0x1DA00] =	vst v63  }
0xea: {  	v50 =	vperm.xlane v18, v15;
	v49 =	vadd.s32 v3, v48;
	s23 =	simm.s32 $0x17F80  }
0xeb: {  	[tilespmem:s23], [sflag:$0x1] =	stream.indirect_vreg.gather [hbm4b:s10+s3], $0x80, v46, vm0, $0xb8;
	[tilespmem:$0x1DA00] =	vst v63  }
0xec: {  	v18 =	vperm.xlane v18, v16;
	v51 =	vadd.s32 v3, v50;
	s24 =	simm.s32 $0x18000  }
0xed: {  	[tilespmem:s24], [sflag:$0x1] =	stream.indirect_vreg.gather [hbm4b:s10+s3], $0x80, v19, vm0, $0xb8;
	[tilespmem:$0x1DA00] =	vst v63  }
0xee: {  	v18 =	vadd.s32 v3, v18;
	s25 =	simm.s32 $0x18080  }
0xef: {  	[tilespmem:s25], [sflag:$0x1] =	stream.indirect_vreg.gather [hbm4b:s10+s3], $0x80, v49, vm0, $0xb8;
	[tilespmem:$0x1DA00] =	vst v63  }
0xf0: {  	s29 =	simm.s32 $0x18100  }
0xf1: {  	[tilespmem:s29], [sflag:$0x1] =	stream.indirect_vreg.gather [hbm4b:s10+s3], $0x80, v51, vm0, $0xb8;
	[tilespmem:$0x1DA00] =	vst v63  }
0xf2: {  	s30 =	simm.s32 $0x18180  }
0xf3: {  	[tilespmem:s30], [sflag:$0x1] =	stream.indirect_vreg.gather [hbm4b:s10+s3], $0x80, v18, vm0, $0xb8;
	[tilespmem:$0x1DA00] =	vst v63  }
0xf4: {  	v18 =	vld [tilespmem:$0x138C0];
	_ =	sdelay $0x4  }
0xf5: {  	v19 =	vshll.u32 v18, $0x1  }
0xf6: {  	v18 =	vand.u32 $0x7, v18;
	v19 =	vand.u32 $0xFFFFFFF0, v19  }
0xf7: {  	v18 =	vor.u32 v18, v19  }
0xf8: {  	v19 =	vperm.xlane v18, v2;
	_ =	sdelay $0x1  }
0xf9: {  	v52 =	vperm.xlane v18, v1;
	v19 =	vadd.s32 v3, v19;
	_ =	sdelay $0x1  }
0xfa: {  	v53 =	vperm.xlane v18, v4;
	v20 =	vadd.s32 v3, v52;
	_ =	sdelay $0x1  }
0xfb: {  	s23 =	simm.s32 $0x18200;
	v54 =	vperm.xlane v18, v5;
	v21 =	vadd.s32 v3, v53  }
0xfc: {  	[tilespmem:s23], [sflag:$0x1] =	stream.indirect_vreg.gather [hbm4b:s10+s3], $0x80, v19, vm0, $0xb8;
	[tilespmem:$0x1DA00] =	vst v63  }
0xfd: {  	s24 =	simm.s32 $0x18280;
	v55 =	vperm.xlane v18, v6;
	v19 =	vadd.s32 v3, v54  }
0xfe: {  	[tilespmem:s24], [sflag:$0x1] =	stream.indirect_vreg.gather [hbm4b:s10+s3], $0x80, v20, vm0, $0xb8;
	[tilespmem:$0x1DA00] =	vst v63  }
0xff: {  	s25 =	simm.s32 $0x18300;
	v57 =	vperm.xlane v18, v7;
	v56 =	vadd.s32 v3, v55  }
0x100: {  	[tilespmem:s25], [sflag:$0x1] =	stream.indirect_vreg.gather [hbm4b:s10+s3], $0x80, v21, vm0, $0xb8;
	[tilespmem:$0x1DA00] =	vst v63  }
0x101: {  	s29 =	simm.s32 $0x18380;
	v59 =	vperm.xlane v18, v8;
	v58 =	vadd.s32 v3, v57  }
0x102: {  	[tilespmem:s29], [sflag:$0x1] =	stream.indirect_vreg.gather [hbm4b:s10+s3], $0x80, v19, vm0, $0xb8;
	[tilespmem:$0x1DA00] =	vst v63  }
0x103: {  	s30 =	simm.s32 $0x18400;
	v60 =	vperm.xlane v18, v0;
	v19 =	vadd.s32 v3, v59  }
0x104: {  	[tilespmem:s30], [sflag:$0x1] =	stream.indirect_vreg.gather [hbm4b:s10+s3], $0x80, v56, vm0, $0xb8;
	[tilespmem:$0x1DA00] =	vst v63  }
0x105: {  	v62 =	vperm.xlane v18, v9;
	v61 =	vadd.s32 v3, v60;
	s23 =	simm.s32 $0x18480  }
0x106: {  	[tilespmem:s23], [sflag:$0x1] =	stream.indirect_vreg.gather [hbm4b:s10+s3], $0x80, v58, vm0, $0xb8;
	[tilespmem:$0x1DA00] =	vst v63  }
0x107: {  	v24 =	vperm.xlane v18, v10;
	v63 =	vadd.s32 v3, v62;
	s24 =	simm.s32 $0x18500  }
0x108: {  	[tilespmem:s24], [sflag:$0x1] =	stream.indirect_vreg.gather [hbm4b:s10+s3], $0x80, v19, vm0, $0xb8;
	[tilespmem:$0x1DA00] =	vst v63  }
0x109: {  	v25 =	vperm.xlane v18, v11;
	s25 =	simm.s32 $0x18580;
	v19 =	vadd.s32 v3, v24  }
0x10a: {  	[tilespmem:s25], [sflag:$0x1] =	stream.indirect_vreg.gather [hbm4b:s10+s3], $0x80, v61, vm0, $0xb8;
	[tilespmem:$0x1DA00] =	vst v63  }
0x10b: {  	v27 =	vperm.xlane v18, v12;
	v26 =	vadd.s32 v3, v25;
	s29 =	simm.s32 $0x18600  }
0x10c: {  	[tilespmem:s29], [sflag:$0x1] =	stream.indirect_vreg.gather [hbm4b:s10+s3], $0x80, v63, vm0, $0xb8;
	[tilespmem:$0x1DA00] =	vst v63  }
0x10d: {  	v29 =	vperm.xlane v18, v13;
	v28 =	vadd.s32 v3, v27;
	s30 =	simm.s32 $0x18680  }
0x10e: {  	[tilespmem:s30], [sflag:$0x1] =	stream.indirect_vreg.gather [hbm4b:s10+s3], $0x80, v19, vm0, $0xb8;
	[tilespmem:$0x1DA00] =	vst v63  }
0x10f: {  	v30 =	vperm.xlane v18, v14;
	s23 =	simm.s32 $0x18700;
	v19 =	vadd.s32 v3, v29  }
0x110: {  	[tilespmem:s23], [sflag:$0x1] =	stream.indirect_vreg.gather [hbm4b:s10+s3], $0x80, v26, vm0, $0xb8;
	[tilespmem:$0x1DA00] =	vst v63  }
0x111: {  	v32 =	vperm.xlane v18, v15;
	v31 =	vadd.s32 v3, v30;
	s24 =	simm.s32 $0x18780  }
0x112: {  	[tilespmem:s24], [sflag:$0x1] =	stream.indirect_vreg.gather [hbm4b:s10+s3], $0x80, v28, vm0, $0xb8;
	[tilespmem:$0x1DA00] =	vst v63  }
0x113: {  	v18 =	vperm.xlane v18, v16;
	v33 =	vadd.s32 v3, v32;
	s25 =	simm.s32 $0x18800  }
0x114: {  	[tilespmem:s25], [sflag:$0x1] =	stream.indirect_vreg.gather [hbm4b:s10+s3], $0x80, v19, vm0, $0xb8;
	[tilespmem:$0x1DA00] =	vst v63  }
0x115: {  	v18 =	vadd.s32 v3, v18;
	s29 =	simm.s32 $0x18880  }
0x116: {  	[tilespmem:s29], [sflag:$0x1] =	stream.indirect_vreg.gather [hbm4b:s10+s3], $0x80, v31, vm0, $0xb8;
	[tilespmem:$0x1DA00] =	vst v63  }
0x117: {  	s30 =	simm.s32 $0x18900  }
0x118: {  	[tilespmem:s30], [sflag:$0x1] =	stream.indirect_vreg.gather [hbm4b:s10+s3], $0x80, v33, vm0, $0xb8;
	[tilespmem:$0x1DA00] =	vst v63  }
0x119: {  	s23 =	simm.s32 $0x18980  }
0x11a: {  	[tilespmem:s23], [sflag:$0x1] =	stream.indirect_vreg.gather [hbm4b:s10+s3], $0x80, v18, vm0, $0xb8;
	[tilespmem:$0x1DA00] =	vst v63  }
0x11b: {  	v18 =	vld [tilespmem:$0x138D0];
	_ =	sdelay $0x4  }
0x11c: {  	v19 =	vshll.u32 v18, $0x1  }
0x11d: {  	v18 =	vand.u32 $0x7, v18;
	v19 =	vand.u32 $0xFFFFFFF0, v19  }
0x11e: {  	v18 =	vor.u32 v18, v19  }
0x11f: {  	v19 =	vperm.xlane v18, v2;
	_ =	sdelay $0x1  }
0x120: {  	v34 =	vperm.xlane v18, v1;
	v19 =	vadd.s32 v3, v19;
	_ =	sdelay $0x1  }
0x121: {  	v35 =	vperm.xlane v18, v4;
	v20 =	vadd.s32 v3, v34;
	_ =	sdelay $0x1  }
0x122: {  	v36 =	vperm.xlane v18, v5;
	v21 =	vadd.s32 v3, v35  }
0x123: {  	[tilespmem:s22], [sflag:$0x2] =	stream.indirect_vreg.gather [hbm4b:s10+s3], $0x80, v19, vm0, $0xb8;
	[tilespmem:$0x1DA00] =	vst v63  }
0x124: {  	s24 =	simm.s32 $0x18A80;
	v37 =	vperm.xlane v18, v6;
	v19 =	vadd.s32 v3, v36  }
0x125: {  	[tilespmem:s24], [sflag:$0x2] =	stream.indirect_vreg.gather [hbm4b:s10+s3], $0x80, v20, vm0, $0xb8;
	[tilespmem:$0x1DA00] =	vst v63  }
0x126: {  	s25 =	simm.s32 $0x18B00;
	v39 =	vperm.xlane v18, v7;
	v38 =	vadd.s32 v3, v37  }
0x127: {  	[tilespmem:s25], [sflag:$0x2] =	stream.indirect_vreg.gather [hbm4b:s10+s3], $0x80, v21, vm0, $0xb8;
	[tilespmem:$0x1DA00] =	vst v63  }
0x128: {  	s29 =	simm.s32 $0x18B80;
	v41 =	vperm.xlane v18, v8;
	v40 =	vadd.s32 v3, v39  }
0x129: {  	[tilespmem:s29], [sflag:$0x2] =	stream.indirect_vreg.gather [hbm4b:s10+s3], $0x80, v19, vm0, $0xb8;
	[tilespmem:$0x1DA00] =	vst v63  }
0x12a: {  	s30 =	simm.s32 $0x18C00;
	v42 =	vperm.xlane v18, v0;
	v19 =	vadd.s32 v3, v41  }
0x12b: {  	[tilespmem:s30], [sflag:$0x2] =	stream.indirect_vreg.gather [hbm4b:s10+s3], $0x80, v38, vm0, $0xb8;
	[tilespmem:$0x1DA00] =	vst v63  }
0x12c: {  	s23 =	simm.s32 $0x18C80;
	v44 =	vperm.xlane v18, v9;
	v43 =	vadd.s32 v3, v42  }
0x12d: {  	[tilespmem:s23], [sflag:$0x2] =	stream.indirect_vreg.gather [hbm4b:s10+s3], $0x80, v40, vm0, $0xb8;
	[tilespmem:$0x1DA00] =	vst v63  }
0x12e: {  	v46 =	vperm.xlane v18, v10;
	v45 =	vadd.s32 v3, v44;
	s24 =	simm.s32 $0x18D00  }
0x12f: {  	[tilespmem:s24], [sflag:$0x2] =	stream.indirect_vreg.gather [hbm4b:s10+s3], $0x80, v19, vm0, $0xb8;
	[tilespmem:$0x1DA00] =	vst v63  }
0x130: {  	v47 =	vperm.xlane v18, v11;
	s25 =	simm.s32 $0x18D80;
	v19 =	vadd.s32 v3, v46  }
0x131: {  	[tilespmem:s25], [sflag:$0x2] =	stream.indirect_vreg.gather [hbm4b:s10+s3], $0x80, v43, vm0, $0xb8;
	[tilespmem:$0x1DA00] =	vst v63  }
0x132: {  	v49 =	vperm.xlane v18, v12;
	v48 =	vadd.s32 v3, v47;
	s29 =	simm.s32 $0x18E00  }
0x133: {  	[tilespmem:s29], [sflag:$0x2] =	stream.indirect_vreg.gather [hbm4b:s10+s3], $0x80, v45, vm0, $0xb8;
	[tilespmem:$0x1DA00] =	vst v63  }
0x134: {  	v51 =	vperm.xlane v18, v13;
	v50 =	vadd.s32 v3, v49;
	s30 =	simm.s32 $0x18E80  }
0x135: {  	[tilespmem:s30], [sflag:$0x2] =	stream.indirect_vreg.gather [hbm4b:s10+s3], $0x80, v19, vm0, $0xb8;
	[tilespmem:$0x1DA00] =	vst v63  }
0x136: {  	v52 =	vperm.xlane v18, v14;
	s23 =	simm.s32 $0x18F00;
	v19 =	vadd.s32 v3, v51  }
0x137: {  	[tilespmem:s23], [sflag:$0x2] =	stream.indirect_vreg.gather [hbm4b:s10+s3], $0x80, v48, vm0, $0xb8;
	[tilespmem:$0x1DA00] =	vst v63  }
0x138: {  	v54 =	vperm.xlane v18, v15;
	v53 =	vadd.s32 v3, v52;
	s24 =	simm.s32 $0x18F80  }
0x139: {  	[tilespmem:s24], [sflag:$0x2] =	stream.indirect_vreg.gather [hbm4b:s10+s3], $0x80, v50, vm0, $0xb8;
	[tilespmem:$0x1DA00] =	vst v63  }
0x13a: {  	v18 =	vperm.xlane v18, v16;
	v55 =	vadd.s32 v3, v54;
	s25 =	simm.s32 $0x19000  }
0x13b: {  	[tilespmem:s25], [sflag:$0x2] =	stream.indirect_vreg.gather [hbm4b:s10+s3], $0x80, v19, vm0, $0xb8;
	[tilespmem:$0x1DA00] =	vst v63  }
0x13c: {  	v18 =	vadd.s32 v3, v18;
	s29 =	simm.s32 $0x19080  }
0x13d: {  	[tilespmem:s29], [sflag:$0x2] =	stream.indirect_vreg.gather [hbm4b:s10+s3], $0x80, v53, vm0, $0xb8;
	[tilespmem:$0x1DA00] =	vst v63  }
0x13e: {  	s30 =	simm.s32 $0x19100  }
0x13f: {  	[tilespmem:s30], [sflag:$0x2] =	stream.indirect_vreg.gather [hbm4b:s10+s3], $0x80, v55, vm0, $0xb8;
	[tilespmem:$0x1DA00] =	vst v63  }
0x140: {  	s23 =	simm.s32 $0x19180  }
0x141: {  	[tilespmem:s23], [sflag:$0x2] =	stream.indirect_vreg.gather [hbm4b:s10+s3], $0x80, v18, vm0, $0xb8;
	[tilespmem:$0x1DA00] =	vst v63  }
0x142: {  	v18 =	vld [tilespmem:$0x138E0];
	_ =	sdelay $0x4  }
0x143: {  	v19 =	vshll.u32 v18, $0x1  }
0x144: {  	v18 =	vand.u32 $0x7, v18;
	v19 =	vand.u32 $0xFFFFFFF0, v19  }
0x145: {  	v18 =	vor.u32 v18, v19  }
0x146: {  	v19 =	vperm.xlane v18, v2;
	_ =	sdelay $0x1  }
0x147: {  	v56 =	vperm.xlane v18, v1;
	v19 =	vadd.s32 v3, v19;
	_ =	sdelay $0x1  }
0x148: {  	v57 =	vperm.xlane v18, v4;
	v20 =	vadd.s32 v3, v56;
	_ =	sdelay $0x1  }
0x149: {  	s24 =	simm.s32 $0x19200;
	v58 =	vperm.xlane v18, v5;
	v21 =	vadd.s32 v3, v57  }
0x14a: {  	[tilespmem:s24], [sflag:$0x2] =	stream.indirect_vreg.gather [hbm4b:s10+s3], $0x80, v19, vm0, $0xb8;
	[tilespmem:$0x1DA00] =	vst v63  }
0x14b: {  	s25 =	simm.s32 $0x19280;
	v59 =	vperm.xlane v18, v6;
	v19 =	vadd.s32 v3, v58  }
0x14c: {  	[tilespmem:s25], [sflag:$0x2] =	stream.indirect_vreg.gather [hbm4b:s10+s3], $0x80, v20, vm0, $0xb8;
	[tilespmem:$0x1DA00] =	vst v63  }
0x14d: {  	s29 =	simm.s32 $0x19300;
	v61 =	vperm.xlane v18, v7;
	v60 =	vadd.s32 v3, v59  }
0x14e: {  	[tilespmem:s29], [sflag:$0x2] =	stream.indirect_vreg.gather [hbm4b:s10+s3], $0x80, v21, vm0, $0xb8;
	[tilespmem:$0x1DA00] =	vst v63  }
0x14f: {  	s30 =	simm.s32 $0x19380;
	v63 =	vperm.xlane v18, v8;
	v62 =	vadd.s32 v3, v61  }
0x150: {  	[tilespmem:s30], [sflag:$0x2] =	stream.indirect_vreg.gather [hbm4b:s10+s3], $0x80, v19, vm0, $0xb8;
	[tilespmem:$0x1DA00] =	vst v63  }
0x151: {  	s23 =	simm.s32 $0x19400;
	v24 =	vperm.xlane v18, v0;
	v19 =	vadd.s32 v3, v63  }
0x152: {  	[tilespmem:s23], [sflag:$0x2] =	stream.indirect_vreg.gather [hbm4b:s10+s3], $0x80, v60, vm0, $0xb8;
	[tilespmem:$0x1DA00] =	vst v63  }
0x153: {  	v26 =	vperm.xlane v18, v9;
	v25 =	vadd.s32 v3, v24;
	s24 =	simm.s32 $0x19480  }
0x154: {  	[tilespmem:s24], [sflag:$0x2] =	stream.indirect_vreg.gather [hbm4b:s10+s3], $0x80, v62, vm0, $0xb8;
	[tilespmem:$0x1DA00] =	vst v63  }
0x155: {  	v28 =	vperm.xlane v18, v10;
	v27 =	vadd.s32 v3, v26;
	s25 =	simm.s32 $0x19500  }
0x156: {  	[tilespmem:s25], [sflag:$0x2] =	stream.indirect_vreg.gather [hbm4b:s10+s3], $0x80, v19, vm0, $0xb8;
	[tilespmem:$0x1DA00] =	vst v63  }
0x157: {  	v29 =	vperm.xlane v18, v11;
	s29 =	simm.s32 $0x19580;
	v19 =	vadd.s32 v3, v28  }
0x158: {  	[tilespmem:s29], [sflag:$0x2] =	stream.indirect_vreg.gather [hbm4b:s10+s3], $0x80, v25, vm0, $0xb8;
	[tilespmem:$0x1DA00] =	vst v63  }
0x159: {  	v31 =	vperm.xlane v18, v12;
	v30 =	vadd.s32 v3, v29;
	s30 =	simm.s32 $0x19600  }
0x15a: {  	[tilespmem:s30], [sflag:$0x2] =	stream.indirect_vreg.gather [hbm4b:s10+s3], $0x80, v27, vm0, $0xb8;
	[tilespmem:$0x1DA00] =	vst v63  }
0x15b: {  	v33 =	vperm.xlane v18, v13;
	v32 =	vadd.s32 v3, v31;
	s23 =	simm.s32 $0x19680  }
0x15c: {  	[tilespmem:s23], [sflag:$0x2] =	stream.indirect_vreg.gather [hbm4b:s10+s3], $0x80, v19, vm0, $0xb8;
	[tilespmem:$0x1DA00] =	vst v63  }
0x15d: {  	v34 =	vperm.xlane v18, v14;
	s24 =	simm.s32 $0x19700;
	v19 =	vadd.s32 v3, v33  }
0x15e: {  	[tilespmem:s24], [sflag:$0x2] =	stream.indirect_vreg.gather [hbm4b:s10+s3], $0x80, v30, vm0, $0xb8;
	[tilespmem:$0x1DA00] =	vst v63  }
0x15f: {  	v36 =	vperm.xlane v18, v15;
	v35 =	vadd.s32 v3, v34;
	s25 =	simm.s32 $0x19780  }
0x160: {  	[tilespmem:s25], [sflag:$0x2] =	stream.indirect_vreg.gather [hbm4b:s10+s3], $0x80, v32, vm0, $0xb8;
	[tilespmem:$0x1DA00] =	vst v63  }
0x161: {  	v18 =	vperm.xlane v18, v16;
	v37 =	vadd.s32 v3, v36;
	s29 =	simm.s32 $0x19800  }
0x162: {  	[tilespmem:s29], [sflag:$0x2] =	stream.indirect_vreg.gather [hbm4b:s10+s3], $0x80, v19, vm0, $0xb8;
	[tilespmem:$0x1DA00] =	vst v63  }
0x163: {  	v18 =	vadd.s32 v3, v18;
	s30 =	simm.s32 $0x19880  }
0x164: {  	[tilespmem:s30], [sflag:$0x2] =	stream.indirect_vreg.gather [hbm4b:s10+s3], $0x80, v35, vm0, $0xb8;
	[tilespmem:$0x1DA00] =	vst v63  }
0x165: {  	s23 =	simm.s32 $0x19900  }
0x166: {  	[tilespmem:s23], [sflag:$0x2] =	stream.indirect_vreg.gather [hbm4b:s10+s3], $0x80, v37, vm0, $0xb8;
	[tilespmem:$0x1DA00] =	vst v63  }
0x167: {  	s24 =	simm.s32 $0x19980  }
0x168: {  	[tilespmem:s24], [sflag:$0x2] =	stream.indirect_vreg.gather [hbm4b:s10+s3], $0x80, v18, vm0, $0xb8;
	[tilespmem:$0x1DA00] =	vst v63  }
0x169: {  	v18 =	vld [tilespmem:$0x138F0];
	_ =	sdelay $0x4  }
0x16a: {  	v19 =	vshll.u32 v18, $0x1  }
0x16b: {  	v18 =	vand.u32 $0x7, v18;
	v19 =	vand.u32 $0xFFFFFFF0, v19  }
0x16c: {  	v18 =	vor.u32 v18, v19  }
0x16d: {  	v19 =	vperm.xlane v18, v2;
	_ =	sdelay $0x1  }
0x16e: {  	v38 =	vperm.xlane v18, v1;
	v19 =	vadd.s32 v3, v19;
	_ =	sdelay $0x1  }
0x16f: {  	v39 =	vperm.xlane v18, v4;
	v20 =	vadd.s32 v3, v38;
	_ =	sdelay $0x1  }
0x170: {  	s25 =	simm.s32 $0x19A00;
	v40 =	vperm.xlane v18, v5;
	v21 =	vadd.s32 v3, v39  }
0x171: {  	[tilespmem:s25], [sflag:$0x2] =	stream.indirect_vreg.gather [hbm4b:s10+s3], $0x80, v19, vm0, $0xb8;
	[tilespmem:$0x1DA00] =	vst v63  }
0x172: {  	s29 =	simm.s32 $0x19A80;
	v41 =	vperm.xlane v18, v6;
	v19 =	vadd.s32 v3, v40  }
0x173: {  	[tilespmem:s29], [sflag:$0x2] =	stream.indirect_vreg.gather [hbm4b:s10+s3], $0x80, v20, vm0, $0xb8;
	[tilespmem:$0x1DA00] =	vst v63  }
0x174: {  	s30 =	simm.s32 $0x19B00;
	v43 =	vperm.xlane v18, v7;
	v42 =	vadd.s32 v3, v41  }
0x175: {  	[tilespmem:s30], [sflag:$0x2] =	stream.indirect_vreg.gather [hbm4b:s10+s3], $0x80, v21, vm0, $0xb8;
	[tilespmem:$0x1DA00] =	vst v63  }
0x176: {  	s23 =	simm.s32 $0x19B80;
	v45 =	vperm.xlane v18, v8;
	v44 =	vadd.s32 v3, v43  }
0x177: {  	[tilespmem:s23], [sflag:$0x2] =	stream.indirect_vreg.gather [hbm4b:s10+s3], $0x80, v19, vm0, $0xb8;
	[tilespmem:$0x1DA00] =	vst v63  }
0x178: {  	s24 =	simm.s32 $0x19C00;
	v46 =	vperm.xlane v18, v0;
	v19 =	vadd.s32 v3, v45  }
0x179: {  	[tilespmem:s24], [sflag:$0x2] =	stream.indirect_vreg.gather [hbm4b:s10+s3], $0x80, v42, vm0, $0xb8;
	[tilespmem:$0x1DA00] =	vst v63  }
0x17a: {  	v48 =	vperm.xlane v18, v9;
	v47 =	vadd.s32 v3, v46;
	s25 =	simm.s32 $0x19C80  }
0x17b: {  	[tilespmem:s25], [sflag:$0x2] =	stream.indirect_vreg.gather [hbm4b:s10+s3], $0x80, v44, vm0, $0xb8;
	[tilespmem:$0x1DA00] =	vst v63  }
0x17c: {  	v50 =	vperm.xlane v18, v10;
	v49 =	vadd.s32 v3, v48;
	s29 =	simm.s32 $0x19D00  }
0x17d: {  	[tilespmem:s29], [sflag:$0x2] =	stream.indirect_vreg.gather [hbm4b:s10+s3], $0x80, v19, vm0, $0xb8;
	[tilespmem:$0x1DA00] =	vst v63  }
0x17e: {  	v51 =	vperm.xlane v18, v11;
	s30 =	simm.s32 $0x19D80;
	v19 =	vadd.s32 v3, v50  }
0x17f: {  	[tilespmem:s30], [sflag:$0x2] =	stream.indirect_vreg.gather [hbm4b:s10+s3], $0x80, v47, vm0, $0xb8;
	[tilespmem:$0x1DA00] =	vst v63  }
0x180: {  	v53 =	vperm.xlane v18, v12;
	v52 =	vadd.s32 v3, v51;
	s23 =	simm.s32 $0x19E00  }
0x181: {  	[tilespmem:s23], [sflag:$0x2] =	stream.indirect_vreg.gather [hbm4b:s10+s3], $0x80, v49, vm0, $0xb8;
	[tilespmem:$0x1DA00] =	vst v63  }
0x182: {  	v55 =	vperm.xlane v18, v13;
	v54 =	vadd.s32 v3, v53;
	s24 =	simm.s32 $0x19E80  }
0x183: {  	[tilespmem:s24], [sflag:$0x2] =	stream.indirect_vreg.gather [hbm4b:s10+s3], $0x80, v19, vm0, $0xb8;
	[tilespmem:$0x1DA00] =	vst v63  }
0x184: {  	v56 =	vperm.xlane v18, v14;
	s25 =	simm.s32 $0x19F00;
	v19 =	vadd.s32 v3, v55  }
0x185: {  	[tilespmem:s25], [sflag:$0x2] =	stream.indirect_vreg.gather [hbm4b:s10+s3], $0x80, v52, vm0, $0xb8;
	[tilespmem:$0x1DA00] =	vst v63  }
0x186: {  	v58 =	vperm.xlane v18, v15;
	v57 =	vadd.s32 v3, v56;
	s29 =	simm.s32 $0x19F80  }
0x187: {  	[tilespmem:s29], [sflag:$0x2] =	stream.indirect_vreg.gather [hbm4b:s10+s3], $0x80, v54, vm0, $0xb8;
	[tilespmem:$0x1DA00] =	vst v63  }
0x188: {  	v18 =	vperm.xlane v18, v16;
	v59 =	vadd.s32 v3, v58;
	s30 =	simm.s32 $0x1A000  }
0x189: {  	[tilespmem:s30], [sflag:$0x2] =	stream.indirect_vreg.gather [hbm4b:s10+s3], $0x80, v19, vm0, $0xb8;
	[tilespmem:$0x1DA00] =	vst v63  }
0x18a: {  	v18 =	vadd.s32 v3, v18;
	s23 =	simm.s32 $0x1A080  }
0x18b: {  	[tilespmem:s23], [sflag:$0x2] =	stream.indirect_vreg.gather [hbm4b:s10+s3], $0x80, v57, vm0, $0xb8;
	[tilespmem:$0x1DA00] =	vst v63  }
0x18c: {  	s24 =	simm.s32 $0x1A100  }
0x18d: {  	[tilespmem:s24], [sflag:$0x2] =	stream.indirect_vreg.gather [hbm4b:s10+s3], $0x80, v59, vm0, $0xb8;
	[tilespmem:$0x1DA00] =	vst v63  }
0x18e: {  	s25 =	simm.s32 $0x1A180  }
0x18f: {  	[tilespmem:s25], [sflag:$0x2] =	stream.indirect_vreg.gather [hbm4b:s10+s3], $0x80, v18, vm0, $0xb8;
	[tilespmem:$0x1DA00] =	vst v63  }
0x190: {  	v18 =	vld [tilespmem:$0x13900];
	_ =	sdelay $0x4  }
0x191: {  	v19 =	vshll.u32 v18, $0x1  }
0x192: {  	v18 =	vand.u32 $0x7, v18;
	v19 =	vand.u32 $0xFFFFFFF0, v19  }
0x193: {  	v18 =	vor.u32 v18, v19  }
0x194: {  	v19 =	vperm.xlane v18, v2;
	_ =	sdelay $0x1  }
0x195: {  	v60 =	vperm.xlane v18, v1;
	v19 =	vadd.s32 v3, v19;
	_ =	sdelay $0x1  }
0x196: {  	v61 =	vperm.xlane v18, v4;
	v20 =	vadd.s32 v3, v60;
	_ =	sdelay $0x1  }
0x197: {  	s29 =	simm.s32 $0x1A200;
	v62 =	vperm.xlane v18, v5;
	v21 =	vadd.s32 v3, v61  }
0x198: {  	[tilespmem:s29], [sflag:$0x2] =	stream.indirect_vreg.gather [hbm4b:s10+s3], $0x80, v19, vm0, $0xb8;
	[tilespmem:$0x1DA00] =	vst v63  }
0x199: {  	s30 =	simm.s32 $0x1A280;
	v63 =	vperm.xlane v18, v6;
	v19 =	vadd.s32 v3, v62  }
0x19a: {  	[tilespmem:s30], [sflag:$0x2] =	stream.indirect_vreg.gather [hbm4b:s10+s3], $0x80, v20, vm0, $0xb8;
	[tilespmem:$0x1DA00] =	vst v63  }
0x19b: {  	s23 =	simm.s32 $0x1A300;
	v25 =	vperm.xlane v18, v7;
	v24 =	vadd.s32 v3, v63  }
0x19c: {  	[tilespmem:s23], [sflag:$0x2] =	stream.indirect_vreg.gather [hbm4b:s10+s3], $0x80, v21, vm0, $0xb8;
	[tilespmem:$0x1DA00] =	vst v63  }
0x19d: {  	s24 =	simm.s32 $0x1A380;
	v27 =	vperm.xlane v18, v8;
	v26 =	vadd.s32 v3, v25  }
0x19e: {  	[tilespmem:s24], [sflag:$0x2] =	stream.indirect_vreg.gather [hbm4b:s10+s3], $0x80, v19, vm0, $0xb8;
	[tilespmem:$0x1DA00] =	vst v63  }
0x19f: {  	s25 =	simm.s32 $0x1A400;
	v28 =	vperm.xlane v18, v0;
	v19 =	vadd.s32 v3, v27  }
0x1a0: {  	[tilespmem:s25], [sflag:$0x2] =	stream.indirect_vreg.gather [hbm4b:s10+s3], $0x80, v24, vm0, $0xb8;
	[tilespmem:$0x1DA00] =	vst v63  }
0x1a1: {  	v30 =	vperm.xlane v18, v9;
	v29 =	vadd.s32 v3, v28;
	s29 =	simm.s32 $0x1A480  }
0x1a2: {  	[tilespmem:s29], [sflag:$0x2] =	stream.indirect_vreg.gather [hbm4b:s10+s3], $0x80, v26, vm0, $0xb8;
	[tilespmem:$0x1DA00] =	vst v63  }
0x1a3: {  	v32 =	vperm.xlane v18, v10;
	v31 =	vadd.s32 v3, v30;
	s30 =	simm.s32 $0x1A500  }
0x1a4: {  	[tilespmem:s30], [sflag:$0x2] =	stream.indirect_vreg.gather [hbm4b:s10+s3], $0x80, v19, vm0, $0xb8;
	[tilespmem:$0x1DA00] =	vst v63  }
0x1a5: {  	v33 =	vperm.xlane v18, v11;
	s23 =	simm.s32 $0x1A580;
	v19 =	vadd.s32 v3, v32  }
0x1a6: {  	[tilespmem:s23], [sflag:$0x2] =	stream.indirect_vreg.gather [hbm4b:s10+s3], $0x80, v29, vm0, $0xb8;
	[tilespmem:$0x1DA00] =	vst v63  }
0x1a7: {  	v35 =	vperm.xlane v18, v12;
	v34 =	vadd.s32 v3, v33;
	s24 =	simm.s32 $0x1A600  }
0x1a8: {  	[tilespmem:s24], [sflag:$0x2] =	stream.indirect_vreg.gather [hbm4b:s10+s3], $0x80, v31, vm0, $0xb8;
	[tilespmem:$0x1DA00] =	vst v63  }
0x1a9: {  	v37 =	vperm.xlane v18, v13;
	v36 =	vadd.s32 v3, v35;
	s25 =	simm.s32 $0x1A680  }
0x1aa: {  	[tilespmem:s25], [sflag:$0x2] =	stream.indirect_vreg.gather [hbm4b:s10+s3], $0x80, v19, vm0, $0xb8;
	[tilespmem:$0x1DA00] =	vst v63  }
0x1ab: {  	v38 =	vperm.xlane v18, v14;
	s29 =	simm.s32 $0x1A700;
	v19 =	vadd.s32 v3, v37  }
0x1ac: {  	[tilespmem:s29], [sflag:$0x2] =	stream.indirect_vreg.gather [hbm4b:s10+s3], $0x80, v34, vm0, $0xb8;
	[tilespmem:$0x1DA00] =	vst v63  }
0x1ad: {  	v40 =	vperm.xlane v18, v15;
	v39 =	vadd.s32 v3, v38;
	s30 =	simm.s32 $0x1A780  }
0x1ae: {  	[tilespmem:s30], [sflag:$0x2] =	stream.indirect_vreg.gather [hbm4b:s10+s3], $0x80, v36, vm0, $0xb8;
	[tilespmem:$0x1DA00] =	vst v63  }
0x1af: {  	v18 =	vperm.xlane v18, v16;
	v41 =	vadd.s32 v3, v40;
	s23 =	simm.s32 $0x1A800  }
0x1b0: {  	[tilespmem:s23], [sflag:$0x2] =	stream.indirect_vreg.gather [hbm4b:s10+s3], $0x80, v19, vm0, $0xb8;
	[tilespmem:$0x1DA00] =	vst v63  }
0x1b1: {  	v18 =	vadd.s32 v3, v18;
	s24 =	simm.s32 $0x1A880  }
0x1b2: {  	[tilespmem:s24], [sflag:$0x2] =	stream.indirect_vreg.gather [hbm4b:s10+s3], $0x80, v39, vm0, $0xb8;
	[tilespmem:$0x1DA00] =	vst v63  }
0x1b3: {  	s25 =	simm.s32 $0x1A900  }
0x1b4: {  	[tilespmem:s25], [sflag:$0x2] =	stream.indirect_vreg.gather [hbm4b:s10+s3], $0x80, v41, vm0, $0xb8;
	[tilespmem:$0x1DA00] =	vst v63  }
0x1b5: {  	s29 =	simm.s32 $0x1A980  }
0x1b6: {  	[tilespmem:s29], [sflag:$0x2] =	stream.indirect_vreg.gather [hbm4b:s10+s3], $0x80, v18, vm0, $0xb8;
	[tilespmem:$0x1DA00] =	vst v63  }
0x1b7: {  	v18 =	vld [tilespmem:$0x13910];
	_ =	sdelay $0x4  }
0x1b8: {  	v19 =	vshll.u32 v18, $0x1  }
0x1b9: {  	v18 =	vand.u32 $0x7, v18;
	v19 =	vand.u32 $0xFFFFFFF0, v19  }
0x1ba: {  	v18 =	vor.u32 v18, v19  }
0x1bb: {  	v19 =	vperm.xlane v18, v2;
	_ =	sdelay $0x1  }
0x1bc: {  	v42 =	vperm.xlane v18, v1;
	v19 =	vadd.s32 v3, v19;
	_ =	sdelay $0x1  }
0x1bd: {  	v43 =	vperm.xlane v18, v4;
	v20 =	vadd.s32 v3, v42;
	_ =	sdelay $0x1  }
0x1be: {  	s30 =	simm.s32 $0x1AA00;
	v44 =	vperm.xlane v18, v5;
	v21 =	vadd.s32 v3, v43  }
0x1bf: {  	[tilespmem:s30], [sflag:$0x2] =	stream.indirect_vreg.gather [hbm4b:s10+s3], $0x80, v19, vm0, $0xb8;
	[tilespmem:$0x1DA00] =	vst v63  }
0x1c0: {  	s23 =	simm.s32 $0x1AA80;
	v45 =	vperm.xlane v18, v6;
	v19 =	vadd.s32 v3, v44  }
0x1c1: {  	[tilespmem:s23], [sflag:$0x2] =	stream.indirect_vreg.gather [hbm4b:s10+s3], $0x80, v20, vm0, $0xb8;
	[tilespmem:$0x1DA00] =	vst v63  }
0x1c2: {  	s24 =	simm.s32 $0x1AB00;
	v47 =	vperm.xlane v18, v7;
	v46 =	vadd.s32 v3, v45  }
0x1c3: {  	[tilespmem:s24], [sflag:$0x2] =	stream.indirect_vreg.gather [hbm4b:s10+s3], $0x80, v21, vm0, $0xb8;
	[tilespmem:$0x1DA00] =	vst v63  }
0x1c4: {  	s25 =	simm.s32 $0x1AB80;
	v49 =	vperm.xlane v18, v8;
	v48 =	vadd.s32 v3, v47  }
0x1c5: {  	[tilespmem:s25], [sflag:$0x2] =	stream.indirect_vreg.gather [hbm4b:s10+s3], $0x80, v19, vm0, $0xb8;
	[tilespmem:$0x1DA00] =	vst v63  }
0x1c6: {  	s29 =	simm.s32 $0x1AC00;
	v50 =	vperm.xlane v18, v0;
	v19 =	vadd.s32 v3, v49  }
0x1c7: {  	[tilespmem:s29], [sflag:$0x2] =	stream.indirect_vreg.gather [hbm4b:s10+s3], $0x80, v46, vm0, $0xb8;
	[tilespmem:$0x1DA00] =	vst v63  }
0x1c8: {  	v52 =	vperm.xlane v18, v9;
	v51 =	vadd.s32 v3, v50;
	s30 =	simm.s32 $0x1AC80  }
0x1c9: {  	[tilespmem:s30], [sflag:$0x2] =	stream.indirect_vreg.gather [hbm4b:s10+s3], $0x80, v48, vm0, $0xb8;
	[tilespmem:$0x1DA00] =	vst v63  }
0x1ca: {  	v54 =	vperm.xlane v18, v10;
	v53 =	vadd.s32 v3, v52;
	s23 =	simm.s32 $0x1AD00  }
0x1cb: {  	[tilespmem:s23], [sflag:$0x2] =	stream.indirect_vreg.gather [hbm4b:s10+s3], $0x80, v19, vm0, $0xb8;
	[tilespmem:$0x1DA00] =	vst v63  }
0x1cc: {  	v55 =	vperm.xlane v18, v11;
	s24 =	simm.s32 $0x1AD80;
	v19 =	vadd.s32 v3, v54  }
0x1cd: {  	[tilespmem:s24], [sflag:$0x2] =	stream.indirect_vreg.gather [hbm4b:s10+s3], $0x80, v51, vm0, $0xb8;
	[tilespmem:$0x1DA00] =	vst v63  }
0x1ce: {  	v57 =	vperm.xlane v18, v12;
	v56 =	vadd.s32 v3, v55;
	s25 =	simm.s32 $0x1AE00  }
0x1cf: {  	[tilespmem:s25], [sflag:$0x2] =	stream.indirect_vreg.gather [hbm4b:s10+s3], $0x80, v53, vm0, $0xb8;
	[tilespmem:$0x1DA00] =	vst v63  }
0x1d0: {  	v59 =	vperm.xlane v18, v13;
	v58 =	vadd.s32 v3, v57;
	s29 =	simm.s32 $0x1AE80  }
0x1d1: {  	[tilespmem:s29], [sflag:$0x2] =	stream.indirect_vreg.gather [hbm4b:s10+s3], $0x80, v19, vm0, $0xb8;
	[tilespmem:$0x1DA00] =	vst v63  }
0x1d2: {  	v60 =	vperm.xlane v18, v14;
	s30 =	simm.s32 $0x1AF00;
	v19 =	vadd.s32 v3, v59  }
0x1d3: {  	[tilespmem:s30], [sflag:$0x2] =	stream.indirect_vreg.gather [hbm4b:s10+s3], $0x80, v56, vm0, $0xb8;
	[tilespmem:$0x1DA00] =	vst v63  }
0x1d4: {  	v62 =	vperm.xlane v18, v15;
	v61 =	vadd.s32 v3, v60;
	s23 =	simm.s32 $0x1AF80  }
0x1d5: {  	[tilespmem:s23], [sflag:$0x2] =	stream.indirect_vreg.gather [hbm4b:s10+s3], $0x80, v58, vm0, $0xb8;
	[tilespmem:$0x1DA00] =	vst v63  }
0x1d6: {  	v18 =	vperm.xlane v18, v16;
	v63 =	vadd.s32 v3, v62;
	s24 =	simm.s32 $0x1B000  }
0x1d7: {  	[tilespmem:s24], [sflag:$0x2] =	stream.indirect_vreg.gather [hbm4b:s10+s3], $0x80, v19, vm0, $0xb8;
	[tilespmem:$0x1DA00] =	vst v63  }
0x1d8: {  	v18 =	vadd.s32 v3, v18;
	s25 =	simm.s32 $0x1B080  }
0x1d9: {  	[tilespmem:s25], [sflag:$0x2] =	stream.indirect_vreg.gather [hbm4b:s10+s3], $0x80, v61, vm0, $0xb8;
	[tilespmem:$0x1DA00] =	vst v63  }
0x1da: {  	s29 =	simm.s32 $0x1B100  }
0x1db: {  	[tilespmem:s29], [sflag:$0x2] =	stream.indirect_vreg.gather [hbm4b:s10+s3], $0x80, v63, vm0, $0xb8;
	[tilespmem:$0x1DA00] =	vst v63  }
0x1dc: {  	s20 =	simm.s32 $0x0;
	s30 =	simm.s32 $0x1B180;
	s23 =	simm.s32 $0x200  }
0x1dd: {  	[tilespmem:s30], [sflag:$0x2] =	stream.indirect_vreg.gather [hbm4b:s10+s3], $0x80, v18, vm0, $0xb8;
	[tilespmem:$0x1DA00] =	vst v63  }
.LBB2_2:
0x1de: {  	p1 =	sne.s32 s23, $0x9E00;
	[tilespmem:s20+$0x1B270] =	vst v17  }
0x1df: {  	[tilespmem:s20+$0x1B200] =	vst v17  }
0x1e0: {  	[tilespmem:s20+$0x1B210] =	vst v17  }
.Ltmp2:
0x1e1: {  	[tilespmem:s20+$0x1B220] =	vst v17;
	(pc) =	sbr.rel @p1 .LBB2_2-.Ltmp2, $4  }
0x1e2: {  	[tilespmem:s20+$0x1B230] =	vst v17  }
0x1e3: {  	[tilespmem:s20+$0x1B240] =	vst v17  }
0x1e4: {  	[tilespmem:s20+$0x1B250] =	vst v17  }
0x1e5: {  	[tilespmem:s20+$0x1B260] =	vst v17;
	s20 =	sshra.s32 s23, $0x2;
	s23 =	sadd.s32 $0x200, s23  }
0x1e6: {  	[tilespmem:s20+$0x1B270] =	vst v17  }
0x1e7: {  	[tilespmem:s20+$0x1B200] =	vst v17  }
0x1e8: {  	[tilespmem:s20+$0x1B210] =	vst v17  }
0x1e9: {  	[tilespmem:s20+$0x1B220] =	vst v17  }
0x1ea: {  	[tilespmem:s20+$0x1B230] =	vst v17  }
0x1eb: {  	[tilespmem:s20+$0x1B240] =	vst v17  }
0x1ec: {  	[tilespmem:s20+$0x1B250] =	vst v17  }
0x1ed: {  	[tilespmem:s20+$0x1B260] =	vst v17;
	s20 =	simm.s32 @p0 $0x1B200;
	s23 =	rddreg [dreg:$0x10]  }
0x1ee: {  	[spmem:s23] =	stream.linear.scatter @p0 [tilespmem:s20], [sflag:$0xA], $0x2800, $0x38;
	[tilespmem:$0x1DA00] =	vst v63  }
0x1ef: {  	s23 =	simm.s32 @p0 $0xA  }
0x1f0: {  	_ =	swait.ge @p0 [sflag:s23], $0x2800  }
0x1f1: {  	[sflag:s23] =	ssyncset.done @p0 $0x0  }
0x1f2: {  	s24 =	rddreg [dreg:$0x11];
	[sflag:s23] =	ssyncadd.s32 @p0 $0xFFFFD800  }
0x1f3: {  	[spmem:s24] =	stream.linear.scatter @p0 [tilespmem:s20], [sflag:$0xA], $0x2800, $0x38;
	[tilespmem:$0x1DA00] =	vst v63  }
0x1f4: {  	_ =	swait.ge @p0 [sflag:s23], $0x2800  }
0x1f5: {  	[sflag:s23] =	ssyncset.done @p0 $0x0  }
0x1f6: {  	s24 =	rddreg [dreg:$0x12];
	[sflag:s23] =	ssyncadd.s32 @p0 $0xFFFFD800  }
0x1f7: {  	[spmem:s24] =	stream.linear.scatter @p0 [tilespmem:s20], [sflag:$0xA], $0x2800, $0x38;
	[tilespmem:$0x1DA00] =	vst v63  }
0x1f8: {  	_ =	swait.ge @p0 [sflag:s23], $0x2800  }
0x1f9: {  	[sflag:s23] =	ssyncset.done @p0 $0x0  }
0x1fa: {  	s24 =	rddreg [dreg:$0x18];
	[sflag:s23] =	ssyncadd.s32 @p0 $0xFFFFD800  }
0x1fb: {  	[spmem:s24] =	stream.linear.scatter @p0 [tilespmem:s20], [sflag:$0xA], $0x2800, $0x38;
	[tilespmem:$0x1DA00] =	vst v63  }
0x1fc: {  	_ =	swait.ge @p0 [sflag:s23], $0x2800  }
0x1fd: {  	[sflag:s23] =	ssyncset.done @p0 $0x0  }
0x1fe: {  	s24 =	rddreg [dreg:$0x14];
	[sflag:s23] =	ssyncadd.s32 @p0 $0xFFFFD800  }
0x1ff: {  	[spmem:s24] =	stream.linear.scatter @p0 [tilespmem:s20], [sflag:$0xA], $0x2800, $0x38;
	[tilespmem:$0x1DA00] =	vst v63  }
0x200: {  	_ =	swait.ge @p0 [sflag:s23], $0x2800  }
0x201: {  	[sflag:s23] =	ssyncset.done @p0 $0x0  }
0x202: {  	s24 =	rddreg [dreg:$0x19];
	[sflag:s23] =	ssyncadd.s32 @p0 $0xFFFFD800  }
0x203: {  	[spmem:s24] =	stream.linear.scatter @p0 [tilespmem:s20], [sflag:$0xA], $0x2800, $0x38;
	[tilespmem:$0x1DA00] =	vst v63  }
0x204: {  	_ =	swait.ge @p0 [sflag:s23], $0x2800  }
0x205: {  	[sflag:s23] =	ssyncset.done @p0 $0x0  }
0x206: {  	s24 =	rddreg [dreg:$0x1a];
	[sflag:s23] =	ssyncadd.s32 @p0 $0xFFFFD800  }
0x207: {  	[spmem:s24] =	stream.linear.scatter @p0 [tilespmem:s20], [sflag:$0xA], $0x2800, $0x38;
	[tilespmem:$0x1DA00] =	vst v63  }
0x208: {  	_ =	swait.ge @p0 [sflag:s23], $0x2800  }
0x209: {  	[sflag:s23] =	ssyncset.done @p0 $0x0  }
0x20a: {  	s24 =	rddreg [dreg:$0x1b];
	[sflag:s23] =	ssyncadd.s32 @p0 $0xFFFFD800  }
0x20b: {  	[spmem:s24] =	stream.linear.scatter @p0 [tilespmem:s20], [sflag:$0xA], $0x2800, $0x38;
	[tilespmem:$0x1DA00] =	vst v63  }
0x20c: {  	_ =	swait.ge @p0 [sflag:s23], $0x2800  }
0x20d: {  	[sflag:s23] =	ssyncset.done @p0 $0x0  }
0x20e: {  	s20 =	simm.s32 @!p0 $0x1B200;
	[sflag:s23] =	ssyncadd.s32 @p0 $0xFFFFD800;
	s23 =	rddreg [dreg:$0x8]  }
0x20f: {  	[spmem:s23] =	stream.linear.scatter @!p0 [tilespmem:s20], [sflag:$0xA], $0x2800, $0x38;
	[tilespmem:$0x1DA00] =	vst v63  }
0x210: {  	s23 =	simm.s32 @!p0 $0xA  }
0x211: {  	_ =	swait.ge @!p0 [sflag:s23], $0x2800  }
0x212: {  	[sflag:s23] =	ssyncset.done @!p0 $0x0  }
0x213: {  	s24 =	rddreg [dreg:$0x9];
	[sflag:s23] =	ssyncadd.s32 @!p0 $0xFFFFD800  }
0x214: {  	[spmem:s24] =	stream.linear.scatter @!p0 [tilespmem:s20], [sflag:$0xA], $0x2800, $0x38;
	[tilespmem:$0x1DA00] =	vst v63  }
0x215: {  	_ =	swait.ge @!p0 [sflag:s23], $0x2800  }
0x216: {  	[sflag:s23] =	ssyncset.done @!p0 $0x0  }
0x217: {  	s24 =	rddreg [dreg:$0xa];
	[sflag:s23] =	ssyncadd.s32 @!p0 $0xFFFFD800  }
0x218: {  	[spmem:s24] =	stream.linear.scatter @!p0 [tilespmem:s20], [sflag:$0xA], $0x2800, $0x38;
	[tilespmem:$0x1DA00] =	vst v63  }
0x219: {  	_ =	swait.ge @!p0 [sflag:s23], $0x2800  }
0x21a: {  	[sflag:s23] =	ssyncset.done @!p0 $0x0  }
0x21b: {  	s24 =	rddreg [dreg:$0xb];
	[sflag:s23] =	ssyncadd.s32 @!p0 $0xFFFFD800  }
0x21c: {  	[spmem:s24] =	stream.linear.scatter @!p0 [tilespmem:s20], [sflag:$0xA], $0x2800, $0x38;
	[tilespmem:$0x1DA00] =	vst v63  }
0x21d: {  	_ =	swait.ge @!p0 [sflag:s23], $0x2800  }
0x21e: {  	[sflag:s23] =	ssyncset.done @!p0 $0x0  }
0x21f: {  	s24 =	rddreg [dreg:$0xc];
	[sflag:s23] =	ssyncadd.s32 @!p0 $0xFFFFD800  }
0x220: {  	[spmem:s24] =	stream.linear.scatter @!p0 [tilespmem:s20], [sflag:$0xA], $0x2800, $0x38;
	[tilespmem:$0x1DA00] =	vst v63  }
0x221: {  	_ =	swait.ge @!p0 [sflag:s23], $0x2800  }
0x222: {  	[sflag:s23] =	ssyncset.done @!p0 $0x0  }
0x223: {  	s24 =	rddreg [dreg:$0xd];
	[sflag:s23] =	ssyncadd.s32 @!p0 $0xFFFFD800  }
0x224: {  	[spmem:s24] =	stream.linear.scatter @!p0 [tilespmem:s20], [sflag:$0xA], $0x2800, $0x38;
	[tilespmem:$0x1DA00] =	vst v63  }
0x225: {  	_ =	swait.ge @!p0 [sflag:s23], $0x2800  }
0x226: {  	[sflag:s23] =	ssyncset.done @!p0 $0x0  }
0x227: {  	s24 =	rddreg [dreg:$0xe];
	[sflag:s23] =	ssyncadd.s32 @!p0 $0xFFFFD800  }
0x228: {  	[spmem:s24] =	stream.linear.scatter @!p0 [tilespmem:s20], [sflag:$0xA], $0x2800, $0x38;
	[tilespmem:$0x1DA00] =	vst v63  }
0x229: {  	_ =	swait.ge @!p0 [sflag:s23], $0x2800  }
0x22a: {  	[sflag:s23] =	ssyncset.done @!p0 $0x0  }
0x22b: {  	s24 =	rddreg [dreg:$0xf];
	[sflag:s23] =	ssyncadd.s32 @!p0 $0xFFFFD800  }
0x22c: {  	[spmem:s24] =	stream.linear.scatter @!p0 [tilespmem:s20], [sflag:$0xA], $0x2000, $0x38;
	[tilespmem:$0x1DA00] =	vst v63  }
.Ltmp3:
0x22d: {  	_ =	swait.ge @!p0 [sflag:s23], $0x2000;
	(pc) =	sbr.rel .LBB2_4-.Ltmp3, $4  }
0x22e: {  	[sflag:s23] =	ssyncset.done @!p0 $0x0  }
0x22f: {  	[sflag:s23] =	ssyncadd.s32 @!p0 $0xFFFFE000  }
0x230: {  	[bflag:$0x0] =	sbarrier.arrive $0xFFFF  }
0x231: {  	s20 =	simm.s32 $0x0;
	s23 =	simm.s32 $0x0;
	s30 =	rddreg [dreg:$0x17]  }
.LBB2_6:
0x232: {  	_ =	swait.ge [sflag:s11], $0x2800  }
0x233: {  	[sflag:s11] =	ssyncset.done $0x0  }
0x234: {  	s25 =	sshra.s32 s23, $0x2;
	[sflag:s11] =	ssyncadd.s32 $0xFFFFD800  }
0x235: {  	[tilespmem:s15], [sflag:$0x9] =	stream.linear.gather [hbm4b:s30+s3], $0x50, $0x38;
	[tilespmem:$0x1DA00] =	vst v63  }
0x236: {  	v18 =	vld [tilespmem:s25+$0x13920];
	_ =	sdelay $0x4  }
0x237: {  	v19 =	vshll.u32 v18, $0x1  }
0x238: {  	v18 =	vand.u32 $0x7, v18;
	v19 =	vand.u32 $0xFFFFFFF0, v19  }
0x239: {  	v18 =	vor.u32 v18, v19  }
0x23a: {  	v19 =	vperm.xlane v18, v2;
	_ =	sdelay $0x1  }
0x23b: {  	v20 =	vperm.xlane v18, v1;
	v19 =	vadd.s32 v3, v19;
	_ =	sdelay $0x1  }
0x23c: {  	v21 =	vperm.xlane v18, v4;
	v20 =	vadd.s32 v3, v20;
	_ =	sdelay $0x1  }
0x23d: {  	v22 =	vperm.xlane v18, v5;
	v21 =	vadd.s32 v3, v21  }
0x23e: {  	[tilespmem:s16], [sflag:$0x3] =	stream.indirect_vreg.gather [hbm4b:s10+s3], $0x80, v19, vm0, $0xb8;
	[tilespmem:$0x1DA00] =	vst v63  }
0x23f: {  	s24 =	simm.s32 $0x1B280;
	v59 =	vperm.xlane v18, v6;
	v19 =	vadd.s32 v3, v22  }
0x240: {  	[tilespmem:s24], [sflag:$0x3] =	stream.indirect_vreg.gather [hbm4b:s10+s3], $0x80, v20, vm0, $0xb8;
	[tilespmem:$0x1DA00] =	vst v63  }
0x241: {  	v61 =	vperm.xlane v18, v7;
	v60 =	vadd.s32 v3, v59;
	s24 =	simm.s32 $0x1B300  }
0x242: {  	[tilespmem:s24], [sflag:$0x3] =	stream.indirect_vreg.gather [hbm4b:s10+s3], $0x80, v21, vm0, $0xb8;
	[tilespmem:$0x1DA00] =	vst v63  }
0x243: {  	v63 =	vperm.xlane v18, v8;
	v62 =	vadd.s32 v3, v61;
	s24 =	simm.s32 $0x1B380  }
0x244: {  	[tilespmem:s24], [sflag:$0x3] =	stream.indirect_vreg.gather [hbm4b:s10+s3], $0x80, v19, vm0, $0xb8;
	[tilespmem:$0x1DA00] =	vst v63  }
0x245: {  	v24 =	vperm.xlane v18, v0;
	v19 =	vadd.s32 v3, v63;
	s24 =	simm.s32 $0x1B400  }
0x246: {  	[tilespmem:s24], [sflag:$0x3] =	stream.indirect_vreg.gather [hbm4b:s10+s3], $0x80, v60, vm0, $0xb8;
	[tilespmem:$0x1DA00] =	vst v63  }
0x247: {  	v26 =	vperm.xlane v18, v9;
	v25 =	vadd.s32 v3, v24;
	s24 =	simm.s32 $0x1B480  }
0x248: {  	[tilespmem:s24], [sflag:$0x3] =	stream.indirect_vreg.gather [hbm4b:s10+s3], $0x80, v62, vm0, $0xb8;
	[tilespmem:$0x1DA00] =	vst v63  }
0x249: {  	v28 =	vperm.xlane v18, v10;
	v27 =	vadd.s32 v3, v26;
	s24 =	simm.s32 $0x1B500  }
0x24a: {  	[tilespmem:s24], [sflag:$0x3] =	stream.indirect_vreg.gather [hbm4b:s10+s3], $0x80, v19, vm0, $0xb8;
	[tilespmem:$0x1DA00] =	vst v63  }
0x24b: {  	v29 =	vperm.xlane v18, v11;
	v19 =	vadd.s32 v3, v28;
	s24 =	simm.s32 $0x1B580  }
0x24c: {  	[tilespmem:s24], [sflag:$0x3] =	stream.indirect_vreg.gather [hbm4b:s10+s3], $0x80, v25, vm0, $0xb8;
	[tilespmem:$0x1DA00] =	vst v63  }
0x24d: {  	v31 =	vperm.xlane v18, v12;
	v30 =	vadd.s32 v3, v29;
	s24 =	simm.s32 $0x1B600  }
0x24e: {  	[tilespmem:s24], [sflag:$0x3] =	stream.indirect_vreg.gather [hbm4b:s10+s3], $0x80, v27, vm0, $0xb8;
	[tilespmem:$0x1DA00] =	vst v63  }
0x24f: {  	v33 =	vperm.xlane v18, v13;
	v32 =	vadd.s32 v3, v31;
	s24 =	simm.s32 $0x1B680  }
0x250: {  	[tilespmem:s24], [sflag:$0x3] =	stream.indirect_vreg.gather [hbm4b:s10+s3], $0x80, v19, vm0, $0xb8;
	[tilespmem:$0x1DA00] =	vst v63  }
0x251: {  	v34 =	vperm.xlane v18, v14;
	v19 =	vadd.s32 v3, v33;
	s24 =	simm.s32 $0x1B700  }
0x252: {  	[tilespmem:s24], [sflag:$0x3] =	stream.indirect_vreg.gather [hbm4b:s10+s3], $0x80, v30, vm0, $0xb8;
	[tilespmem:$0x1DA00] =	vst v63  }
0x253: {  	v36 =	vperm.xlane v18, v15;
	v35 =	vadd.s32 v3, v34;
	s24 =	simm.s32 $0x1B780  }
0x254: {  	[tilespmem:s24], [sflag:$0x3] =	stream.indirect_vreg.gather [hbm4b:s10+s3], $0x80, v32, vm0, $0xb8;
	[tilespmem:$0x1DA00] =	vst v63  }
0x255: {  	v18 =	vperm.xlane v18, v16;
	v37 =	vadd.s32 v3, v36;
	s24 =	simm.s32 $0x1B800  }
0x256: {  	[tilespmem:s24], [sflag:$0x3] =	stream.indirect_vreg.gather [hbm4b:s10+s3], $0x80, v19, vm0, $0xb8;
	[tilespmem:$0x1DA00] =	vst v63  }
0x257: {  	v18 =	vadd.s32 v3, v18;
	s24 =	simm.s32 $0x1B880  }
0x258: {  	[tilespmem:s24], [sflag:$0x3] =	stream.indirect_vreg.gather [hbm4b:s10+s3], $0x80, v35, vm0, $0xb8;
	[tilespmem:$0x1DA00] =	vst v63  }
0x259: {  	s24 =	simm.s32 $0x1B900  }
0x25a: {  	[tilespmem:s24], [sflag:$0x3] =	stream.indirect_vreg.gather [hbm4b:s10+s3], $0x80, v37, vm0, $0xb8;
	[tilespmem:$0x1DA00] =	vst v63  }
0x25b: {  	s24 =	simm.s32 $0x1B980  }
0x25c: {  	[tilespmem:s24], [sflag:$0x3] =	stream.indirect_vreg.gather [hbm4b:s10+s3], $0x80, v18, vm0, $0xb8;
	[tilespmem:$0x1DA00] =	vst v63  }
0x25d: {  	v18 =	vld [tilespmem:s25+$0x13930];
	_ =	sdelay $0x4  }
0x25e: {  	v19 =	vshll.u32 v18, $0x1  }
0x25f: {  	v18 =	vand.u32 $0x7, v18;
	v19 =	vand.u32 $0xFFFFFFF0, v19  }
0x260: {  	v18 =	vor.u32 v18, v19  }
0x261: {  	v19 =	vperm.xlane v18, v2;
	_ =	sdelay $0x1  }
0x262: {  	v38 =	vperm.xlane v18, v1;
	v19 =	vadd.s32 v3, v19;
	_ =	sdelay $0x1  }
0x263: {  	v39 =	vperm.xlane v18, v4;
	v20 =	vadd.s32 v3, v38;
	_ =	sdelay $0x1  }
0x264: {  	s24 =	simm.s32 $0x1BA00;
	v40 =	vperm.xlane v18, v5;
	v21 =	vadd.s32 v3, v39  }
0x265: {  	[tilespmem:s24], [sflag:$0x3] =	stream.indirect_vreg.gather [hbm4b:s10+s3], $0x80, v19, vm0, $0xb8;
	[tilespmem:$0x1DA00] =	vst v63  }
0x266: {  	v41 =	vperm.xlane v18, v6;
	v19 =	vadd.s32 v3, v40;
	s24 =	simm.s32 $0x1BA80  }
0x267: {  	[tilespmem:s24], [sflag:$0x3] =	stream.indirect_vreg.gather [hbm4b:s10+s3], $0x80, v20, vm0, $0xb8;
	[tilespmem:$0x1DA00] =	vst v63  }
0x268: {  	v43 =	vperm.xlane v18, v7;
	v42 =	vadd.s32 v3, v41;
	s24 =	simm.s32 $0x1BB00  }
0x269: {  	[tilespmem:s24], [sflag:$0x3] =	stream.indirect_vreg.gather [hbm4b:s10+s3], $0x80, v21, vm0, $0xb8;
	[tilespmem:$0x1DA00] =	vst v63  }
0x26a: {  	v45 =	vperm.xlane v18, v8;
	v44 =	vadd.s32 v3, v43;
	s24 =	simm.s32 $0x1BB80  }
0x26b: {  	[tilespmem:s24], [sflag:$0x3] =	stream.indirect_vreg.gather [hbm4b:s10+s3], $0x80, v19, vm0, $0xb8;
	[tilespmem:$0x1DA00] =	vst v63  }
0x26c: {  	v46 =	vperm.xlane v18, v0;
	v19 =	vadd.s32 v3, v45;
	s24 =	simm.s32 $0x1BC00  }
0x26d: {  	[tilespmem:s24], [sflag:$0x3] =	stream.indirect_vreg.gather [hbm4b:s10+s3], $0x80, v42, vm0, $0xb8;
	[tilespmem:$0x1DA00] =	vst v63  }
0x26e: {  	v48 =	vperm.xlane v18, v9;
	v47 =	vadd.s32 v3, v46;
	s24 =	simm.s32 $0x1BC80  }
0x26f: {  	[tilespmem:s24], [sflag:$0x3] =	stream.indirect_vreg.gather [hbm4b:s10+s3], $0x80, v44, vm0, $0xb8;
	[tilespmem:$0x1DA00] =	vst v63  }
0x270: {  	v50 =	vperm.xlane v18, v10;
	v49 =	vadd.s32 v3, v48;
	s24 =	simm.s32 $0x1BD00  }
0x271: {  	[tilespmem:s24], [sflag:$0x3] =	stream.indirect_vreg.gather [hbm4b:s10+s3], $0x80, v19, vm0, $0xb8;
	[tilespmem:$0x1DA00] =	vst v63  }
0x272: {  	v51 =	vperm.xlane v18, v11;
	v19 =	vadd.s32 v3, v50;
	s24 =	simm.s32 $0x1BD80  }
0x273: {  	[tilespmem:s24], [sflag:$0x3] =	stream.indirect_vreg.gather [hbm4b:s10+s3], $0x80, v47, vm0, $0xb8;
	[tilespmem:$0x1DA00] =	vst v63  }
0x274: {  	v53 =	vperm.xlane v18, v12;
	v52 =	vadd.s32 v3, v51;
	s24 =	simm.s32 $0x1BE00  }
0x275: {  	[tilespmem:s24], [sflag:$0x3] =	stream.indirect_vreg.gather [hbm4b:s10+s3], $0x80, v49, vm0, $0xb8;
	[tilespmem:$0x1DA00] =	vst v63  }
0x276: {  	v55 =	vperm.xlane v18, v13;
	v54 =	vadd.s32 v3, v53;
	s24 =	simm.s32 $0x1BE80  }
0x277: {  	[tilespmem:s24], [sflag:$0x3] =	stream.indirect_vreg.gather [hbm4b:s10+s3], $0x80, v19, vm0, $0xb8;
	[tilespmem:$0x1DA00] =	vst v63  }
0x278: {  	v56 =	vperm.xlane v18, v14;
	v19 =	vadd.s32 v3, v55;
	s24 =	simm.s32 $0x1BF00  }
0x279: {  	[tilespmem:s24], [sflag:$0x3] =	stream.indirect_vreg.gather [hbm4b:s10+s3], $0x80, v52, vm0, $0xb8;
	[tilespmem:$0x1DA00] =	vst v63  }
0x27a: {  	v58 =	vperm.xlane v18, v15;
	v57 =	vadd.s32 v3, v56;
	s24 =	simm.s32 $0x1BF80  }
0x27b: {  	[tilespmem:s24], [sflag:$0x3] =	stream.indirect_vreg.gather [hbm4b:s10+s3], $0x80, v54, vm0, $0xb8;
	[tilespmem:$0x1DA00] =	vst v63  }
0x27c: {  	v18 =	vperm.xlane v18, v16;
	v59 =	vadd.s32 v3, v58;
	s24 =	simm.s32 $0x1C000  }
0x27d: {  	[tilespmem:s24], [sflag:$0x3] =	stream.indirect_vreg.gather [hbm4b:s10+s3], $0x80, v19, vm0, $0xb8;
	[tilespmem:$0x1DA00] =	vst v63  }
0x27e: {  	v18 =	vadd.s32 v3, v18;
	s24 =	simm.s32 $0x1C080  }
0x27f: {  	[tilespmem:s24], [sflag:$0x3] =	stream.indirect_vreg.gather [hbm4b:s10+s3], $0x80, v57, vm0, $0xb8;
	[tilespmem:$0x1DA00] =	vst v63  }
0x280: {  	s24 =	simm.s32 $0x1C100  }
0x281: {  	[tilespmem:s24], [sflag:$0x3] =	stream.indirect_vreg.gather [hbm4b:s10+s3], $0x80, v59, vm0, $0xb8;
	[tilespmem:$0x1DA00] =	vst v63  }
0x282: {  	s24 =	simm.s32 $0x1C180  }
0x283: {  	[tilespmem:s24], [sflag:$0x3] =	stream.indirect_vreg.gather [hbm4b:s10+s3], $0x80, v18, vm0, $0xb8;
	[tilespmem:$0x1DA00] =	vst v63  }
0x284: {  	v18 =	vld [tilespmem:s25+$0x13940];
	_ =	sdelay $0x4  }
0x285: {  	v19 =	vshll.u32 v18, $0x1  }
0x286: {  	v18 =	vand.u32 $0x7, v18;
	v19 =	vand.u32 $0xFFFFFFF0, v19  }
0x287: {  	v18 =	vor.u32 v18, v19  }
0x288: {  	v19 =	vperm.xlane v18, v2;
	_ =	sdelay $0x1  }
0x289: {  	v60 =	vperm.xlane v18, v1;
	v19 =	vadd.s32 v3, v19;
	_ =	sdelay $0x1  }
0x28a: {  	v61 =	vperm.xlane v18, v4;
	v20 =	vadd.s32 v3, v60;
	_ =	sdelay $0x1  }
0x28b: {  	s24 =	simm.s32 $0x1C200;
	v62 =	vperm.xlane v18, v5;
	v21 =	vadd.s32 v3, v61  }
0x28c: {  	[tilespmem:s24], [sflag:$0x3] =	stream.indirect_vreg.gather [hbm4b:s10+s3], $0x80, v19, vm0, $0xb8;
	[tilespmem:$0x1DA00] =	vst v63  }
0x28d: {  	v63 =	vperm.xlane v18, v6;
	v19 =	vadd.s32 v3, v62;
	s24 =	simm.s32 $0x1C280  }
0x28e: {  	[tilespmem:s24], [sflag:$0x3] =	stream.indirect_vreg.gather [hbm4b:s10+s3], $0x80, v20, vm0, $0xb8;
	[tilespmem:$0x1DA00] =	vst v63  }
0x28f: {  	v25 =	vperm.xlane v18, v7;
	v24 =	vadd.s32 v3, v63;
	s24 =	simm.s32 $0x1C300  }
0x290: {  	[tilespmem:s24], [sflag:$0x3] =	stream.indirect_vreg.gather [hbm4b:s10+s3], $0x80, v21, vm0, $0xb8;
	[tilespmem:$0x1DA00] =	vst v63  }
0x291: {  	v27 =	vperm.xlane v18, v8;
	v26 =	vadd.s32 v3, v25;
	s24 =	simm.s32 $0x1C380  }
0x292: {  	[tilespmem:s24], [sflag:$0x3] =	stream.indirect_vreg.gather [hbm4b:s10+s3], $0x80, v19, vm0, $0xb8;
	[tilespmem:$0x1DA00] =	vst v63  }
0x293: {  	v28 =	vperm.xlane v18, v0;
	v19 =	vadd.s32 v3, v27;
	s24 =	simm.s32 $0x1C400  }
0x294: {  	[tilespmem:s24], [sflag:$0x3] =	stream.indirect_vreg.gather [hbm4b:s10+s3], $0x80, v24, vm0, $0xb8;
	[tilespmem:$0x1DA00] =	vst v63  }
0x295: {  	v30 =	vperm.xlane v18, v9;
	v29 =	vadd.s32 v3, v28;
	s24 =	simm.s32 $0x1C480  }
0x296: {  	[tilespmem:s24], [sflag:$0x3] =	stream.indirect_vreg.gather [hbm4b:s10+s3], $0x80, v26, vm0, $0xb8;
	[tilespmem:$0x1DA00] =	vst v63  }
0x297: {  	v32 =	vperm.xlane v18, v10;
	v31 =	vadd.s32 v3, v30;
	s24 =	simm.s32 $0x1C500  }
0x298: {  	[tilespmem:s24], [sflag:$0x3] =	stream.indirect_vreg.gather [hbm4b:s10+s3], $0x80, v19, vm0, $0xb8;
	[tilespmem:$0x1DA00] =	vst v63  }
0x299: {  	v33 =	vperm.xlane v18, v11;
	v19 =	vadd.s32 v3, v32;
	s24 =	simm.s32 $0x1C580  }
0x29a: {  	[tilespmem:s24], [sflag:$0x3] =	stream.indirect_vreg.gather [hbm4b:s10+s3], $0x80, v29, vm0, $0xb8;
	[tilespmem:$0x1DA00] =	vst v63  }
0x29b: {  	v35 =	vperm.xlane v18, v12;
	v34 =	vadd.s32 v3, v33;
	s24 =	simm.s32 $0x1C600  }
0x29c: {  	[tilespmem:s24], [sflag:$0x3] =	stream.indirect_vreg.gather [hbm4b:s10+s3], $0x80, v31, vm0, $0xb8;
	[tilespmem:$0x1DA00] =	vst v63  }
0x29d: {  	v37 =	vperm.xlane v18, v13;
	v36 =	vadd.s32 v3, v35;
	s24 =	simm.s32 $0x1C680  }
0x29e: {  	[tilespmem:s24], [sflag:$0x3] =	stream.indirect_vreg.gather [hbm4b:s10+s3], $0x80, v19, vm0, $0xb8;
	[tilespmem:$0x1DA00] =	vst v63  }
0x29f: {  	v38 =	vperm.xlane v18, v14;
	v19 =	vadd.s32 v3, v37;
	s24 =	simm.s32 $0x1C700  }
0x2a0: {  	[tilespmem:s24], [sflag:$0x3] =	stream.indirect_vreg.gather [hbm4b:s10+s3], $0x80, v34, vm0, $0xb8;
	[tilespmem:$0x1DA00] =	vst v63  }
0x2a1: {  	v40 =	vperm.xlane v18, v15;
	v39 =	vadd.s32 v3, v38;
	s24 =	simm.s32 $0x1C780  }
0x2a2: {  	[tilespmem:s24], [sflag:$0x3] =	stream.indirect_vreg.gather [hbm4b:s10+s3], $0x80, v36, vm0, $0xb8;
	[tilespmem:$0x1DA00] =	vst v63  }
0x2a3: {  	v18 =	vperm.xlane v18, v16;
	v41 =	vadd.s32 v3, v40;
	s24 =	simm.s32 $0x1C800  }
0x2a4: {  	[tilespmem:s24], [sflag:$0x3] =	stream.indirect_vreg.gather [hbm4b:s10+s3], $0x80, v19, vm0, $0xb8;
	[tilespmem:$0x1DA00] =	vst v63  }
0x2a5: {  	v18 =	vadd.s32 v3, v18;
	s24 =	simm.s32 $0x1C880  }
0x2a6: {  	[tilespmem:s24], [sflag:$0x3] =	stream.indirect_vreg.gather [hbm4b:s10+s3], $0x80, v39, vm0, $0xb8;
	[tilespmem:$0x1DA00] =	vst v63  }
0x2a7: {  	s24 =	simm.s32 $0x1C900  }
0x2a8: {  	[tilespmem:s24], [sflag:$0x3] =	stream.indirect_vreg.gather [hbm4b:s10+s3], $0x80, v41, vm0, $0xb8;
	[tilespmem:$0x1DA00] =	vst v63  }
0x2a9: {  	s24 =	simm.s32 $0x1C980  }
0x2aa: {  	[tilespmem:s24], [sflag:$0x3] =	stream.indirect_vreg.gather [hbm4b:s10+s3], $0x80, v18, vm0, $0xb8;
	[tilespmem:$0x1DA00] =	vst v63  }
0x2ab: {  	v18 =	vld [tilespmem:s25+$0x13950];
	_ =	sdelay $0x4  }
0x2ac: {  	v19 =	vshll.u32 v18, $0x1  }
0x2ad: {  	v18 =	vand.u32 $0x7, v18;
	v19 =	vand.u32 $0xFFFFFFF0, v19  }
0x2ae: {  	v18 =	vor.u32 v18, v19  }
0x2af: {  	v19 =	vperm.xlane v18, v2;
	_ =	sdelay $0x1  }
0x2b0: {  	v42 =	vperm.xlane v18, v1;
	v19 =	vadd.s32 v3, v19;
	_ =	sdelay $0x1  }
0x2b1: {  	v43 =	vperm.xlane v18, v4;
	v20 =	vadd.s32 v3, v42;
	_ =	sdelay $0x1  }
0x2b2: {  	s24 =	simm.s32 $0x1CA00;
	v44 =	vperm.xlane v18, v5;
	v21 =	vadd.s32 v3, v43  }
0x2b3: {  	[tilespmem:s24], [sflag:$0x3] =	stream.indirect_vreg.gather [hbm4b:s10+s3], $0x80, v19, vm0, $0xb8;
	[tilespmem:$0x1DA00] =	vst v63  }
0x2b4: {  	v45 =	vperm.xlane v18, v6;
	v19 =	vadd.s32 v3, v44;
	s24 =	simm.s32 $0x1CA80  }
0x2b5: {  	[tilespmem:s24], [sflag:$0x3] =	stream.indirect_vreg.gather [hbm4b:s10+s3], $0x80, v20, vm0, $0xb8;
	[tilespmem:$0x1DA00] =	vst v63  }
0x2b6: {  	v47 =	vperm.xlane v18, v7;
	v46 =	vadd.s32 v3, v45;
	s24 =	simm.s32 $0x1CB00  }
0x2b7: {  	[tilespmem:s24], [sflag:$0x3] =	stream.indirect_vreg.gather [hbm4b:s10+s3], $0x80, v21, vm0, $0xb8;
	[tilespmem:$0x1DA00] =	vst v63  }
0x2b8: {  	v49 =	vperm.xlane v18, v8;
	v48 =	vadd.s32 v3, v47;
	s24 =	simm.s32 $0x1CB80  }
0x2b9: {  	[tilespmem:s24], [sflag:$0x3] =	stream.indirect_vreg.gather [hbm4b:s10+s3], $0x80, v19, vm0, $0xb8;
	[tilespmem:$0x1DA00] =	vst v63  }
0x2ba: {  	v50 =	vperm.xlane v18, v0;
	v19 =	vadd.s32 v3, v49;
	s24 =	simm.s32 $0x1CC00  }
0x2bb: {  	[tilespmem:s24], [sflag:$0x3] =	stream.indirect_vreg.gather [hbm4b:s10+s3], $0x80, v46, vm0, $0xb8;
	[tilespmem:$0x1DA00] =	vst v63  }
0x2bc: {  	v52 =	vperm.xlane v18, v9;
	v51 =	vadd.s32 v3, v50;
	s24 =	simm.s32 $0x1CC80  }
0x2bd: {  	[tilespmem:s24], [sflag:$0x3] =	stream.indirect_vreg.gather [hbm4b:s10+s3], $0x80, v48, vm0, $0xb8;
	[tilespmem:$0x1DA00] =	vst v63  }
0x2be: {  	v54 =	vperm.xlane v18, v10;
	v53 =	vadd.s32 v3, v52;
	s24 =	simm.s32 $0x1CD00  }
0x2bf: {  	[tilespmem:s24], [sflag:$0x3] =	stream.indirect_vreg.gather [hbm4b:s10+s3], $0x80, v19, vm0, $0xb8;
	[tilespmem:$0x1DA00] =	vst v63  }
0x2c0: {  	v55 =	vperm.xlane v18, v11;
	v19 =	vadd.s32 v3, v54;
	s24 =	simm.s32 $0x1CD80  }
0x2c1: {  	[tilespmem:s24], [sflag:$0x3] =	stream.indirect_vreg.gather [hbm4b:s10+s3], $0x80, v51, vm0, $0xb8;
	[tilespmem:$0x1DA00] =	vst v63  }
0x2c2: {  	v57 =	vperm.xlane v18, v12;
	v56 =	vadd.s32 v3, v55;
	s24 =	simm.s32 $0x1CE00  }
0x2c3: {  	[tilespmem:s24], [sflag:$0x3] =	stream.indirect_vreg.gather [hbm4b:s10+s3], $0x80, v53, vm0, $0xb8;
	[tilespmem:$0x1DA00] =	vst v63  }
0x2c4: {  	v59 =	vperm.xlane v18, v13;
	v58 =	vadd.s32 v3, v57;
	s24 =	simm.s32 $0x1CE80  }
0x2c5: {  	[tilespmem:s24], [sflag:$0x3] =	stream.indirect_vreg.gather [hbm4b:s10+s3], $0x80, v19, vm0, $0xb8;
	[tilespmem:$0x1DA00] =	vst v63  }
0x2c6: {  	v60 =	vperm.xlane v18, v14;
	v19 =	vadd.s32 v3, v59;
	s24 =	simm.s32 $0x1CF00  }
0x2c7: {  	[tilespmem:s24], [sflag:$0x3] =	stream.indirect_vreg.gather [hbm4b:s10+s3], $0x80, v56, vm0, $0xb8;
	[tilespmem:$0x1DA00] =	vst v63  }
0x2c8: {  	v62 =	vperm.xlane v18, v15;
	v61 =	vadd.s32 v3, v60;
	s24 =	simm.s32 $0x1CF80  }
0x2c9: {  	[tilespmem:s24], [sflag:$0x3] =	stream.indirect_vreg.gather [hbm4b:s10+s3], $0x80, v58, vm0, $0xb8;
	[tilespmem:$0x1DA00] =	vst v63  }
0x2ca: {  	v18 =	vperm.xlane v18, v16;
	v63 =	vadd.s32 v3, v62;
	s24 =	simm.s32 $0x1D000  }
0x2cb: {  	[tilespmem:s24], [sflag:$0x3] =	stream.indirect_vreg.gather [hbm4b:s10+s3], $0x80, v19, vm0, $0xb8;
	[tilespmem:$0x1DA00] =	vst v63  }
0x2cc: {  	v18 =	vadd.s32 v3, v18;
	s24 =	simm.s32 $0x1D080  }
0x2cd: {  	[tilespmem:s24], [sflag:$0x3] =	stream.indirect_vreg.gather [hbm4b:s10+s3], $0x80, v61, vm0, $0xb8;
	[tilespmem:$0x1DA00] =	vst v63  }
0x2ce: {  	s24 =	simm.s32 $0x1D100  }
0x2cf: {  	[tilespmem:s24], [sflag:$0x3] =	stream.indirect_vreg.gather [hbm4b:s10+s3], $0x80, v63, vm0, $0xb8;
	[tilespmem:$0x1DA00] =	vst v63  }
0x2d0: {  	s29 =	smov.u32 s20;
	s25 =	sadd.s32 $0x13960, s25;
	s24 =	simm.s32 $0x1D180  }
0x2d1: {  	[tilespmem:s24], [sflag:$0x3] =	stream.indirect_vreg.gather [hbm4b:s10+s3], $0x80, v18, vm0, $0xb8;
	[tilespmem:$0x1DA00] =	vst v63  }
.LBB2_7:
0x2d2: {  	v18 =	vld [tilespmem:s25+$0x0];
	_ =	sdelay $0x4  }
0x2d3: {  	v19 =	vshll.u32 v18, $0x1  }
0x2d4: {  	v18 =	vand.u32 $0x7, v18;
	v19 =	vand.u32 $0xFFFFFFF0, v19  }
0x2d5: {  	v18 =	vor.u32 v18, v19  }
0x2d6: {  	v19 =	vperm.xlane v18, v2;
	_ =	sdelay $0x1  }
0x2d7: {  	v20 =	vperm.xlane v18, v1;
	v19 =	vadd.s32 v3, v19;
	_ =	sdelay $0x1  }
0x2d8: {  	v21 =	vperm.xlane v18, v4;
	v20 =	vadd.s32 v3, v20;
	_ =	sdelay $0x1  }
0x2d9: {  	s24 =	simm.s32 $0x1D200;
	v22 =	vperm.xlane v18, v5;
	v21 =	vadd.s32 v3, v21  }
0x2da: {  	[tilespmem:s24], [sflag:$0x3] =	stream.indirect_vreg.gather [hbm4b:s10+s3], $0x80, v19, vm0, $0xb8;
	[tilespmem:$0x1DA00] =	vst v63  }
0x2db: {  	s25 =	simm.s32 $0x1D280;
	v25 =	vperm.xlane v18, v6;
	v19 =	vadd.s32 v3, v22  }
0x2dc: {  	[tilespmem:s25], [sflag:$0x3] =	stream.indirect_vreg.gather [hbm4b:s10+s3], $0x80, v20, vm0, $0xb8;
	[tilespmem:$0x1DA00] =	vst v63  }
0x2dd: {  	v27 =	vperm.xlane v18, v7;
	v26 =	vadd.s32 v3, v25;
	s25 =	simm.s32 $0x1D300  }
0x2de: {  	[tilespmem:s25], [sflag:$0x3] =	stream.indirect_vreg.gather [hbm4b:s10+s3], $0x80, v21, vm0, $0xb8;
	[tilespmem:$0x1DA00] =	vst v63  }
0x2df: {  	v29 =	vperm.xlane v18, v8;
	v28 =	vadd.s32 v3, v27;
	s25 =	simm.s32 $0x1D380  }
0x2e0: {  	[tilespmem:s25], [sflag:$0x3] =	stream.indirect_vreg.gather [hbm4b:s10+s3], $0x80, v19, vm0, $0xb8;
	[tilespmem:$0x1DA00] =	vst v63  }
0x2e1: {  	v30 =	vperm.xlane v18, v0;
	v19 =	vadd.s32 v3, v29;
	s25 =	simm.s32 $0x1D400  }
0x2e2: {  	[tilespmem:s25], [sflag:$0x3] =	stream.indirect_vreg.gather [hbm4b:s10+s3], $0x80, v26, vm0, $0xb8;
	[tilespmem:$0x1DA00] =	vst v63  }
0x2e3: {  	v32 =	vperm.xlane v18, v9;
	v31 =	vadd.s32 v3, v30;
	s25 =	simm.s32 $0x1D480  }
0x2e4: {  	[tilespmem:s25], [sflag:$0x3] =	stream.indirect_vreg.gather [hbm4b:s10+s3], $0x80, v28, vm0, $0xb8;
	[tilespmem:$0x1DA00] =	vst v63  }
0x2e5: {  	v34 =	vperm.xlane v18, v10;
	v33 =	vadd.s32 v3, v32;
	s25 =	simm.s32 $0x1D500  }
0x2e6: {  	[tilespmem:s25], [sflag:$0x3] =	stream.indirect_vreg.gather [hbm4b:s10+s3], $0x80, v19, vm0, $0xb8;
	[tilespmem:$0x1DA00] =	vst v63  }
0x2e7: {  	v35 =	vperm.xlane v18, v11;
	v19 =	vadd.s32 v3, v34;
	s25 =	simm.s32 $0x1D580  }
0x2e8: {  	[tilespmem:s25], [sflag:$0x3] =	stream.indirect_vreg.gather [hbm4b:s10+s3], $0x80, v31, vm0, $0xb8;
	[tilespmem:$0x1DA00] =	vst v63  }
0x2e9: {  	v37 =	vperm.xlane v18, v12;
	v36 =	vadd.s32 v3, v35;
	s25 =	simm.s32 $0x1D600  }
0x2ea: {  	[tilespmem:s25], [sflag:$0x3] =	stream.indirect_vreg.gather [hbm4b:s10+s3], $0x80, v33, vm0, $0xb8;
	[tilespmem:$0x1DA00] =	vst v63  }
0x2eb: {  	v39 =	vperm.xlane v18, v13;
	v38 =	vadd.s32 v3, v37;
	s25 =	simm.s32 $0x1D680  }
0x2ec: {  	[tilespmem:s25], [sflag:$0x3] =	stream.indirect_vreg.gather [hbm4b:s10+s3], $0x80, v19, vm0, $0xb8;
	[tilespmem:$0x1DA00] =	vst v63  }
0x2ed: {  	v40 =	vperm.xlane v18, v14;
	v19 =	vadd.s32 v3, v39;
	s25 =	simm.s32 $0x1D700  }
0x2ee: {  	[tilespmem:s25], [sflag:$0x3] =	stream.indirect_vreg.gather [hbm4b:s10+s3], $0x80, v36, vm0, $0xb8;
	[tilespmem:$0x1DA00] =	vst v63  }
0x2ef: {  	v42 =	vperm.xlane v18, v15;
	v41 =	vadd.s32 v3, v40;
	s25 =	simm.s32 $0x1D780  }
0x2f0: {  	[tilespmem:s25], [sflag:$0x3] =	stream.indirect_vreg.gather [hbm4b:s10+s3], $0x80, v38, vm0, $0xb8;
	[tilespmem:$0x1DA00] =	vst v63  }
0x2f1: {  	v18 =	vperm.xlane v18, v16;
	v43 =	vadd.s32 v3, v42  }
0x2f2: {  	[tilespmem:s6], [sflag:$0x3] =	stream.indirect_vreg.gather [hbm4b:s10+s3], $0x80, v19, vm0, $0xb8;
	[tilespmem:$0x1DA00] =	vst v63  }
0x2f3: {  	v18 =	vadd.s32 v3, v18  }
0x2f4: {  	[tilespmem:s19], [sflag:$0x3] =	stream.indirect_vreg.gather [hbm4b:s10+s3], $0x80, v41, vm0, $0xb8;
	[tilespmem:$0x1DA00] =	vst v63  }
0x2f5: {  	_ = 	snop  }
0x2f6: {  	[tilespmem:s0], [sflag:$0x3] =	stream.indirect_vreg.gather [hbm4b:s10+s3], $0x80, v43, vm0, $0xb8;
	[tilespmem:$0x1DA00] =	vst v63  }
0x2f7: {  	_ = 	snop  }
0x2f8: {  	[tilespmem:s26], [sflag:$0x3] =	stream.indirect_vreg.gather [hbm4b:s10+s3], $0x80, v18, vm0, $0xb8;
	[tilespmem:$0x1DA00] =	vst v63  }
0x2f9: {  	_ =	swait.ge [sflag:s18], $0x50  }
0x2fa: {  	[sflag:s18] =	ssyncset.done $0x0  }
0x2fb: {  	[sflag:s18] =	ssyncadd.s32 $0xFFFFFFB0  }
0x2fc: {  	_ =	swait.ge [sflag:s21], $0x2800  }
0x2fd: {  	[sflag:s21] =	ssyncset.done $0x0  }
0x2fe: {  	s24 =	sadd.s32 s5, s29;
	[sflag:s21] =	ssyncadd.s32 $0xFFFFD800  }
0x2ff: {  	[spmem:s2] =	stream.indirect.scatter.add.f32 [tilespmem:s22], [sflag:$0x5], $0x80, s7, s14, $0xb8;
	[tilespmem:$0x1DA00] =	vst v63  }
0x300: {  	s25 =	sshrl.u32 s24, $0x3;
	_ =	swait.ge [sflag:s9], $0x2800  }
0x301: {  	s25 =	sadd.s32 s4, s25;
	[sflag:s9] =	ssyncset.done $0x0  }
0x302: {  	s24 =	sadd.s32 $0x1E, s25;
	[sflag:s9] =	ssyncadd.s32 $0xFFFFD800  }
0x303: {  	[tilespmem:s1], [sflag:$0x7] =	stream.linear.gather [hbm4b:s24+s3], $0x50, $0x38;
	[tilespmem:$0x1DA00] =	vst v63  }
0x304: {  	v18 =	vld [tilespmem:s29+$0x13970];
	_ =	sdelay $0x4  }
0x305: {  	v19 =	vshll.u32 v18, $0x1  }
0x306: {  	v18 =	vand.u32 $0x7, v18;
	v19 =	vand.u32 $0xFFFFFFF0, v19  }
0x307: {  	v18 =	vor.u32 v18, v19  }
0x308: {  	v19 =	vperm.xlane v18, v2;
	_ =	sdelay $0x1  }
0x309: {  	v44 =	vperm.xlane v18, v1;
	v19 =	vadd.s32 v3, v19;
	_ =	sdelay $0x1  }
0x30a: {  	v45 =	vperm.xlane v18, v4;
	v20 =	vadd.s32 v3, v44;
	_ =	sdelay $0x1  }
0x30b: {  	v46 =	vperm.xlane v18, v5;
	v21 =	vadd.s32 v3, v45  }
0x30c: {  	[tilespmem:s8], [sflag:$0x1] =	stream.indirect_vreg.gather [hbm4b:s10+s3], $0x80, v19, vm0, $0xb8;
	[tilespmem:$0x1DA00] =	vst v63  }
0x30d: {  	s24 =	simm.s32 $0x16280;
	v47 =	vperm.xlane v18, v6;
	v19 =	vadd.s32 v3, v46  }
0x30e: {  	[tilespmem:s24], [sflag:$0x1] =	stream.indirect_vreg.gather [hbm4b:s10+s3], $0x80, v20, vm0, $0xb8;
	[tilespmem:$0x1DA00] =	vst v63  }
0x30f: {  	v49 =	vperm.xlane v18, v7;
	v48 =	vadd.s32 v3, v47;
	s24 =	simm.s32 $0x16300  }
0x310: {  	[tilespmem:s24], [sflag:$0x1] =	stream.indirect_vreg.gather [hbm4b:s10+s3], $0x80, v21, vm0, $0xb8;
	[tilespmem:$0x1DA00] =	vst v63  }
0x311: {  	v51 =	vperm.xlane v18, v8;
	v50 =	vadd.s32 v3, v49;
	s24 =	simm.s32 $0x16380  }
0x312: {  	[tilespmem:s24], [sflag:$0x1] =	stream.indirect_vreg.gather [hbm4b:s10+s3], $0x80, v19, vm0, $0xb8;
	[tilespmem:$0x1DA00] =	vst v63  }
0x313: {  	v52 =	vperm.xlane v18, v0;
	v19 =	vadd.s32 v3, v51;
	s24 =	simm.s32 $0x16400  }
0x314: {  	[tilespmem:s24], [sflag:$0x1] =	stream.indirect_vreg.gather [hbm4b:s10+s3], $0x80, v48, vm0, $0xb8;
	[tilespmem:$0x1DA00] =	vst v63  }
0x315: {  	v54 =	vperm.xlane v18, v9;
	v53 =	vadd.s32 v3, v52;
	s24 =	simm.s32 $0x16480  }
0x316: {  	[tilespmem:s24], [sflag:$0x1] =	stream.indirect_vreg.gather [hbm4b:s10+s3], $0x80, v50, vm0, $0xb8;
	[tilespmem:$0x1DA00] =	vst v63  }
0x317: {  	v56 =	vperm.xlane v18, v10;
	v55 =	vadd.s32 v3, v54;
	s24 =	simm.s32 $0x16500  }
0x318: {  	[tilespmem:s24], [sflag:$0x1] =	stream.indirect_vreg.gather [hbm4b:s10+s3], $0x80, v19, vm0, $0xb8;
	[tilespmem:$0x1DA00] =	vst v63  }
0x319: {  	v57 =	vperm.xlane v18, v11;
	v19 =	vadd.s32 v3, v56;
	s24 =	simm.s32 $0x16580  }
0x31a: {  	[tilespmem:s24], [sflag:$0x1] =	stream.indirect_vreg.gather [hbm4b:s10+s3], $0x80, v53, vm0, $0xb8;
	[tilespmem:$0x1DA00] =	vst v63  }
0x31b: {  	v59 =	vperm.xlane v18, v12;
	v58 =	vadd.s32 v3, v57;
	s24 =	simm.s32 $0x16600  }
0x31c: {  	[tilespmem:s24], [sflag:$0x1] =	stream.indirect_vreg.gather [hbm4b:s10+s3], $0x80, v55, vm0, $0xb8;
	[tilespmem:$0x1DA00] =	vst v63  }
0x31d: {  	v61 =	vperm.xlane v18, v13;
	v60 =	vadd.s32 v3, v59;
	s24 =	simm.s32 $0x16680  }
0x31e: {  	[tilespmem:s24], [sflag:$0x1] =	stream.indirect_vreg.gather [hbm4b:s10+s3], $0x80, v19, vm0, $0xb8;
	[tilespmem:$0x1DA00] =	vst v63  }
0x31f: {  	v62 =	vperm.xlane v18, v14;
	v19 =	vadd.s32 v3, v61;
	s24 =	simm.s32 $0x16700  }
0x320: {  	[tilespmem:s24], [sflag:$0x1] =	stream.indirect_vreg.gather [hbm4b:s10+s3], $0x80, v58, vm0, $0xb8;
	[tilespmem:$0x1DA00] =	vst v63  }
0x321: {  	v24 =	vperm.xlane v18, v15;
	v63 =	vadd.s32 v3, v62;
	s24 =	simm.s32 $0x16780  }
0x322: {  	[tilespmem:s24], [sflag:$0x1] =	stream.indirect_vreg.gather [hbm4b:s10+s3], $0x80, v60, vm0, $0xb8;
	[tilespmem:$0x1DA00] =	vst v63  }
0x323: {  	v18 =	vperm.xlane v18, v16;
	v25 =	vadd.s32 v3, v24;
	s24 =	simm.s32 $0x16800  }
0x324: {  	[tilespmem:s24], [sflag:$0x1] =	stream.indirect_vreg.gather [hbm4b:s10+s3], $0x80, v19, vm0, $0xb8;
	[tilespmem:$0x1DA00] =	vst v63  }
0x325: {  	v18 =	vadd.s32 v3, v18;
	s24 =	simm.s32 $0x16880  }
0x326: {  	[tilespmem:s24], [sflag:$0x1] =	stream.indirect_vreg.gather [hbm4b:s10+s3], $0x80, v63, vm0, $0xb8;
	[tilespmem:$0x1DA00] =	vst v63  }
0x327: {  	s24 =	simm.s32 $0x16900  }
0x328: {  	[tilespmem:s24], [sflag:$0x1] =	stream.indirect_vreg.gather [hbm4b:s10+s3], $0x80, v25, vm0, $0xb8;
	[tilespmem:$0x1DA00] =	vst v63  }
0x329: {  	s24 =	simm.s32 $0x16980  }
0x32a: {  	[tilespmem:s24], [sflag:$0x1] =	stream.indirect_vreg.gather [hbm4b:s10+s3], $0x80, v18, vm0, $0xb8;
	[tilespmem:$0x1DA00] =	vst v63  }
0x32b: {  	v18 =	vld [tilespmem:s29+$0x13980];
	_ =	sdelay $0x4  }
0x32c: {  	v19 =	vshll.u32 v18, $0x1  }
0x32d: {  	v18 =	vand.u32 $0x7, v18;
	v19 =	vand.u32 $0xFFFFFFF0, v19  }
0x32e: {  	v18 =	vor.u32 v18, v19  }
0x32f: {  	v19 =	vperm.xlane v18, v2;
	_ =	sdelay $0x1  }
0x330: {  	v26 =	vperm.xlane v18, v1;
	v19 =	vadd.s32 v3, v19;
	_ =	sdelay $0x1  }
0x331: {  	v27 =	vperm.xlane v18, v4;
	v20 =	vadd.s32 v3, v26;
	_ =	sdelay $0x1  }
0x332: {  	s24 =	simm.s32 $0x16A00;
	v28 =	vperm.xlane v18, v5;
	v21 =	vadd.s32 v3, v27  }
0x333: {  	[tilespmem:s24], [sflag:$0x1] =	stream.indirect_vreg.gather [hbm4b:s10+s3], $0x80, v19, vm0, $0xb8;
	[tilespmem:$0x1DA00] =	vst v63  }
0x334: {  	v29 =	vperm.xlane v18, v6;
	v19 =	vadd.s32 v3, v28;
	s24 =	simm.s32 $0x16A80  }
0x335: {  	[tilespmem:s24], [sflag:$0x1] =	stream.indirect_vreg.gather [hbm4b:s10+s3], $0x80, v20, vm0, $0xb8;
	[tilespmem:$0x1DA00] =	vst v63  }
0x336: {  	v31 =	vperm.xlane v18, v7;
	v30 =	vadd.s32 v3, v29;
	s24 =	simm.s32 $0x16B00  }
0x337: {  	[tilespmem:s24], [sflag:$0x1] =	stream.indirect_vreg.gather [hbm4b:s10+s3], $0x80, v21, vm0, $0xb8;
	[tilespmem:$0x1DA00] =	vst v63  }
0x338: {  	v33 =	vperm.xlane v18, v8;
	v32 =	vadd.s32 v3, v31;
	s24 =	simm.s32 $0x16B80  }
0x339: {  	[tilespmem:s24], [sflag:$0x1] =	stream.indirect_vreg.gather [hbm4b:s10+s3], $0x80, v19, vm0, $0xb8;
	[tilespmem:$0x1DA00] =	vst v63  }
0x33a: {  	v34 =	vperm.xlane v18, v0;
	v19 =	vadd.s32 v3, v33;
	s24 =	simm.s32 $0x16C00  }
0x33b: {  	[tilespmem:s24], [sflag:$0x1] =	stream.indirect_vreg.gather [hbm4b:s10+s3], $0x80, v30, vm0, $0xb8;
	[tilespmem:$0x1DA00] =	vst v63  }
0x33c: {  	v36 =	vperm.xlane v18, v9;
	v35 =	vadd.s32 v3, v34;
	s24 =	simm.s32 $0x16C80  }
0x33d: {  	[tilespmem:s24], [sflag:$0x1] =	stream.indirect_vreg.gather [hbm4b:s10+s3], $0x80, v32, vm0, $0xb8;
	[tilespmem:$0x1DA00] =	vst v63  }
0x33e: {  	v38 =	vperm.xlane v18, v10;
	v37 =	vadd.s32 v3, v36;
	s24 =	simm.s32 $0x16D00  }
0x33f: {  	[tilespmem:s24], [sflag:$0x1] =	stream.indirect_vreg.gather [hbm4b:s10+s3], $0x80, v19, vm0, $0xb8;
	[tilespmem:$0x1DA00] =	vst v63  }
0x340: {  	v39 =	vperm.xlane v18, v11;
	v19 =	vadd.s32 v3, v38;
	s24 =	simm.s32 $0x16D80  }
0x341: {  	[tilespmem:s24], [sflag:$0x1] =	stream.indirect_vreg.gather [hbm4b:s10+s3], $0x80, v35, vm0, $0xb8;
	[tilespmem:$0x1DA00] =	vst v63  }
0x342: {  	v41 =	vperm.xlane v18, v12;
	v40 =	vadd.s32 v3, v39;
	s24 =	simm.s32 $0x16E00  }
0x343: {  	[tilespmem:s24], [sflag:$0x1] =	stream.indirect_vreg.gather [hbm4b:s10+s3], $0x80, v37, vm0, $0xb8;
	[tilespmem:$0x1DA00] =	vst v63  }
0x344: {  	v43 =	vperm.xlane v18, v13;
	v42 =	vadd.s32 v3, v41;
	s24 =	simm.s32 $0x16E80  }
0x345: {  	[tilespmem:s24], [sflag:$0x1] =	stream.indirect_vreg.gather [hbm4b:s10+s3], $0x80, v19, vm0, $0xb8;
	[tilespmem:$0x1DA00] =	vst v63  }
0x346: {  	v44 =	vperm.xlane v18, v14;
	v19 =	vadd.s32 v3, v43;
	s24 =	simm.s32 $0x16F00  }
0x347: {  	[tilespmem:s24], [sflag:$0x1] =	stream.indirect_vreg.gather [hbm4b:s10+s3], $0x80, v40, vm0, $0xb8;
	[tilespmem:$0x1DA00] =	vst v63  }
0x348: {  	v46 =	vperm.xlane v18, v15;
	v45 =	vadd.s32 v3, v44;
	s24 =	simm.s32 $0x16F80  }
0x349: {  	[tilespmem:s24], [sflag:$0x1] =	stream.indirect_vreg.gather [hbm4b:s10+s3], $0x80, v42, vm0, $0xb8;
	[tilespmem:$0x1DA00] =	vst v63  }
0x34a: {  	v18 =	vperm.xlane v18, v16;
	v47 =	vadd.s32 v3, v46;
	s24 =	simm.s32 $0x17000  }
0x34b: {  	[tilespmem:s24], [sflag:$0x1] =	stream.indirect_vreg.gather [hbm4b:s10+s3], $0x80, v19, vm0, $0xb8;
	[tilespmem:$0x1DA00] =	vst v63  }
0x34c: {  	v18 =	vadd.s32 v3, v18;
	s24 =	simm.s32 $0x17080  }
0x34d: {  	[tilespmem:s24], [sflag:$0x1] =	stream.indirect_vreg.gather [hbm4b:s10+s3], $0x80, v45, vm0, $0xb8;
	[tilespmem:$0x1DA00] =	vst v63  }
0x34e: {  	s24 =	simm.s32 $0x17100  }
0x34f: {  	[tilespmem:s24], [sflag:$0x1] =	stream.indirect_vreg.gather [hbm4b:s10+s3], $0x80, v47, vm0, $0xb8;
	[tilespmem:$0x1DA00] =	vst v63  }
0x350: {  	s24 =	simm.s32 $0x17180  }
0x351: {  	[tilespmem:s24], [sflag:$0x1] =	stream.indirect_vreg.gather [hbm4b:s10+s3], $0x80, v18, vm0, $0xb8;
	[tilespmem:$0x1DA00] =	vst v63  }
0x352: {  	v18 =	vld [tilespmem:s29+$0x13990];
	_ =	sdelay $0x4  }
0x353: {  	v19 =	vshll.u32 v18, $0x1  }
0x354: {  	v18 =	vand.u32 $0x7, v18;
	v19 =	vand.u32 $0xFFFFFFF0, v19  }
0x355: {  	v18 =	vor.u32 v18, v19  }
0x356: {  	v19 =	vperm.xlane v18, v2;
	_ =	sdelay $0x1  }
0x357: {  	v48 =	vperm.xlane v18, v1;
	v19 =	vadd.s32 v3, v19;
	_ =	sdelay $0x1  }
0x358: {  	v49 =	vperm.xlane v18, v4;
	v20 =	vadd.s32 v3, v48;
	_ =	sdelay $0x1  }
0x359: {  	s24 =	simm.s32 $0x17200;
	v50 =	vperm.xlane v18, v5;
	v21 =	vadd.s32 v3, v49  }
0x35a: {  	[tilespmem:s24], [sflag:$0x1] =	stream.indirect_vreg.gather [hbm4b:s10+s3], $0x80, v19, vm0, $0xb8;
	[tilespmem:$0x1DA00] =	vst v63  }
0x35b: {  	v51 =	vperm.xlane v18, v6;
	v19 =	vadd.s32 v3, v50;
	s24 =	simm.s32 $0x17280  }
0x35c: {  	[tilespmem:s24], [sflag:$0x1] =	stream.indirect_vreg.gather [hbm4b:s10+s3], $0x80, v20, vm0, $0xb8;
	[tilespmem:$0x1DA00] =	vst v63  }
0x35d: {  	v53 =	vperm.xlane v18, v7;
	v52 =	vadd.s32 v3, v51;
	s24 =	simm.s32 $0x17300  }
0x35e: {  	[tilespmem:s24], [sflag:$0x1] =	stream.indirect_vreg.gather [hbm4b:s10+s3], $0x80, v21, vm0, $0xb8;
	[tilespmem:$0x1DA00] =	vst v63  }
0x35f: {  	v55 =	vperm.xlane v18, v8;
	v54 =	vadd.s32 v3, v53;
	s24 =	simm.s32 $0x17380  }
0x360: {  	[tilespmem:s24], [sflag:$0x1] =	stream.indirect_vreg.gather [hbm4b:s10+s3], $0x80, v19, vm0, $0xb8;
	[tilespmem:$0x1DA00] =	vst v63  }
0x361: {  	v56 =	vperm.xlane v18, v0;
	v19 =	vadd.s32 v3, v55;
	s24 =	simm.s32 $0x17400  }
0x362: {  	[tilespmem:s24], [sflag:$0x1] =	stream.indirect_vreg.gather [hbm4b:s10+s3], $0x80, v52, vm0, $0xb8;
	[tilespmem:$0x1DA00] =	vst v63  }
0x363: {  	v58 =	vperm.xlane v18, v9;
	v57 =	vadd.s32 v3, v56;
	s24 =	simm.s32 $0x17480  }
0x364: {  	[tilespmem:s24], [sflag:$0x1] =	stream.indirect_vreg.gather [hbm4b:s10+s3], $0x80, v54, vm0, $0xb8;
	[tilespmem:$0x1DA00] =	vst v63  }
0x365: {  	v60 =	vperm.xlane v18, v10;
	v59 =	vadd.s32 v3, v58;
	s24 =	simm.s32 $0x17500  }
0x366: {  	[tilespmem:s24], [sflag:$0x1] =	stream.indirect_vreg.gather [hbm4b:s10+s3], $0x80, v19, vm0, $0xb8;
	[tilespmem:$0x1DA00] =	vst v63  }
0x367: {  	v61 =	vperm.xlane v18, v11;
	v19 =	vadd.s32 v3, v60;
	s24 =	simm.s32 $0x17580  }
0x368: {  	[tilespmem:s24], [sflag:$0x1] =	stream.indirect_vreg.gather [hbm4b:s10+s3], $0x80, v57, vm0, $0xb8;
	[tilespmem:$0x1DA00] =	vst v63  }
0x369: {  	v63 =	vperm.xlane v18, v12;
	v62 =	vadd.s32 v3, v61;
	s24 =	simm.s32 $0x17600  }
0x36a: {  	[tilespmem:s24], [sflag:$0x1] =	stream.indirect_vreg.gather [hbm4b:s10+s3], $0x80, v59, vm0, $0xb8;
	[tilespmem:$0x1DA00] =	vst v63  }
0x36b: {  	v25 =	vperm.xlane v18, v13;
	v24 =	vadd.s32 v3, v63;
	s24 =	simm.s32 $0x17680  }
0x36c: {  	[tilespmem:s24], [sflag:$0x1] =	stream.indirect_vreg.gather [hbm4b:s10+s3], $0x80, v19, vm0, $0xb8;
	[tilespmem:$0x1DA00] =	vst v63  }
0x36d: {  	v26 =	vperm.xlane v18, v14;
	v19 =	vadd.s32 v3, v25;
	s24 =	simm.s32 $0x17700  }
0x36e: {  	[tilespmem:s24], [sflag:$0x1] =	stream.indirect_vreg.gather [hbm4b:s10+s3], $0x80, v62, vm0, $0xb8;
	[tilespmem:$0x1DA00] =	vst v63  }
0x36f: {  	v28 =	vperm.xlane v18, v15;
	v27 =	vadd.s32 v3, v26;
	s24 =	simm.s32 $0x17780  }
0x370: {  	[tilespmem:s24], [sflag:$0x1] =	stream.indirect_vreg.gather [hbm4b:s10+s3], $0x80, v24, vm0, $0xb8;
	[tilespmem:$0x1DA00] =	vst v63  }
0x371: {  	v18 =	vperm.xlane v18, v16;
	v29 =	vadd.s32 v3, v28;
	s24 =	simm.s32 $0x17800  }
0x372: {  	[tilespmem:s24], [sflag:$0x1] =	stream.indirect_vreg.gather [hbm4b:s10+s3], $0x80, v19, vm0, $0xb8;
	[tilespmem:$0x1DA00] =	vst v63  }
0x373: {  	v18 =	vadd.s32 v3, v18;
	s24 =	simm.s32 $0x17880  }
0x374: {  	[tilespmem:s24], [sflag:$0x1] =	stream.indirect_vreg.gather [hbm4b:s10+s3], $0x80, v27, vm0, $0xb8;
	[tilespmem:$0x1DA00] =	vst v63  }
0x375: {  	s24 =	simm.s32 $0x17900  }
0x376: {  	[tilespmem:s24], [sflag:$0x1] =	stream.indirect_vreg.gather [hbm4b:s10+s3], $0x80, v29, vm0, $0xb8;
	[tilespmem:$0x1DA00] =	vst v63  }
0x377: {  	s24 =	simm.s32 $0x17980  }
0x378: {  	[tilespmem:s24], [sflag:$0x1] =	stream.indirect_vreg.gather [hbm4b:s10+s3], $0x80, v18, vm0, $0xb8;
	[tilespmem:$0x1DA00] =	vst v63  }
0x379: {  	v18 =	vld [tilespmem:s29+$0x139A0];
	_ =	sdelay $0x4  }
0x37a: {  	v19 =	vshll.u32 v18, $0x1  }
0x37b: {  	v18 =	vand.u32 $0x7, v18;
	v19 =	vand.u32 $0xFFFFFFF0, v19  }
0x37c: {  	v18 =	vor.u32 v18, v19  }
0x37d: {  	v19 =	vperm.xlane v18, v2;
	_ =	sdelay $0x1  }
0x37e: {  	v30 =	vperm.xlane v18, v1;
	v19 =	vadd.s32 v3, v19;
	_ =	sdelay $0x1  }
0x37f: {  	v31 =	vperm.xlane v18, v4;
	v20 =	vadd.s32 v3, v30;
	_ =	sdelay $0x1  }
0x380: {  	s24 =	simm.s32 $0x17A00;
	v32 =	vperm.xlane v18, v5;
	v21 =	vadd.s32 v3, v31  }
0x381: {  	[tilespmem:s24], [sflag:$0x1] =	stream.indirect_vreg.gather [hbm4b:s10+s3], $0x80, v19, vm0, $0xb8;
	[tilespmem:$0x1DA00] =	vst v63  }
0x382: {  	v33 =	vperm.xlane v18, v6;
	v19 =	vadd.s32 v3, v32;
	s24 =	simm.s32 $0x17A80  }
0x383: {  	[tilespmem:s24], [sflag:$0x1] =	stream.indirect_vreg.gather [hbm4b:s10+s3], $0x80, v20, vm0, $0xb8;
	[tilespmem:$0x1DA00] =	vst v63  }
0x384: {  	v35 =	vperm.xlane v18, v7;
	v34 =	vadd.s32 v3, v33;
	s24 =	simm.s32 $0x17B00  }
0x385: {  	[tilespmem:s24], [sflag:$0x1] =	stream.indirect_vreg.gather [hbm4b:s10+s3], $0x80, v21, vm0, $0xb8;
	[tilespmem:$0x1DA00] =	vst v63  }
0x386: {  	v37 =	vperm.xlane v18, v8;
	v36 =	vadd.s32 v3, v35;
	s24 =	simm.s32 $0x17B80  }
0x387: {  	[tilespmem:s24], [sflag:$0x1] =	stream.indirect_vreg.gather [hbm4b:s10+s3], $0x80, v19, vm0, $0xb8;
	[tilespmem:$0x1DA00] =	vst v63  }
0x388: {  	v38 =	vperm.xlane v18, v0;
	v19 =	vadd.s32 v3, v37;
	s24 =	simm.s32 $0x17C00  }
0x389: {  	[tilespmem:s24], [sflag:$0x1] =	stream.indirect_vreg.gather [hbm4b:s10+s3], $0x80, v34, vm0, $0xb8;
	[tilespmem:$0x1DA00] =	vst v63  }
0x38a: {  	v40 =	vperm.xlane v18, v9;
	v39 =	vadd.s32 v3, v38;
	s24 =	simm.s32 $0x17C80  }
0x38b: {  	[tilespmem:s24], [sflag:$0x1] =	stream.indirect_vreg.gather [hbm4b:s10+s3], $0x80, v36, vm0, $0xb8;
	[tilespmem:$0x1DA00] =	vst v63  }
0x38c: {  	v42 =	vperm.xlane v18, v10;
	v41 =	vadd.s32 v3, v40;
	s24 =	simm.s32 $0x17D00  }
0x38d: {  	[tilespmem:s24], [sflag:$0x1] =	stream.indirect_vreg.gather [hbm4b:s10+s3], $0x80, v19, vm0, $0xb8;
	[tilespmem:$0x1DA00] =	vst v63  }
0x38e: {  	v43 =	vperm.xlane v18, v11;
	v19 =	vadd.s32 v3, v42;
	s24 =	simm.s32 $0x17D80  }
0x38f: {  	[tilespmem:s24], [sflag:$0x1] =	stream.indirect_vreg.gather [hbm4b:s10+s3], $0x80, v39, vm0, $0xb8;
	[tilespmem:$0x1DA00] =	vst v63  }
0x390: {  	v45 =	vperm.xlane v18, v12;
	v44 =	vadd.s32 v3, v43;
	s24 =	simm.s32 $0x17E00  }
0x391: {  	[tilespmem:s24], [sflag:$0x1] =	stream.indirect_vreg.gather [hbm4b:s10+s3], $0x80, v41, vm0, $0xb8;
	[tilespmem:$0x1DA00] =	vst v63  }
0x392: {  	v47 =	vperm.xlane v18, v13;
	v46 =	vadd.s32 v3, v45;
	s24 =	simm.s32 $0x17E80  }
0x393: {  	[tilespmem:s24], [sflag:$0x1] =	stream.indirect_vreg.gather [hbm4b:s10+s3], $0x80, v19, vm0, $0xb8;
	[tilespmem:$0x1DA00] =	vst v63  }
0x394: {  	v48 =	vperm.xlane v18, v14;
	v19 =	vadd.s32 v3, v47;
	s24 =	simm.s32 $0x17F00  }
0x395: {  	[tilespmem:s24], [sflag:$0x1] =	stream.indirect_vreg.gather [hbm4b:s10+s3], $0x80, v44, vm0, $0xb8;
	[tilespmem:$0x1DA00] =	vst v63  }
0x396: {  	v50 =	vperm.xlane v18, v15;
	v49 =	vadd.s32 v3, v48;
	s24 =	simm.s32 $0x17F80  }
0x397: {  	[tilespmem:s24], [sflag:$0x1] =	stream.indirect_vreg.gather [hbm4b:s10+s3], $0x80, v46, vm0, $0xb8;
	[tilespmem:$0x1DA00] =	vst v63  }
0x398: {  	v18 =	vperm.xlane v18, v16;
	v51 =	vadd.s32 v3, v50;
	s24 =	simm.s32 $0x18000  }
0x399: {  	[tilespmem:s24], [sflag:$0x1] =	stream.indirect_vreg.gather [hbm4b:s10+s3], $0x80, v19, vm0, $0xb8;
	[tilespmem:$0x1DA00] =	vst v63  }
0x39a: {  	v18 =	vadd.s32 v3, v18;
	s24 =	simm.s32 $0x18080  }
0x39b: {  	[tilespmem:s24], [sflag:$0x1] =	stream.indirect_vreg.gather [hbm4b:s10+s3], $0x80, v49, vm0, $0xb8;
	[tilespmem:$0x1DA00] =	vst v63  }
0x39c: {  	s24 =	simm.s32 $0x18100  }
0x39d: {  	[tilespmem:s24], [sflag:$0x1] =	stream.indirect_vreg.gather [hbm4b:s10+s3], $0x80, v51, vm0, $0xb8;
	[tilespmem:$0x1DA00] =	vst v63  }
0x39e: {  	s24 =	simm.s32 $0x18180  }
0x39f: {  	[tilespmem:s24], [sflag:$0x1] =	stream.indirect_vreg.gather [hbm4b:s10+s3], $0x80, v18, vm0, $0xb8;
	[tilespmem:$0x1DA00] =	vst v63  }
0x3a0: {  	v18 =	vld [tilespmem:s29+$0x139B0];
	_ =	sdelay $0x4  }
0x3a1: {  	v19 =	vshll.u32 v18, $0x1  }
0x3a2: {  	v18 =	vand.u32 $0x7, v18;
	v19 =	vand.u32 $0xFFFFFFF0, v19  }
0x3a3: {  	v18 =	vor.u32 v18, v19  }
0x3a4: {  	v19 =	vperm.xlane v18, v2;
	_ =	sdelay $0x1  }
0x3a5: {  	v52 =	vperm.xlane v18, v1;
	v19 =	vadd.s32 v3, v19;
	_ =	sdelay $0x1  }
0x3a6: {  	v53 =	vperm.xlane v18, v4;
	v20 =	vadd.s32 v3, v52;
	_ =	sdelay $0x1  }
0x3a7: {  	s24 =	simm.s32 $0x18200;
	v54 =	vperm.xlane v18, v5;
	v21 =	vadd.s32 v3, v53  }
0x3a8: {  	[tilespmem:s24], [sflag:$0x1] =	stream.indirect_vreg.gather [hbm4b:s10+s3], $0x80, v19, vm0, $0xb8;
	[tilespmem:$0x1DA00] =	vst v63  }
0x3a9: {  	v55 =	vperm.xlane v18, v6;
	v19 =	vadd.s32 v3, v54;
	s24 =	simm.s32 $0x18280  }
0x3aa: {  	[tilespmem:s24], [sflag:$0x1] =	stream.indirect_vreg.gather [hbm4b:s10+s3], $0x80, v20, vm0, $0xb8;
	[tilespmem:$0x1DA00] =	vst v63  }
0x3ab: {  	v57 =	vperm.xlane v18, v7;
	v56 =	vadd.s32 v3, v55;
	s24 =	simm.s32 $0x18300  }
0x3ac: {  	[tilespmem:s24], [sflag:$0x1] =	stream.indirect_vreg.gather [hbm4b:s10+s3], $0x80, v21, vm0, $0xb8;
	[tilespmem:$0x1DA00] =	vst v63  }
0x3ad: {  	v59 =	vperm.xlane v18, v8;
	v58 =	vadd.s32 v3, v57;
	s24 =	simm.s32 $0x18380  }
0x3ae: {  	[tilespmem:s24], [sflag:$0x1] =	stream.indirect_vreg.gather [hbm4b:s10+s3], $0x80, v19, vm0, $0xb8;
	[tilespmem:$0x1DA00] =	vst v63  }
0x3af: {  	v60 =	vperm.xlane v18, v0;
	v19 =	vadd.s32 v3, v59;
	s24 =	simm.s32 $0x18400  }
0x3b0: {  	[tilespmem:s24], [sflag:$0x1] =	stream.indirect_vreg.gather [hbm4b:s10+s3], $0x80, v56, vm0, $0xb8;
	[tilespmem:$0x1DA00] =	vst v63  }
0x3b1: {  	v62 =	vperm.xlane v18, v9;
	v61 =	vadd.s32 v3, v60;
	s24 =	simm.s32 $0x18480  }
0x3b2: {  	[tilespmem:s24], [sflag:$0x1] =	stream.indirect_vreg.gather [hbm4b:s10+s3], $0x80, v58, vm0, $0xb8;
	[tilespmem:$0x1DA00] =	vst v63  }
0x3b3: {  	v24 =	vperm.xlane v18, v10;
	v63 =	vadd.s32 v3, v62;
	s24 =	simm.s32 $0x18500  }
0x3b4: {  	[tilespmem:s24], [sflag:$0x1] =	stream.indirect_vreg.gather [hbm4b:s10+s3], $0x80, v19, vm0, $0xb8;
	[tilespmem:$0x1DA00] =	vst v63  }
0x3b5: {  	v25 =	vperm.xlane v18, v11;
	v19 =	vadd.s32 v3, v24;
	s24 =	simm.s32 $0x18580  }
0x3b6: {  	[tilespmem:s24], [sflag:$0x1] =	stream.indirect_vreg.gather [hbm4b:s10+s3], $0x80, v61, vm0, $0xb8;
	[tilespmem:$0x1DA00] =	vst v63  }
0x3b7: {  	v27 =	vperm.xlane v18, v12;
	v26 =	vadd.s32 v3, v25;
	s24 =	simm.s32 $0x18600  }
0x3b8: {  	[tilespmem:s24], [sflag:$0x1] =	stream.indirect_vreg.gather [hbm4b:s10+s3], $0x80, v63, vm0, $0xb8;
	[tilespmem:$0x1DA00] =	vst v63  }
0x3b9: {  	v29 =	vperm.xlane v18, v13;
	v28 =	vadd.s32 v3, v27;
	s24 =	simm.s32 $0x18680  }
0x3ba: {  	[tilespmem:s24], [sflag:$0x1] =	stream.indirect_vreg.gather [hbm4b:s10+s3], $0x80, v19, vm0, $0xb8;
	[tilespmem:$0x1DA00] =	vst v63  }
0x3bb: {  	v30 =	vperm.xlane v18, v14;
	v19 =	vadd.s32 v3, v29;
	s24 =	simm.s32 $0x18700  }
0x3bc: {  	[tilespmem:s24], [sflag:$0x1] =	stream.indirect_vreg.gather [hbm4b:s10+s3], $0x80, v26, vm0, $0xb8;
	[tilespmem:$0x1DA00] =	vst v63  }
0x3bd: {  	v32 =	vperm.xlane v18, v15;
	v31 =	vadd.s32 v3, v30;
	s24 =	simm.s32 $0x18780  }
0x3be: {  	[tilespmem:s24], [sflag:$0x1] =	stream.indirect_vreg.gather [hbm4b:s10+s3], $0x80, v28, vm0, $0xb8;
	[tilespmem:$0x1DA00] =	vst v63  }
0x3bf: {  	v18 =	vperm.xlane v18, v16;
	v33 =	vadd.s32 v3, v32;
	s24 =	simm.s32 $0x18800  }
0x3c0: {  	[tilespmem:s24], [sflag:$0x1] =	stream.indirect_vreg.gather [hbm4b:s10+s3], $0x80, v19, vm0, $0xb8;
	[tilespmem:$0x1DA00] =	vst v63  }
0x3c1: {  	v18 =	vadd.s32 v3, v18;
	s24 =	simm.s32 $0x18880  }
0x3c2: {  	[tilespmem:s24], [sflag:$0x1] =	stream.indirect_vreg.gather [hbm4b:s10+s3], $0x80, v31, vm0, $0xb8;
	[tilespmem:$0x1DA00] =	vst v63  }
0x3c3: {  	s24 =	simm.s32 $0x18900  }
0x3c4: {  	[tilespmem:s24], [sflag:$0x1] =	stream.indirect_vreg.gather [hbm4b:s10+s3], $0x80, v33, vm0, $0xb8;
	[tilespmem:$0x1DA00] =	vst v63  }
0x3c5: {  	s24 =	simm.s32 $0x18980  }
0x3c6: {  	[tilespmem:s24], [sflag:$0x1] =	stream.indirect_vreg.gather [hbm4b:s10+s3], $0x80, v18, vm0, $0xb8;
	[tilespmem:$0x1DA00] =	vst v63  }
0x3c7: {  	_ =	swait.ge [sflag:s28], $0x50  }
0x3c8: {  	[sflag:s28] =	ssyncset.done $0x0  }
0x3c9: {  	[sflag:s28] =	ssyncadd.s32 $0xFFFFFFB0  }
0x3ca: {  	_ =	swait.ge [sflag:s31], $0x2800  }
0x3cb: {  	[sflag:s31] =	ssyncset.done $0x0  }
0x3cc: {  	[sflag:s31] =	ssyncadd.s32 $0xFFFFD800  }
0x3cd: {  	[spmem:s2] =	stream.indirect.scatter.add.f32 [tilespmem:s16], [sflag:$0x6], $0x80, s15, s14, $0xb8;
	[tilespmem:$0x1DA00] =	vst v63  }
0x3ce: {  	_ =	swait.ge [sflag:s17], $0x2800  }
0x3cf: {  	[sflag:s17] =	ssyncset.done $0x0  }
0x3d0: {  	s25 =	sadd.s32 $0x28, s25;
	[sflag:s17] =	ssyncadd.s32 $0xFFFFD800  }
0x3d1: {  	[tilespmem:s7], [sflag:$0x8] =	stream.linear.gather [hbm4b:s25+s3], $0x50, $0x38;
	[tilespmem:$0x1DA00] =	vst v63  }
0x3d2: {  	v18 =	vld [tilespmem:s29+$0x139C0];
	_ =	sdelay $0x4  }
0x3d3: {  	v19 =	vshll.u32 v18, $0x1  }
0x3d4: {  	v18 =	vand.u32 $0x7, v18;
	v19 =	vand.u32 $0xFFFFFFF0, v19  }
0x3d5: {  	v18 =	vor.u32 v18, v19  }
0x3d6: {  	v19 =	vperm.xlane v18, v2;
	_ =	sdelay $0x1  }
0x3d7: {  	v34 =	vperm.xlane v18, v1;
	v19 =	vadd.s32 v3, v19;
	_ =	sdelay $0x1  }
0x3d8: {  	v35 =	vperm.xlane v18, v4;
	v20 =	vadd.s32 v3, v34;
	_ =	sdelay $0x1  }
0x3d9: {  	v36 =	vperm.xlane v18, v5;
	v21 =	vadd.s32 v3, v35  }
0x3da: {  	[tilespmem:s22], [sflag:$0x2] =	stream.indirect_vreg.gather [hbm4b:s10+s3], $0x80, v19, vm0, $0xb8;
	[tilespmem:$0x1DA00] =	vst v63  }
0x3db: {  	s25 =	simm.s32 $0x18A80;
	v37 =	vperm.xlane v18, v6;
	v19 =	vadd.s32 v3, v36  }
0x3dc: {  	[tilespmem:s25], [sflag:$0x2] =	stream.indirect_vreg.gather [hbm4b:s10+s3], $0x80, v20, vm0, $0xb8;
	[tilespmem:$0x1DA00] =	vst v63  }
0x3dd: {  	v39 =	vperm.xlane v18, v7;
	v38 =	vadd.s32 v3, v37;
	s25 =	simm.s32 $0x18B00  }
0x3de: {  	[tilespmem:s25], [sflag:$0x2] =	stream.indirect_vreg.gather [hbm4b:s10+s3], $0x80, v21, vm0, $0xb8;
	[tilespmem:$0x1DA00] =	vst v63  }
0x3df: {  	v41 =	vperm.xlane v18, v8;
	v40 =	vadd.s32 v3, v39;
	s25 =	simm.s32 $0x18B80  }
0x3e0: {  	[tilespmem:s25], [sflag:$0x2] =	stream.indirect_vreg.gather [hbm4b:s10+s3], $0x80, v19, vm0, $0xb8;
	[tilespmem:$0x1DA00] =	vst v63  }
0x3e1: {  	v42 =	vperm.xlane v18, v0;
	v19 =	vadd.s32 v3, v41;
	s25 =	simm.s32 $0x18C00  }
0x3e2: {  	[tilespmem:s25], [sflag:$0x2] =	stream.indirect_vreg.gather [hbm4b:s10+s3], $0x80, v38, vm0, $0xb8;
	[tilespmem:$0x1DA00] =	vst v63  }
0x3e3: {  	v44 =	vperm.xlane v18, v9;
	v43 =	vadd.s32 v3, v42;
	s25 =	simm.s32 $0x18C80  }
0x3e4: {  	[tilespmem:s25], [sflag:$0x2] =	stream.indirect_vreg.gather [hbm4b:s10+s3], $0x80, v40, vm0, $0xb8;
	[tilespmem:$0x1DA00] =	vst v63  }
0x3e5: {  	v46 =	vperm.xlane v18, v10;
	v45 =	vadd.s32 v3, v44;
	s25 =	simm.s32 $0x18D00  }
0x3e6: {  	[tilespmem:s25], [sflag:$0x2] =	stream.indirect_vreg.gather [hbm4b:s10+s3], $0x80, v19, vm0, $0xb8;
	[tilespmem:$0x1DA00] =	vst v63  }
0x3e7: {  	v47 =	vperm.xlane v18, v11;
	v19 =	vadd.s32 v3, v46;
	s25 =	simm.s32 $0x18D80  }
0x3e8: {  	[tilespmem:s25], [sflag:$0x2] =	stream.indirect_vreg.gather [hbm4b:s10+s3], $0x80, v43, vm0, $0xb8;
	[tilespmem:$0x1DA00] =	vst v63  }
0x3e9: {  	v49 =	vperm.xlane v18, v12;
	v48 =	vadd.s32 v3, v47;
	s25 =	simm.s32 $0x18E00  }
0x3ea: {  	[tilespmem:s25], [sflag:$0x2] =	stream.indirect_vreg.gather [hbm4b:s10+s3], $0x80, v45, vm0, $0xb8;
	[tilespmem:$0x1DA00] =	vst v63  }
0x3eb: {  	v51 =	vperm.xlane v18, v13;
	v50 =	vadd.s32 v3, v49;
	s25 =	simm.s32 $0x18E80  }
0x3ec: {  	[tilespmem:s25], [sflag:$0x2] =	stream.indirect_vreg.gather [hbm4b:s10+s3], $0x80, v19, vm0, $0xb8;
	[tilespmem:$0x1DA00] =	vst v63  }
0x3ed: {  	v52 =	vperm.xlane v18, v14;
	v19 =	vadd.s32 v3, v51;
	s25 =	simm.s32 $0x18F00  }
0x3ee: {  	[tilespmem:s25], [sflag:$0x2] =	stream.indirect_vreg.gather [hbm4b:s10+s3], $0x80, v48, vm0, $0xb8;
	[tilespmem:$0x1DA00] =	vst v63  }
0x3ef: {  	v54 =	vperm.xlane v18, v15;
	v53 =	vadd.s32 v3, v52;
	s25 =	simm.s32 $0x18F80  }
0x3f0: {  	[tilespmem:s25], [sflag:$0x2] =	stream.indirect_vreg.gather [hbm4b:s10+s3], $0x80, v50, vm0, $0xb8;
	[tilespmem:$0x1DA00] =	vst v63  }
0x3f1: {  	v18 =	vperm.xlane v18, v16;
	v55 =	vadd.s32 v3, v54;
	s25 =	simm.s32 $0x19000  }
0x3f2: {  	[tilespmem:s25], [sflag:$0x2] =	stream.indirect_vreg.gather [hbm4b:s10+s3], $0x80, v19, vm0, $0xb8;
	[tilespmem:$0x1DA00] =	vst v63  }
0x3f3: {  	v18 =	vadd.s32 v3, v18;
	s25 =	simm.s32 $0x19080  }
0x3f4: {  	[tilespmem:s25], [sflag:$0x2] =	stream.indirect_vreg.gather [hbm4b:s10+s3], $0x80, v53, vm0, $0xb8;
	[tilespmem:$0x1DA00] =	vst v63  }
0x3f5: {  	s25 =	simm.s32 $0x19100  }
0x3f6: {  	[tilespmem:s25], [sflag:$0x2] =	stream.indirect_vreg.gather [hbm4b:s10+s3], $0x80, v55, vm0, $0xb8;
	[tilespmem:$0x1DA00] =	vst v63  }
0x3f7: {  	s25 =	simm.s32 $0x19180  }
0x3f8: {  	[tilespmem:s25], [sflag:$0x2] =	stream.indirect_vreg.gather [hbm4b:s10+s3], $0x80, v18, vm0, $0xb8;
	[tilespmem:$0x1DA00] =	vst v63  }
0x3f9: {  	v18 =	vld [tilespmem:s29+$0x139D0];
	_ =	sdelay $0x4  }
0x3fa: {  	v19 =	vshll.u32 v18, $0x1  }
0x3fb: {  	v18 =	vand.u32 $0x7, v18;
	v19 =	vand.u32 $0xFFFFFFF0, v19  }
0x3fc: {  	v18 =	vor.u32 v18, v19  }
0x3fd: {  	v19 =	vperm.xlane v18, v2;
	_ =	sdelay $0x1  }
0x3fe: {  	v56 =	vperm.xlane v18, v1;
	v19 =	vadd.s32 v3, v19;
	_ =	sdelay $0x1  }
0x3ff: {  	v57 =	vperm.xlane v18, v4;
	v20 =	vadd.s32 v3, v56;
	_ =	sdelay $0x1  }
0x400: {  	s25 =	simm.s32 $0x19200;
	v58 =	vperm.xlane v18, v5;
	v21 =	vadd.s32 v3, v57  }
0x401: {  	[tilespmem:s25], [sflag:$0x2] =	stream.indirect_vreg.gather [hbm4b:s10+s3], $0x80, v19, vm0, $0xb8;
	[tilespmem:$0x1DA00] =	vst v63  }
0x402: {  	v59 =	vperm.xlane v18, v6;
	v19 =	vadd.s32 v3, v58;
	s25 =	simm.s32 $0x19280  }
0x403: {  	[tilespmem:s25], [sflag:$0x2] =	stream.indirect_vreg.gather [hbm4b:s10+s3], $0x80, v20, vm0, $0xb8;
	[tilespmem:$0x1DA00] =	vst v63  }
0x404: {  	v61 =	vperm.xlane v18, v7;
	v60 =	vadd.s32 v3, v59;
	s25 =	simm.s32 $0x19300  }
0x405: {  	[tilespmem:s25], [sflag:$0x2] =	stream.indirect_vreg.gather [hbm4b:s10+s3], $0x80, v21, vm0, $0xb8;
	[tilespmem:$0x1DA00] =	vst v63  }
0x406: {  	v63 =	vperm.xlane v18, v8;
	v62 =	vadd.s32 v3, v61;
	s25 =	simm.s32 $0x19380  }
0x407: {  	[tilespmem:s25], [sflag:$0x2] =	stream.indirect_vreg.gather [hbm4b:s10+s3], $0x80, v19, vm0, $0xb8;
	[tilespmem:$0x1DA00] =	vst v63  }
0x408: {  	v24 =	vperm.xlane v18, v0;
	v19 =	vadd.s32 v3, v63;
	s25 =	simm.s32 $0x19400  }
0x409: {  	[tilespmem:s25], [sflag:$0x2] =	stream.indirect_vreg.gather [hbm4b:s10+s3], $0x80, v60, vm0, $0xb8;
	[tilespmem:$0x1DA00] =	vst v63  }
0x40a: {  	v26 =	vperm.xlane v18, v9;
	v25 =	vadd.s32 v3, v24;
	s25 =	simm.s32 $0x19480  }
0x40b: {  	[tilespmem:s25], [sflag:$0x2] =	stream.indirect_vreg.gather [hbm4b:s10+s3], $0x80, v62, vm0, $0xb8;
	[tilespmem:$0x1DA00] =	vst v63  }
0x40c: {  	v28 =	vperm.xlane v18, v10;
	v27 =	vadd.s32 v3, v26;
	s25 =	simm.s32 $0x19500  }
0x40d: {  	[tilespmem:s25], [sflag:$0x2] =	stream.indirect_vreg.gather [hbm4b:s10+s3], $0x80, v19, vm0, $0xb8;
	[tilespmem:$0x1DA00] =	vst v63  }
0x40e: {  	v29 =	vperm.xlane v18, v11;
	v19 =	vadd.s32 v3, v28;
	s25 =	simm.s32 $0x19580  }
0x40f: {  	[tilespmem:s25], [sflag:$0x2] =	stream.indirect_vreg.gather [hbm4b:s10+s3], $0x80, v25, vm0, $0xb8;
	[tilespmem:$0x1DA00] =	vst v63  }
0x410: {  	v31 =	vperm.xlane v18, v12;
	v30 =	vadd.s32 v3, v29;
	s25 =	simm.s32 $0x19600  }
0x411: {  	[tilespmem:s25], [sflag:$0x2] =	stream.indirect_vreg.gather [hbm4b:s10+s3], $0x80, v27, vm0, $0xb8;
	[tilespmem:$0x1DA00] =	vst v63  }
0x412: {  	v33 =	vperm.xlane v18, v13;
	v32 =	vadd.s32 v3, v31;
	s25 =	simm.s32 $0x19680  }
0x413: {  	[tilespmem:s25], [sflag:$0x2] =	stream.indirect_vreg.gather [hbm4b:s10+s3], $0x80, v19, vm0, $0xb8;
	[tilespmem:$0x1DA00] =	vst v63  }
0x414: {  	v34 =	vperm.xlane v18, v14;
	v19 =	vadd.s32 v3, v33;
	s25 =	simm.s32 $0x19700  }
0x415: {  	[tilespmem:s25], [sflag:$0x2] =	stream.indirect_vreg.gather [hbm4b:s10+s3], $0x80, v30, vm0, $0xb8;
	[tilespmem:$0x1DA00] =	vst v63  }
0x416: {  	v36 =	vperm.xlane v18, v15;
	v35 =	vadd.s32 v3, v34;
	s25 =	simm.s32 $0x19780  }
0x417: {  	[tilespmem:s25], [sflag:$0x2] =	stream.indirect_vreg.gather [hbm4b:s10+s3], $0x80, v32, vm0, $0xb8;
	[tilespmem:$0x1DA00] =	vst v63  }
0x418: {  	v18 =	vperm.xlane v18, v16;
	v37 =	vadd.s32 v3, v36;
	s25 =	simm.s32 $0x19800  }
0x419: {  	[tilespmem:s25], [sflag:$0x2] =	stream.indirect_vreg.gather [hbm4b:s10+s3], $0x80, v19, vm0, $0xb8;
	[tilespmem:$0x1DA00] =	vst v63  }
0x41a: {  	v18 =	vadd.s32 v3, v18;
	s25 =	simm.s32 $0x19880  }
0x41b: {  	[tilespmem:s25], [sflag:$0x2] =	stream.indirect_vreg.gather [hbm4b:s10+s3], $0x80, v35, vm0, $0xb8;
	[tilespmem:$0x1DA00] =	vst v63  }
0x41c: {  	s25 =	simm.s32 $0x19900  }
0x41d: {  	[tilespmem:s25], [sflag:$0x2] =	stream.indirect_vreg.gather [hbm4b:s10+s3], $0x80, v37, vm0, $0xb8;
	[tilespmem:$0x1DA00] =	vst v63  }
0x41e: {  	s25 =	simm.s32 $0x19980  }
0x41f: {  	[tilespmem:s25], [sflag:$0x2] =	stream.indirect_vreg.gather [hbm4b:s10+s3], $0x80, v18, vm0, $0xb8;
	[tilespmem:$0x1DA00] =	vst v63  }
0x420: {  	v18 =	vld [tilespmem:s29+$0x139E0];
	_ =	sdelay $0x4  }
0x421: {  	v19 =	vshll.u32 v18, $0x1  }
0x422: {  	v18 =	vand.u32 $0x7, v18;
	v19 =	vand.u32 $0xFFFFFFF0, v19  }
0x423: {  	v18 =	vor.u32 v18, v19  }
0x424: {  	v19 =	vperm.xlane v18, v2;
	_ =	sdelay $0x1  }
0x425: {  	v38 =	vperm.xlane v18, v1;
	v19 =	vadd.s32 v3, v19;
	_ =	sdelay $0x1  }
0x426: {  	v39 =	vperm.xlane v18, v4;
	v20 =	vadd.s32 v3, v38;
	_ =	sdelay $0x1  }
0x427: {  	s25 =	simm.s32 $0x19A00;
	v40 =	vperm.xlane v18, v5;
	v21 =	vadd.s32 v3, v39  }
0x428: {  	[tilespmem:s25], [sflag:$0x2] =	stream.indirect_vreg.gather [hbm4b:s10+s3], $0x80, v19, vm0, $0xb8;
	[tilespmem:$0x1DA00] =	vst v63  }
0x429: {  	v41 =	vperm.xlane v18, v6;
	v19 =	vadd.s32 v3, v40;
	s25 =	simm.s32 $0x19A80  }
0x42a: {  	[tilespmem:s25], [sflag:$0x2] =	stream.indirect_vreg.gather [hbm4b:s10+s3], $0x80, v20, vm0, $0xb8;
	[tilespmem:$0x1DA00] =	vst v63  }
0x42b: {  	v43 =	vperm.xlane v18, v7;
	v42 =	vadd.s32 v3, v41;
	s25 =	simm.s32 $0x19B00  }
0x42c: {  	[tilespmem:s25], [sflag:$0x2] =	stream.indirect_vreg.gather [hbm4b:s10+s3], $0x80, v21, vm0, $0xb8;
	[tilespmem:$0x1DA00] =	vst v63  }
0x42d: {  	v45 =	vperm.xlane v18, v8;
	v44 =	vadd.s32 v3, v43;
	s25 =	simm.s32 $0x19B80  }
0x42e: {  	[tilespmem:s25], [sflag:$0x2] =	stream.indirect_vreg.gather [hbm4b:s10+s3], $0x80, v19, vm0, $0xb8;
	[tilespmem:$0x1DA00] =	vst v63  }
0x42f: {  	v46 =	vperm.xlane v18, v0;
	v19 =	vadd.s32 v3, v45;
	s25 =	simm.s32 $0x19C00  }
0x430: {  	[tilespmem:s25], [sflag:$0x2] =	stream.indirect_vreg.gather [hbm4b:s10+s3], $0x80, v42, vm0, $0xb8;
	[tilespmem:$0x1DA00] =	vst v63  }
0x431: {  	v48 =	vperm.xlane v18, v9;
	v47 =	vadd.s32 v3, v46;
	s25 =	simm.s32 $0x19C80  }
0x432: {  	[tilespmem:s25], [sflag:$0x2] =	stream.indirect_vreg.gather [hbm4b:s10+s3], $0x80, v44, vm0, $0xb8;
	[tilespmem:$0x1DA00] =	vst v63  }
0x433: {  	v50 =	vperm.xlane v18, v10;
	v49 =	vadd.s32 v3, v48;
	s25 =	simm.s32 $0x19D00  }
0x434: {  	[tilespmem:s25], [sflag:$0x2] =	stream.indirect_vreg.gather [hbm4b:s10+s3], $0x80, v19, vm0, $0xb8;
	[tilespmem:$0x1DA00] =	vst v63  }
0x435: {  	v51 =	vperm.xlane v18, v11;
	v19 =	vadd.s32 v3, v50;
	s25 =	simm.s32 $0x19D80  }
0x436: {  	[tilespmem:s25], [sflag:$0x2] =	stream.indirect_vreg.gather [hbm4b:s10+s3], $0x80, v47, vm0, $0xb8;
	[tilespmem:$0x1DA00] =	vst v63  }
0x437: {  	v53 =	vperm.xlane v18, v12;
	v52 =	vadd.s32 v3, v51;
	s25 =	simm.s32 $0x19E00  }
0x438: {  	[tilespmem:s25], [sflag:$0x2] =	stream.indirect_vreg.gather [hbm4b:s10+s3], $0x80, v49, vm0, $0xb8;
	[tilespmem:$0x1DA00] =	vst v63  }
0x439: {  	v55 =	vperm.xlane v18, v13;
	v54 =	vadd.s32 v3, v53;
	s25 =	simm.s32 $0x19E80  }
0x43a: {  	[tilespmem:s25], [sflag:$0x2] =	stream.indirect_vreg.gather [hbm4b:s10+s3], $0x80, v19, vm0, $0xb8;
	[tilespmem:$0x1DA00] =	vst v63  }
0x43b: {  	v56 =	vperm.xlane v18, v14;
	v19 =	vadd.s32 v3, v55;
	s25 =	simm.s32 $0x19F00  }
0x43c: {  	[tilespmem:s25], [sflag:$0x2] =	stream.indirect_vreg.gather [hbm4b:s10+s3], $0x80, v52, vm0, $0xb8;
	[tilespmem:$0x1DA00] =	vst v63  }
0x43d: {  	v58 =	vperm.xlane v18, v15;
	v57 =	vadd.s32 v3, v56;
	s25 =	simm.s32 $0x19F80  }
0x43e: {  	[tilespmem:s25], [sflag:$0x2] =	stream.indirect_vreg.gather [hbm4b:s10+s3], $0x80, v54, vm0, $0xb8;
	[tilespmem:$0x1DA00] =	vst v63  }
0x43f: {  	v18 =	vperm.xlane v18, v16;
	v59 =	vadd.s32 v3, v58;
	s25 =	simm.s32 $0x1A000  }
0x440: {  	[tilespmem:s25], [sflag:$0x2] =	stream.indirect_vreg.gather [hbm4b:s10+s3], $0x80, v19, vm0, $0xb8;
	[tilespmem:$0x1DA00] =	vst v63  }
0x441: {  	v18 =	vadd.s32 v3, v18;
	s25 =	simm.s32 $0x1A080  }
0x442: {  	[tilespmem:s25], [sflag:$0x2] =	stream.indirect_vreg.gather [hbm4b:s10+s3], $0x80, v57, vm0, $0xb8;
	[tilespmem:$0x1DA00] =	vst v63  }
0x443: {  	s25 =	simm.s32 $0x1A100  }
0x444: {  	[tilespmem:s25], [sflag:$0x2] =	stream.indirect_vreg.gather [hbm4b:s10+s3], $0x80, v59, vm0, $0xb8;
	[tilespmem:$0x1DA00] =	vst v63  }
0x445: {  	s25 =	simm.s32 $0x1A180  }
0x446: {  	[tilespmem:s25], [sflag:$0x2] =	stream.indirect_vreg.gather [hbm4b:s10+s3], $0x80, v18, vm0, $0xb8;
	[tilespmem:$0x1DA00] =	vst v63  }
0x447: {  	v18 =	vld [tilespmem:s29+$0x139F0];
	_ =	sdelay $0x4  }
0x448: {  	v19 =	vshll.u32 v18, $0x1  }
0x449: {  	v18 =	vand.u32 $0x7, v18;
	v19 =	vand.u32 $0xFFFFFFF0, v19  }
0x44a: {  	v18 =	vor.u32 v18, v19  }
0x44b: {  	v19 =	vperm.xlane v18, v2;
	_ =	sdelay $0x1  }
0x44c: {  	v60 =	vperm.xlane v18, v1;
	v19 =	vadd.s32 v3, v19;
	_ =	sdelay $0x1  }
0x44d: {  	v61 =	vperm.xlane v18, v4;
	v20 =	vadd.s32 v3, v60;
	_ =	sdelay $0x1  }
0x44e: {  	s25 =	simm.s32 $0x1A200;
	v62 =	vperm.xlane v18, v5;
	v21 =	vadd.s32 v3, v61  }
0x44f: {  	[tilespmem:s25], [sflag:$0x2] =	stream.indirect_vreg.gather [hbm4b:s10+s3], $0x80, v19, vm0, $0xb8;
	[tilespmem:$0x1DA00] =	vst v63  }
0x450: {  	v63 =	vperm.xlane v18, v6;
	v19 =	vadd.s32 v3, v62;
	s25 =	simm.s32 $0x1A280  }
0x451: {  	[tilespmem:s25], [sflag:$0x2] =	stream.indirect_vreg.gather [hbm4b:s10+s3], $0x80, v20, vm0, $0xb8;
	[tilespmem:$0x1DA00] =	vst v63  }
0x452: {  	v25 =	vperm.xlane v18, v7;
	v24 =	vadd.s32 v3, v63;
	s25 =	simm.s32 $0x1A300  }
0x453: {  	[tilespmem:s25], [sflag:$0x2] =	stream.indirect_vreg.gather [hbm4b:s10+s3], $0x80, v21, vm0, $0xb8;
	[tilespmem:$0x1DA00] =	vst v63  }
0x454: {  	v27 =	vperm.xlane v18, v8;
	v26 =	vadd.s32 v3, v25;
	s25 =	simm.s32 $0x1A380  }
0x455: {  	[tilespmem:s25], [sflag:$0x2] =	stream.indirect_vreg.gather [hbm4b:s10+s3], $0x80, v19, vm0, $0xb8;
	[tilespmem:$0x1DA00] =	vst v63  }
0x456: {  	v28 =	vperm.xlane v18, v0;
	v19 =	vadd.s32 v3, v27;
	s25 =	simm.s32 $0x1A400  }
0x457: {  	[tilespmem:s25], [sflag:$0x2] =	stream.indirect_vreg.gather [hbm4b:s10+s3], $0x80, v24, vm0, $0xb8;
	[tilespmem:$0x1DA00] =	vst v63  }
0x458: {  	v30 =	vperm.xlane v18, v9;
	v29 =	vadd.s32 v3, v28;
	s25 =	simm.s32 $0x1A480  }
0x459: {  	[tilespmem:s25], [sflag:$0x2] =	stream.indirect_vreg.gather [hbm4b:s10+s3], $0x80, v26, vm0, $0xb8;
	[tilespmem:$0x1DA00] =	vst v63  }
0x45a: {  	v32 =	vperm.xlane v18, v10;
	v31 =	vadd.s32 v3, v30;
	s25 =	simm.s32 $0x1A500  }
0x45b: {  	[tilespmem:s25], [sflag:$0x2] =	stream.indirect_vreg.gather [hbm4b:s10+s3], $0x80, v19, vm0, $0xb8;
	[tilespmem:$0x1DA00] =	vst v63  }
0x45c: {  	v33 =	vperm.xlane v18, v11;
	v19 =	vadd.s32 v3, v32;
	s25 =	simm.s32 $0x1A580  }
0x45d: {  	[tilespmem:s25], [sflag:$0x2] =	stream.indirect_vreg.gather [hbm4b:s10+s3], $0x80, v29, vm0, $0xb8;
	[tilespmem:$0x1DA00] =	vst v63  }
0x45e: {  	v35 =	vperm.xlane v18, v12;
	v34 =	vadd.s32 v3, v33;
	s25 =	simm.s32 $0x1A600  }
0x45f: {  	[tilespmem:s25], [sflag:$0x2] =	stream.indirect_vreg.gather [hbm4b:s10+s3], $0x80, v31, vm0, $0xb8;
	[tilespmem:$0x1DA00] =	vst v63  }
0x460: {  	v37 =	vperm.xlane v18, v13;
	v36 =	vadd.s32 v3, v35;
	s25 =	simm.s32 $0x1A680  }
0x461: {  	[tilespmem:s25], [sflag:$0x2] =	stream.indirect_vreg.gather [hbm4b:s10+s3], $0x80, v19, vm0, $0xb8;
	[tilespmem:$0x1DA00] =	vst v63  }
0x462: {  	v38 =	vperm.xlane v18, v14;
	v19 =	vadd.s32 v3, v37;
	s25 =	simm.s32 $0x1A700  }
0x463: {  	[tilespmem:s25], [sflag:$0x2] =	stream.indirect_vreg.gather [hbm4b:s10+s3], $0x80, v34, vm0, $0xb8;
	[tilespmem:$0x1DA00] =	vst v63  }
0x464: {  	v40 =	vperm.xlane v18, v15;
	v39 =	vadd.s32 v3, v38;
	s25 =	simm.s32 $0x1A780  }
0x465: {  	[tilespmem:s25], [sflag:$0x2] =	stream.indirect_vreg.gather [hbm4b:s10+s3], $0x80, v36, vm0, $0xb8;
	[tilespmem:$0x1DA00] =	vst v63  }
0x466: {  	v18 =	vperm.xlane v18, v16;
	v41 =	vadd.s32 v3, v40;
	s25 =	simm.s32 $0x1A800  }
0x467: {  	[tilespmem:s25], [sflag:$0x2] =	stream.indirect_vreg.gather [hbm4b:s10+s3], $0x80, v19, vm0, $0xb8;
	[tilespmem:$0x1DA00] =	vst v63  }
0x468: {  	v18 =	vadd.s32 v3, v18;
	s25 =	simm.s32 $0x1A880  }
0x469: {  	[tilespmem:s25], [sflag:$0x2] =	stream.indirect_vreg.gather [hbm4b:s10+s3], $0x80, v39, vm0, $0xb8;
	[tilespmem:$0x1DA00] =	vst v63  }
0x46a: {  	s25 =	simm.s32 $0x1A900  }
0x46b: {  	[tilespmem:s25], [sflag:$0x2] =	stream.indirect_vreg.gather [hbm4b:s10+s3], $0x80, v41, vm0, $0xb8;
	[tilespmem:$0x1DA00] =	vst v63  }
0x46c: {  	s25 =	simm.s32 $0x1A980  }
0x46d: {  	[tilespmem:s25], [sflag:$0x2] =	stream.indirect_vreg.gather [hbm4b:s10+s3], $0x80, v18, vm0, $0xb8;
	[tilespmem:$0x1DA00] =	vst v63  }
0x46e: {  	v18 =	vld [tilespmem:s29+$0x13A00];
	_ =	sdelay $0x4  }
0x46f: {  	v19 =	vshll.u32 v18, $0x1  }
0x470: {  	v18 =	vand.u32 $0x7, v18;
	v19 =	vand.u32 $0xFFFFFFF0, v19  }
0x471: {  	v18 =	vor.u32 v18, v19  }
0x472: {  	v19 =	vperm.xlane v18, v2;
	_ =	sdelay $0x1  }
0x473: {  	v42 =	vperm.xlane v18, v1;
	v19 =	vadd.s32 v3, v19;
	_ =	sdelay $0x1  }
0x474: {  	v43 =	vperm.xlane v18, v4;
	v20 =	vadd.s32 v3, v42;
	_ =	sdelay $0x1  }
0x475: {  	s25 =	simm.s32 $0x1AA00;
	v44 =	vperm.xlane v18, v5;
	v21 =	vadd.s32 v3, v43  }
0x476: {  	[tilespmem:s25], [sflag:$0x2] =	stream.indirect_vreg.gather [hbm4b:s10+s3], $0x80, v19, vm0, $0xb8;
	[tilespmem:$0x1DA00] =	vst v63  }
0x477: {  	s29 =	simm.s32 $0x1AA80;
	v45 =	vperm.xlane v18, v6;
	v19 =	vadd.s32 v3, v44  }
0x478: {  	[tilespmem:s29], [sflag:$0x2] =	stream.indirect_vreg.gather [hbm4b:s10+s3], $0x80, v20, vm0, $0xb8;
	[tilespmem:$0x1DA00] =	vst v63  }
0x479: {  	v47 =	vperm.xlane v18, v7;
	v46 =	vadd.s32 v3, v45;
	s25 =	simm.s32 $0x1AB00  }
0x47a: {  	[tilespmem:s25], [sflag:$0x2] =	stream.indirect_vreg.gather [hbm4b:s10+s3], $0x80, v21, vm0, $0xb8;
	[tilespmem:$0x1DA00] =	vst v63  }
0x47b: {  	v49 =	vperm.xlane v18, v8;
	v48 =	vadd.s32 v3, v47;
	s29 =	simm.s32 $0x1AB80  }
0x47c: {  	[tilespmem:s29], [sflag:$0x2] =	stream.indirect_vreg.gather [hbm4b:s10+s3], $0x80, v19, vm0, $0xb8;
	[tilespmem:$0x1DA00] =	vst v63  }
0x47d: {  	v50 =	vperm.xlane v18, v0;
	s25 =	simm.s32 $0x1AC00;
	v19 =	vadd.s32 v3, v49  }
0x47e: {  	[tilespmem:s25], [sflag:$0x2] =	stream.indirect_vreg.gather [hbm4b:s10+s3], $0x80, v46, vm0, $0xb8;
	[tilespmem:$0x1DA00] =	vst v63  }
0x47f: {  	v52 =	vperm.xlane v18, v9;
	v51 =	vadd.s32 v3, v50;
	s29 =	simm.s32 $0x1AC80  }
0x480: {  	[tilespmem:s29], [sflag:$0x2] =	stream.indirect_vreg.gather [hbm4b:s10+s3], $0x80, v48, vm0, $0xb8;
	[tilespmem:$0x1DA00] =	vst v63  }
0x481: {  	v54 =	vperm.xlane v18, v10;
	v53 =	vadd.s32 v3, v52;
	s25 =	simm.s32 $0x1AD00  }
0x482: {  	[tilespmem:s25], [sflag:$0x2] =	stream.indirect_vreg.gather [hbm4b:s10+s3], $0x80, v19, vm0, $0xb8;
	[tilespmem:$0x1DA00] =	vst v63  }
0x483: {  	v55 =	vperm.xlane v18, v11;
	s29 =	simm.s32 $0x1AD80;
	v19 =	vadd.s32 v3, v54  }
0x484: {  	[tilespmem:s29], [sflag:$0x2] =	stream.indirect_vreg.gather [hbm4b:s10+s3], $0x80, v51, vm0, $0xb8;
	[tilespmem:$0x1DA00] =	vst v63  }
0x485: {  	v57 =	vperm.xlane v18, v12;
	v56 =	vadd.s32 v3, v55;
	s25 =	simm.s32 $0x1AE00  }
0x486: {  	[tilespmem:s25], [sflag:$0x2] =	stream.indirect_vreg.gather [hbm4b:s10+s3], $0x80, v53, vm0, $0xb8;
	[tilespmem:$0x1DA00] =	vst v63  }
0x487: {  	v59 =	vperm.xlane v18, v13;
	v58 =	vadd.s32 v3, v57;
	s29 =	simm.s32 $0x1AE80  }
0x488: {  	[tilespmem:s29], [sflag:$0x2] =	stream.indirect_vreg.gather [hbm4b:s10+s3], $0x80, v19, vm0, $0xb8;
	[tilespmem:$0x1DA00] =	vst v63  }
0x489: {  	v60 =	vperm.xlane v18, v14;
	s25 =	simm.s32 $0x1AF00;
	v19 =	vadd.s32 v3, v59  }
0x48a: {  	[tilespmem:s25], [sflag:$0x2] =	stream.indirect_vreg.gather [hbm4b:s10+s3], $0x80, v56, vm0, $0xb8;
	[tilespmem:$0x1DA00] =	vst v63  }
0x48b: {  	v61 =	vadd.s32 v3, v60;
	s29 =	simm.s32 $0x1AF80  }
0x48c: {  	v62 =	vperm.xlane v18, v15;
	[tilespmem:s29], [sflag:$0x2] =	stream.indirect_vreg.gather [hbm4b:s10+s3], $0x80, v58, vm0, $0xb8;
	[tilespmem:$0x1DA00] =	vst v63  }
0x48d: {  	s23 =	sadd.s32 $0x3C0, s23;
	s25 =	simm.s32 $0x1B000  }
0x48e: {  	v18 =	vperm.xlane v18, v16;
	v63 =	vadd.s32 v3, v62;
	[tilespmem:s25], [sflag:$0x2] =	stream.indirect_vreg.gather [hbm4b:s10+s3], $0x80, v19, vm0, $0xb8;
	[tilespmem:$0x1DA00] =	vst v63  }
0x48f: {  	p1 =	sne.s32 s23, $0x99C0;
	s29 =	simm.s32 $0x1B080  }
0x490: {  	v18 =	vadd.s32 v3, v18;
	[tilespmem:s29], [sflag:$0x2] =	stream.indirect_vreg.gather [hbm4b:s10+s3], $0x80, v61, vm0, $0xb8;
	[tilespmem:$0x1DA00] =	vst v63  }
.Ltmp4:
0x491: {  	_ = 	snop;
	(pc) =	sbr.rel @!p1 .LBB2_8-.Ltmp4, $4  }
0x492: {  	s25 =	simm.s32 $0x1B100  }
0x493: {  	[tilespmem:s25], [sflag:$0x2] =	stream.indirect_vreg.gather [hbm4b:s10+s3], $0x80, v63, vm0, $0xb8;
	[tilespmem:$0x1DA00] =	vst v63  }
0x494: {  	s20 =	sadd.s32 $0xF0, s20;
	s30 =	sadd.s32 $0x1E, s30;
	s29 =	simm.s32 $0x1B180  }
0x495: {  	[tilespmem:s29], [sflag:$0x2] =	stream.indirect_vreg.gather [hbm4b:s10+s3], $0x80, v18, vm0, $0xb8;
	[tilespmem:$0x1DA00] =	vst v63  }
.LBB2_4:
0x496: {  	_ =	swait.ge [sflag:s12], $0x50  }
0x497: {  	p1 =	sne.s32 s23, $0x0;
	[sflag:s12] =	ssyncset.done $0x0  }
.Ltmp5:
0x498: {  	[sflag:s12] =	ssyncadd.s32 $0xFFFFFFB0;
	(pc) =	sbr.rel @p1 .LBB2_6-.Ltmp5, $4  }
0x499: {  	_ =	swait.ge [sflag:s13], $0x2800  }
0x49a: {  	[sflag:s13] =	ssyncset.done $0x0  }
0x49b: {  	[sflag:s13] =	ssyncadd.s32 $0xFFFFD800  }
0x49c: {  	[spmem:s2] =	stream.indirect.scatter.add.f32 [tilespmem:s8], [sflag:$0x4], $0x80, s1, s14, $0xb8;
	[tilespmem:$0x1DA00] =	vst v63  }
0x49d: {  	s29 =	simm.s32 $0x0;
	s24 =	rddreg [dreg:$0x1c]  }
0x49e: {  	[tilespmem:s15], [sflag:$0x9] =	stream.linear.gather [hbm4b:s24+s29], $0x50, $0x38;
	[tilespmem:$0x1DA00] =	vst v63  }
0x49f: {  	v18 =	vld [tilespmem:$0x13920];
	_ =	sdelay $0x4  }
0x4a0: {  	v19 =	vshll.u32 v18, $0x1  }
0x4a1: {  	v18 =	vand.u32 $0x7, v18;
	v19 =	vand.u32 $0xFFFFFFF0, v19  }
0x4a2: {  	v18 =	vor.u32 v18, v19  }
0x4a3: {  	v19 =	vperm.xlane v18, v2;
	_ =	sdelay $0x1  }
0x4a4: {  	v20 =	vperm.xlane v18, v1;
	v19 =	vadd.s32 v3, v19;
	_ =	sdelay $0x1  }
0x4a5: {  	v21 =	vperm.xlane v18, v4;
	v20 =	vadd.s32 v3, v20;
	_ =	sdelay $0x1  }
0x4a6: {  	v22 =	vperm.xlane v18, v5;
	v21 =	vadd.s32 v3, v21  }
0x4a7: {  	[tilespmem:s16], [sflag:$0x3] =	stream.indirect_vreg.gather [hbm4b:s10+s29], $0x80, v19, vm0, $0xb8;
	[tilespmem:$0x1DA00] =	vst v63  }
0x4a8: {  	s25 =	simm.s32 $0x1B280;
	v59 =	vperm.xlane v18, v6;
	v19 =	vadd.s32 v3, v22  }
0x4a9: {  	[tilespmem:s25], [sflag:$0x3] =	stream.indirect_vreg.gather [hbm4b:s10+s29], $0x80, v20, vm0, $0xb8;
	[tilespmem:$0x1DA00] =	vst v63  }
0x4aa: {  	v61 =	vperm.xlane v18, v7;
	v60 =	vadd.s32 v3, v59;
	s25 =	simm.s32 $0x1B300  }
0x4ab: {  	[tilespmem:s25], [sflag:$0x3] =	stream.indirect_vreg.gather [hbm4b:s10+s29], $0x80, v21, vm0, $0xb8;
	[tilespmem:$0x1DA00] =	vst v63  }
0x4ac: {  	v63 =	vperm.xlane v18, v8;
	v62 =	vadd.s32 v3, v61;
	s25 =	simm.s32 $0x1B380  }
0x4ad: {  	[tilespmem:s25], [sflag:$0x3] =	stream.indirect_vreg.gather [hbm4b:s10+s29], $0x80, v19, vm0, $0xb8;
	[tilespmem:$0x1DA00] =	vst v63  }
0x4ae: {  	v24 =	vperm.xlane v18, v0;
	v19 =	vadd.s32 v3, v63;
	s25 =	simm.s32 $0x1B400  }
0x4af: {  	[tilespmem:s25], [sflag:$0x3] =	stream.indirect_vreg.gather [hbm4b:s10+s29], $0x80, v60, vm0, $0xb8;
	[tilespmem:$0x1DA00] =	vst v63  }
0x4b0: {  	v26 =	vperm.xlane v18, v9;
	v25 =	vadd.s32 v3, v24;
	s25 =	simm.s32 $0x1B480  }
0x4b1: {  	[tilespmem:s25], [sflag:$0x3] =	stream.indirect_vreg.gather [hbm4b:s10+s29], $0x80, v62, vm0, $0xb8;
	[tilespmem:$0x1DA00] =	vst v63  }
0x4b2: {  	v28 =	vperm.xlane v18, v10;
	v27 =	vadd.s32 v3, v26;
	s25 =	simm.s32 $0x1B500  }
0x4b3: {  	[tilespmem:s25], [sflag:$0x3] =	stream.indirect_vreg.gather [hbm4b:s10+s29], $0x80, v19, vm0, $0xb8;
	[tilespmem:$0x1DA00] =	vst v63  }
0x4b4: {  	v29 =	vperm.xlane v18, v11;
	v19 =	vadd.s32 v3, v28;
	s25 =	simm.s32 $0x1B580  }
0x4b5: {  	[tilespmem:s25], [sflag:$0x3] =	stream.indirect_vreg.gather [hbm4b:s10+s29], $0x80, v25, vm0, $0xb8;
	[tilespmem:$0x1DA00] =	vst v63  }
0x4b6: {  	v31 =	vperm.xlane v18, v12;
	v30 =	vadd.s32 v3, v29;
	s25 =	simm.s32 $0x1B600  }
0x4b7: {  	[tilespmem:s25], [sflag:$0x3] =	stream.indirect_vreg.gather [hbm4b:s10+s29], $0x80, v27, vm0, $0xb8;
	[tilespmem:$0x1DA00] =	vst v63  }
0x4b8: {  	v33 =	vperm.xlane v18, v13;
	v32 =	vadd.s32 v3, v31;
	s25 =	simm.s32 $0x1B680  }
0x4b9: {  	[tilespmem:s25], [sflag:$0x3] =	stream.indirect_vreg.gather [hbm4b:s10+s29], $0x80, v19, vm0, $0xb8;
	[tilespmem:$0x1DA00] =	vst v63  }
0x4ba: {  	v34 =	vperm.xlane v18, v14;
	v19 =	vadd.s32 v3, v33;
	s25 =	simm.s32 $0x1B700  }
0x4bb: {  	[tilespmem:s25], [sflag:$0x3] =	stream.indirect_vreg.gather [hbm4b:s10+s29], $0x80, v30, vm0, $0xb8;
	[tilespmem:$0x1DA00] =	vst v63  }
0x4bc: {  	v36 =	vperm.xlane v18, v15;
	v35 =	vadd.s32 v3, v34;
	s25 =	simm.s32 $0x1B780  }
0x4bd: {  	[tilespmem:s25], [sflag:$0x3] =	stream.indirect_vreg.gather [hbm4b:s10+s29], $0x80, v32, vm0, $0xb8;
	[tilespmem:$0x1DA00] =	vst v63  }
0x4be: {  	v18 =	vperm.xlane v18, v16;
	v37 =	vadd.s32 v3, v36;
	s25 =	simm.s32 $0x1B800  }
0x4bf: {  	[tilespmem:s25], [sflag:$0x3] =	stream.indirect_vreg.gather [hbm4b:s10+s29], $0x80, v19, vm0, $0xb8;
	[tilespmem:$0x1DA00] =	vst v63  }
0x4c0: {  	v18 =	vadd.s32 v3, v18;
	s25 =	simm.s32 $0x1B880  }
0x4c1: {  	[tilespmem:s25], [sflag:$0x3] =	stream.indirect_vreg.gather [hbm4b:s10+s29], $0x80, v35, vm0, $0xb8;
	[tilespmem:$0x1DA00] =	vst v63  }
0x4c2: {  	s25 =	simm.s32 $0x1B900  }
0x4c3: {  	[tilespmem:s25], [sflag:$0x3] =	stream.indirect_vreg.gather [hbm4b:s10+s29], $0x80, v37, vm0, $0xb8;
	[tilespmem:$0x1DA00] =	vst v63  }
0x4c4: {  	s25 =	simm.s32 $0x1B980  }
0x4c5: {  	[tilespmem:s25], [sflag:$0x3] =	stream.indirect_vreg.gather [hbm4b:s10+s29], $0x80, v18, vm0, $0xb8;
	[tilespmem:$0x1DA00] =	vst v63  }
0x4c6: {  	v18 =	vld [tilespmem:$0x13930];
	_ =	sdelay $0x4  }
0x4c7: {  	v19 =	vshll.u32 v18, $0x1  }
0x4c8: {  	v18 =	vand.u32 $0x7, v18;
	v19 =	vand.u32 $0xFFFFFFF0, v19  }
0x4c9: {  	v18 =	vor.u32 v18, v19  }
0x4ca: {  	v19 =	vperm.xlane v18, v2;
	_ =	sdelay $0x1  }
0x4cb: {  	v38 =	vperm.xlane v18, v1;
	v19 =	vadd.s32 v3, v19;
	_ =	sdelay $0x1  }
0x4cc: {  	v39 =	vperm.xlane v18, v4;
	v20 =	vadd.s32 v3, v38;
	_ =	sdelay $0x1  }
0x4cd: {  	s25 =	simm.s32 $0x1BA00;
	v40 =	vperm.xlane v18, v5;
	v21 =	vadd.s32 v3, v39  }
0x4ce: {  	[tilespmem:s25], [sflag:$0x3] =	stream.indirect_vreg.gather [hbm4b:s10+s29], $0x80, v19, vm0, $0xb8;
	[tilespmem:$0x1DA00] =	vst v63  }
0x4cf: {  	v41 =	vperm.xlane v18, v6;
	v19 =	vadd.s32 v3, v40;
	s25 =	simm.s32 $0x1BA80  }
0x4d0: {  	[tilespmem:s25], [sflag:$0x3] =	stream.indirect_vreg.gather [hbm4b:s10+s29], $0x80, v20, vm0, $0xb8;
	[tilespmem:$0x1DA00] =	vst v63  }
0x4d1: {  	v43 =	vperm.xlane v18, v7;
	v42 =	vadd.s32 v3, v41;
	s25 =	simm.s32 $0x1BB00  }
0x4d2: {  	[tilespmem:s25], [sflag:$0x3] =	stream.indirect_vreg.gather [hbm4b:s10+s29], $0x80, v21, vm0, $0xb8;
	[tilespmem:$0x1DA00] =	vst v63  }
0x4d3: {  	v45 =	vperm.xlane v18, v8;
	v44 =	vadd.s32 v3, v43;
	s25 =	simm.s32 $0x1BB80  }
0x4d4: {  	[tilespmem:s25], [sflag:$0x3] =	stream.indirect_vreg.gather [hbm4b:s10+s29], $0x80, v19, vm0, $0xb8;
	[tilespmem:$0x1DA00] =	vst v63  }
0x4d5: {  	v46 =	vperm.xlane v18, v0;
	v19 =	vadd.s32 v3, v45;
	s25 =	simm.s32 $0x1BC00  }
0x4d6: {  	[tilespmem:s25], [sflag:$0x3] =	stream.indirect_vreg.gather [hbm4b:s10+s29], $0x80, v42, vm0, $0xb8;
	[tilespmem:$0x1DA00] =	vst v63  }
0x4d7: {  	v48 =	vperm.xlane v18, v9;
	v47 =	vadd.s32 v3, v46;
	s25 =	simm.s32 $0x1BC80  }
0x4d8: {  	[tilespmem:s25], [sflag:$0x3] =	stream.indirect_vreg.gather [hbm4b:s10+s29], $0x80, v44, vm0, $0xb8;
	[tilespmem:$0x1DA00] =	vst v63  }
0x4d9: {  	v50 =	vperm.xlane v18, v10;
	v49 =	vadd.s32 v3, v48;
	s25 =	simm.s32 $0x1BD00  }
0x4da: {  	[tilespmem:s25], [sflag:$0x3] =	stream.indirect_vreg.gather [hbm4b:s10+s29], $0x80, v19, vm0, $0xb8;
	[tilespmem:$0x1DA00] =	vst v63  }
0x4db: {  	v51 =	vperm.xlane v18, v11;
	v19 =	vadd.s32 v3, v50;
	s25 =	simm.s32 $0x1BD80  }
0x4dc: {  	[tilespmem:s25], [sflag:$0x3] =	stream.indirect_vreg.gather [hbm4b:s10+s29], $0x80, v47, vm0, $0xb8;
	[tilespmem:$0x1DA00] =	vst v63  }
0x4dd: {  	v53 =	vperm.xlane v18, v12;
	v52 =	vadd.s32 v3, v51;
	s25 =	simm.s32 $0x1BE00  }
0x4de: {  	[tilespmem:s25], [sflag:$0x3] =	stream.indirect_vreg.gather [hbm4b:s10+s29], $0x80, v49, vm0, $0xb8;
	[tilespmem:$0x1DA00] =	vst v63  }
0x4df: {  	v55 =	vperm.xlane v18, v13;
	v54 =	vadd.s32 v3, v53;
	s25 =	simm.s32 $0x1BE80  }
0x4e0: {  	[tilespmem:s25], [sflag:$0x3] =	stream.indirect_vreg.gather [hbm4b:s10+s29], $0x80, v19, vm0, $0xb8;
	[tilespmem:$0x1DA00] =	vst v63  }
0x4e1: {  	v56 =	vperm.xlane v18, v14;
	v19 =	vadd.s32 v3, v55;
	s25 =	simm.s32 $0x1BF00  }
0x4e2: {  	[tilespmem:s25], [sflag:$0x3] =	stream.indirect_vreg.gather [hbm4b:s10+s29], $0x80, v52, vm0, $0xb8;
	[tilespmem:$0x1DA00] =	vst v63  }
0x4e3: {  	v58 =	vperm.xlane v18, v15;
	v57 =	vadd.s32 v3, v56;
	s25 =	simm.s32 $0x1BF80  }
0x4e4: {  	[tilespmem:s25], [sflag:$0x3] =	stream.indirect_vreg.gather [hbm4b:s10+s29], $0x80, v54, vm0, $0xb8;
	[tilespmem:$0x1DA00] =	vst v63  }
0x4e5: {  	v18 =	vperm.xlane v18, v16;
	v59 =	vadd.s32 v3, v58;
	s25 =	simm.s32 $0x1C000  }
0x4e6: {  	[tilespmem:s25], [sflag:$0x3] =	stream.indirect_vreg.gather [hbm4b:s10+s29], $0x80, v19, vm0, $0xb8;
	[tilespmem:$0x1DA00] =	vst v63  }
0x4e7: {  	v18 =	vadd.s32 v3, v18;
	s25 =	simm.s32 $0x1C080  }
0x4e8: {  	[tilespmem:s25], [sflag:$0x3] =	stream.indirect_vreg.gather [hbm4b:s10+s29], $0x80, v57, vm0, $0xb8;
	[tilespmem:$0x1DA00] =	vst v63  }
0x4e9: {  	s25 =	simm.s32 $0x1C100  }
0x4ea: {  	[tilespmem:s25], [sflag:$0x3] =	stream.indirect_vreg.gather [hbm4b:s10+s29], $0x80, v59, vm0, $0xb8;
	[tilespmem:$0x1DA00] =	vst v63  }
0x4eb: {  	s25 =	simm.s32 $0x1C180  }
0x4ec: {  	[tilespmem:s25], [sflag:$0x3] =	stream.indirect_vreg.gather [hbm4b:s10+s29], $0x80, v18, vm0, $0xb8;
	[tilespmem:$0x1DA00] =	vst v63  }
0x4ed: {  	v18 =	vld [tilespmem:$0x13940];
	_ =	sdelay $0x4  }
0x4ee: {  	v19 =	vshll.u32 v18, $0x1  }
0x4ef: {  	v18 =	vand.u32 $0x7, v18;
	v19 =	vand.u32 $0xFFFFFFF0, v19  }
0x4f0: {  	v18 =	vor.u32 v18, v19  }
0x4f1: {  	v19 =	vperm.xlane v18, v2;
	_ =	sdelay $0x1  }
0x4f2: {  	v60 =	vperm.xlane v18, v1;
	v19 =	vadd.s32 v3, v19;
	_ =	sdelay $0x1  }
0x4f3: {  	v61 =	vperm.xlane v18, v4;
	v20 =	vadd.s32 v3, v60;
	_ =	sdelay $0x1  }
0x4f4: {  	s25 =	simm.s32 $0x1C200;
	v62 =	vperm.xlane v18, v5;
	v21 =	vadd.s32 v3, v61  }
0x4f5: {  	[tilespmem:s25], [sflag:$0x3] =	stream.indirect_vreg.gather [hbm4b:s10+s29], $0x80, v19, vm0, $0xb8;
	[tilespmem:$0x1DA00] =	vst v63  }
0x4f6: {  	v63 =	vperm.xlane v18, v6;
	v19 =	vadd.s32 v3, v62;
	s25 =	simm.s32 $0x1C280  }
0x4f7: {  	[tilespmem:s25], [sflag:$0x3] =	stream.indirect_vreg.gather [hbm4b:s10+s29], $0x80, v20, vm0, $0xb8;
	[tilespmem:$0x1DA00] =	vst v63  }
0x4f8: {  	v25 =	vperm.xlane v18, v7;
	v24 =	vadd.s32 v3, v63;
	s25 =	simm.s32 $0x1C300  }
0x4f9: {  	[tilespmem:s25], [sflag:$0x3] =	stream.indirect_vreg.gather [hbm4b:s10+s29], $0x80, v21, vm0, $0xb8;
	[tilespmem:$0x1DA00] =	vst v63  }
0x4fa: {  	v27 =	vperm.xlane v18, v8;
	v26 =	vadd.s32 v3, v25;
	s25 =	simm.s32 $0x1C380  }
0x4fb: {  	[tilespmem:s25], [sflag:$0x3] =	stream.indirect_vreg.gather [hbm4b:s10+s29], $0x80, v19, vm0, $0xb8;
	[tilespmem:$0x1DA00] =	vst v63  }
0x4fc: {  	v28 =	vperm.xlane v18, v0;
	v19 =	vadd.s32 v3, v27;
	s25 =	simm.s32 $0x1C400  }
0x4fd: {  	[tilespmem:s25], [sflag:$0x3] =	stream.indirect_vreg.gather [hbm4b:s10+s29], $0x80, v24, vm0, $0xb8;
	[tilespmem:$0x1DA00] =	vst v63  }
0x4fe: {  	v30 =	vperm.xlane v18, v9;
	v29 =	vadd.s32 v3, v28;
	s25 =	simm.s32 $0x1C480  }
0x4ff: {  	[tilespmem:s25], [sflag:$0x3] =	stream.indirect_vreg.gather [hbm4b:s10+s29], $0x80, v26, vm0, $0xb8;
	[tilespmem:$0x1DA00] =	vst v63  }
0x500: {  	v32 =	vperm.xlane v18, v10;
	v31 =	vadd.s32 v3, v30;
	s25 =	simm.s32 $0x1C500  }
0x501: {  	[tilespmem:s25], [sflag:$0x3] =	stream.indirect_vreg.gather [hbm4b:s10+s29], $0x80, v19, vm0, $0xb8;
	[tilespmem:$0x1DA00] =	vst v63  }
0x502: {  	v33 =	vperm.xlane v18, v11;
	v19 =	vadd.s32 v3, v32;
	s25 =	simm.s32 $0x1C580  }
0x503: {  	[tilespmem:s25], [sflag:$0x3] =	stream.indirect_vreg.gather [hbm4b:s10+s29], $0x80, v29, vm0, $0xb8;
	[tilespmem:$0x1DA00] =	vst v63  }
0x504: {  	v35 =	vperm.xlane v18, v12;
	v34 =	vadd.s32 v3, v33;
	s25 =	simm.s32 $0x1C600  }
0x505: {  	[tilespmem:s25], [sflag:$0x3] =	stream.indirect_vreg.gather [hbm4b:s10+s29], $0x80, v31, vm0, $0xb8;
	[tilespmem:$0x1DA00] =	vst v63  }
0x506: {  	v37 =	vperm.xlane v18, v13;
	v36 =	vadd.s32 v3, v35;
	s25 =	simm.s32 $0x1C680  }
0x507: {  	[tilespmem:s25], [sflag:$0x3] =	stream.indirect_vreg.gather [hbm4b:s10+s29], $0x80, v19, vm0, $0xb8;
	[tilespmem:$0x1DA00] =	vst v63  }
0x508: {  	v38 =	vperm.xlane v18, v14;
	v19 =	vadd.s32 v3, v37;
	s25 =	simm.s32 $0x1C700  }
0x509: {  	[tilespmem:s25], [sflag:$0x3] =	stream.indirect_vreg.gather [hbm4b:s10+s29], $0x80, v34, vm0, $0xb8;
	[tilespmem:$0x1DA00] =	vst v63  }
0x50a: {  	v40 =	vperm.xlane v18, v15;
	v39 =	vadd.s32 v3, v38;
	s25 =	simm.s32 $0x1C780  }
0x50b: {  	[tilespmem:s25], [sflag:$0x3] =	stream.indirect_vreg.gather [hbm4b:s10+s29], $0x80, v36, vm0, $0xb8;
	[tilespmem:$0x1DA00] =	vst v63  }
0x50c: {  	v18 =	vperm.xlane v18, v16;
	v41 =	vadd.s32 v3, v40;
	s25 =	simm.s32 $0x1C800  }
0x50d: {  	[tilespmem:s25], [sflag:$0x3] =	stream.indirect_vreg.gather [hbm4b:s10+s29], $0x80, v19, vm0, $0xb8;
	[tilespmem:$0x1DA00] =	vst v63  }
0x50e: {  	v18 =	vadd.s32 v3, v18;
	s25 =	simm.s32 $0x1C880  }
0x50f: {  	[tilespmem:s25], [sflag:$0x3] =	stream.indirect_vreg.gather [hbm4b:s10+s29], $0x80, v39, vm0, $0xb8;
	[tilespmem:$0x1DA00] =	vst v63  }
0x510: {  	s25 =	simm.s32 $0x1C900  }
0x511: {  	[tilespmem:s25], [sflag:$0x3] =	stream.indirect_vreg.gather [hbm4b:s10+s29], $0x80, v41, vm0, $0xb8;
	[tilespmem:$0x1DA00] =	vst v63  }
0x512: {  	s25 =	simm.s32 $0x1C980  }
0x513: {  	[tilespmem:s25], [sflag:$0x3] =	stream.indirect_vreg.gather [hbm4b:s10+s29], $0x80, v18, vm0, $0xb8;
	[tilespmem:$0x1DA00] =	vst v63  }
0x514: {  	v18 =	vld [tilespmem:$0x13950];
	_ =	sdelay $0x4  }
0x515: {  	v19 =	vshll.u32 v18, $0x1  }
0x516: {  	v18 =	vand.u32 $0x7, v18;
	v19 =	vand.u32 $0xFFFFFFF0, v19  }
0x517: {  	v18 =	vor.u32 v18, v19  }
0x518: {  	v19 =	vperm.xlane v18, v2;
	_ =	sdelay $0x1  }
0x519: {  	v42 =	vperm.xlane v18, v1;
	v19 =	vadd.s32 v3, v19;
	_ =	sdelay $0x1  }
0x51a: {  	v43 =	vperm.xlane v18, v4;
	v20 =	vadd.s32 v3, v42;
	_ =	sdelay $0x1  }
0x51b: {  	s25 =	simm.s32 $0x1CA00;
	v44 =	vperm.xlane v18, v5;
	v21 =	vadd.s32 v3, v43  }
0x51c: {  	[tilespmem:s25], [sflag:$0x3] =	stream.indirect_vreg.gather [hbm4b:s10+s29], $0x80, v19, vm0, $0xb8;
	[tilespmem:$0x1DA00] =	vst v63  }
0x51d: {  	v45 =	vperm.xlane v18, v6;
	v19 =	vadd.s32 v3, v44;
	s25 =	simm.s32 $0x1CA80  }
0x51e: {  	[tilespmem:s25], [sflag:$0x3] =	stream.indirect_vreg.gather [hbm4b:s10+s29], $0x80, v20, vm0, $0xb8;
	[tilespmem:$0x1DA00] =	vst v63  }
0x51f: {  	v47 =	vperm.xlane v18, v7;
	v46 =	vadd.s32 v3, v45;
	s25 =	simm.s32 $0x1CB00  }
0x520: {  	[tilespmem:s25], [sflag:$0x3] =	stream.indirect_vreg.gather [hbm4b:s10+s29], $0x80, v21, vm0, $0xb8;
	[tilespmem:$0x1DA00] =	vst v63  }
0x521: {  	v49 =	vperm.xlane v18, v8;
	v48 =	vadd.s32 v3, v47;
	s25 =	simm.s32 $0x1CB80  }
0x522: {  	[tilespmem:s25], [sflag:$0x3] =	stream.indirect_vreg.gather [hbm4b:s10+s29], $0x80, v19, vm0, $0xb8;
	[tilespmem:$0x1DA00] =	vst v63  }
0x523: {  	v50 =	vperm.xlane v18, v0;
	v19 =	vadd.s32 v3, v49;
	s25 =	simm.s32 $0x1CC00  }
0x524: {  	[tilespmem:s25], [sflag:$0x3] =	stream.indirect_vreg.gather [hbm4b:s10+s29], $0x80, v46, vm0, $0xb8;
	[tilespmem:$0x1DA00] =	vst v63  }
0x525: {  	v52 =	vperm.xlane v18, v9;
	v51 =	vadd.s32 v3, v50;
	s25 =	simm.s32 $0x1CC80  }
0x526: {  	[tilespmem:s25], [sflag:$0x3] =	stream.indirect_vreg.gather [hbm4b:s10+s29], $0x80, v48, vm0, $0xb8;
	[tilespmem:$0x1DA00] =	vst v63  }
0x527: {  	v54 =	vperm.xlane v18, v10;
	v53 =	vadd.s32 v3, v52;
	s25 =	simm.s32 $0x1CD00  }
0x528: {  	[tilespmem:s25], [sflag:$0x3] =	stream.indirect_vreg.gather [hbm4b:s10+s29], $0x80, v19, vm0, $0xb8;
	[tilespmem:$0x1DA00] =	vst v63  }
0x529: {  	v55 =	vperm.xlane v18, v11;
	v19 =	vadd.s32 v3, v54;
	s25 =	simm.s32 $0x1CD80  }
0x52a: {  	[tilespmem:s25], [sflag:$0x3] =	stream.indirect_vreg.gather [hbm4b:s10+s29], $0x80, v51, vm0, $0xb8;
	[tilespmem:$0x1DA00] =	vst v63  }
0x52b: {  	v57 =	vperm.xlane v18, v12;
	v56 =	vadd.s32 v3, v55;
	s25 =	simm.s32 $0x1CE00  }
0x52c: {  	[tilespmem:s25], [sflag:$0x3] =	stream.indirect_vreg.gather [hbm4b:s10+s29], $0x80, v53, vm0, $0xb8;
	[tilespmem:$0x1DA00] =	vst v63  }
0x52d: {  	v59 =	vperm.xlane v18, v13;
	v58 =	vadd.s32 v3, v57;
	s25 =	simm.s32 $0x1CE80  }
0x52e: {  	[tilespmem:s25], [sflag:$0x3] =	stream.indirect_vreg.gather [hbm4b:s10+s29], $0x80, v19, vm0, $0xb8;
	[tilespmem:$0x1DA00] =	vst v63  }
0x52f: {  	v60 =	vperm.xlane v18, v14;
	v19 =	vadd.s32 v3, v59;
	s25 =	simm.s32 $0x1CF00  }
0x530: {  	[tilespmem:s25], [sflag:$0x3] =	stream.indirect_vreg.gather [hbm4b:s10+s29], $0x80, v56, vm0, $0xb8;
	[tilespmem:$0x1DA00] =	vst v63  }
0x531: {  	v62 =	vperm.xlane v18, v15;
	v61 =	vadd.s32 v3, v60;
	s25 =	simm.s32 $0x1CF80  }
0x532: {  	[tilespmem:s25], [sflag:$0x3] =	stream.indirect_vreg.gather [hbm4b:s10+s29], $0x80, v58, vm0, $0xb8;
	[tilespmem:$0x1DA00] =	vst v63  }
0x533: {  	v18 =	vperm.xlane v18, v16;
	v63 =	vadd.s32 v3, v62;
	s25 =	simm.s32 $0x1D000  }
0x534: {  	[tilespmem:s25], [sflag:$0x3] =	stream.indirect_vreg.gather [hbm4b:s10+s29], $0x80, v19, vm0, $0xb8;
	[tilespmem:$0x1DA00] =	vst v63  }
0x535: {  	v18 =	vadd.s32 v3, v18;
	s25 =	simm.s32 $0x1D080  }
0x536: {  	[tilespmem:s25], [sflag:$0x3] =	stream.indirect_vreg.gather [hbm4b:s10+s29], $0x80, v61, vm0, $0xb8;
	[tilespmem:$0x1DA00] =	vst v63  }
.Ltmp6:
0x537: {  	s25 =	simm.s32 $0x1D100;
	(pc) =	sbr.rel .LBB2_7-.Ltmp6, $4  }
0x538: {  	[tilespmem:s25], [sflag:$0x3] =	stream.indirect_vreg.gather [hbm4b:s10+s29], $0x80, v63, vm0, $0xb8;
	[tilespmem:$0x1DA00] =	vst v63  }
0x539: {  	s25 =	simm.s32 $0x1D180  }
0x53a: {  	[tilespmem:s25], [sflag:$0x3] =	stream.indirect_vreg.gather [hbm4b:s10+s29], $0x80, v18, vm0, $0xb8;
	[tilespmem:$0x1DA00] =	vst v63  }
0x53b: {  	s25 =	simm.s32 $0x13960  }
.LBB2_9:
0x53c: {  	_ =	sfence.sel $0x180000  }
0x53d: {  	[bflag:$0x0] =	sbarrier.arrive $0xFFFF  }
0x53e: {  	_ =	strace $0x90000047  }
0x53f: {  	s0 =	stileid.u32;
	[bflag:$0x2] =	sbarrier.arrive $0xFFFF  }
0x540: {  	p0 =	sne.s32 s0, $0x0;
	s0 =	rddreg [dreg:$0x4]  }
0x541: {  	s0 =	sadd.s32 @!p0 $0x100000, s0  }
0x542: {  	[sflag:s0] =	ssyncadd.tile.s32 @!p0 $0x1;
	_ =	shalt  }
.Lfunc_end2:
_tile_overlayer_lowered:
.L_overlay_start_2:
0x543: {  	(tag) =	ssettag $0x2  }
0x544: {  	s0 =	rddreg [dreg:$0x0];
	s2 =	stileid.u32  }
0x545: {  	s1 =	rddreg [dreg:$0x1];
	p0 =	sne.s32 s2, $0x0  }
0x546: {  	s3 =	rddreg [dreg:$0x2];
	[bflag:$0x3] =	sbarrier.arrive $0xFFFF;
	s2 =	simm.s32 @!p0 $0x1C0A  }
0x547: {  	[timem:s3], [sflag:s2] =	dma.local @!p0 [hbm:s0], s1  }
0x548: {  	s0 =	simm.s32 @!p0 $0xA  }
0x549: {  	_ =	swait.ge @!p0 [sflag:s0], s1  }
0x54a: {  	s1 =	ssub.s32 @!p0 $0x0, s1;
	[sflag:s0] =	ssyncset.done @!p0 $0x0  }
0x54b: {  	[sflag:s0] =	ssyncadd.s32 @!p0 s1  }
0x54c: {  	[bflag:$0x3] =	sbarrier.arrive $0xFFFF  }
0x54d: {  	_ =	shalt  }

</sc_bundles>
